<compile_context>
chip_gen: v7x
topology: tpu7x:2x2x1
jax: 0.10.2.dev20260603
libtpu: 0.0.44.dev20260713+nightly
codegen_flags: <defaults>
</compile_context>

<pallas_src>
import functools

import jax
import jax.numpy as jnp
from jax import lax
from jax.experimental import pallas as pl
from jax.experimental.pallas import tpu as pltpu
from jax.experimental.pallas import tpu_sc as plsc

N = 10000
E = 160000
NW = 32
B = 128
NB = 40
E_PAD = NW * NB * B
N_ACC = 10240
RPS = N_ACC // 16

_MESH = plsc.VectorSubcoreMesh(core_axis_name="c", subcore_axis_name="s")


@functools.partial(
    pl.kernel, mesh=_MESH,
    out_type=jax.ShapeDtypeStruct((2, N_ACC, 128), jnp.float32),
    scratch_types=[
        pltpu.VMEM((NB, B), jnp.int32),
        pltpu.VMEM((NB, B), jnp.int32),
        pltpu.VMEM((B, 128), jnp.float32),
        pltpu.VMEM((B, 128), jnp.float32),
        pltpu.VMEM_SHARED((N_ACC, 128), jnp.float32),
        pltpu.SemaphoreType.DMA,
        pltpu.SemaphoreType.DMA,
    ],
)
def _agg(table_hbm, src_hbm, dst_hbm, zeros_hbm, out_hbm,
         src_v, dst_v, rows_a, rows_b, acc_sh, sga, sgb):
    c = lax.axis_index("c")
    s = lax.axis_index("s")
    wid = s * 2 + c
    pltpu.sync_copy(zeros_hbm, acc_sh.at[pl.ds(s * RPS, RPS)])
    pltpu.sync_copy(src_hbm.at[wid], src_v)
    pltpu.sync_copy(dst_hbm.at[wid], dst_v)
    plsc.subcore_barrier()

    pltpu.async_copy(table_hbm.at[src_v.at[0]], rows_a, sga)

    def body(h, carry):
        j0 = 2 * h
        pltpu.async_copy(table_hbm.at[src_v.at[j0 + 1]], rows_b, sgb)
        pltpu.make_async_copy(table_hbm.at[src_v.at[0]], rows_a, sga).wait()
        pltpu.sync_copy(rows_a, acc_sh.at[dst_v.at[j0]], add=True)

        @pl.when(h < NB // 2 - 1)
        def _():
            pltpu.async_copy(table_hbm.at[src_v.at[j0 + 2]], rows_a, sga)

        pltpu.make_async_copy(table_hbm.at[src_v.at[0]], rows_b, sgb).wait()
        pltpu.sync_copy(rows_b, acc_sh.at[dst_v.at[j0 + 1]], add=True)
        return carry

    lax.fori_loop(0, NB // 2, body, 0)
    plsc.subcore_barrier()
    pltpu.sync_copy(acc_sh.at[pl.ds(s * RPS, RPS)],
                    out_hbm.at[c, pl.ds(s * RPS, RPS)])


@functools.partial(
    pl.kernel, mesh=_MESH,
    out_type=jax.ShapeDtypeStruct((2, N_ACC, 128), jnp.float32),
    scratch_types=[
        pltpu.VMEM((NB, B), jnp.int32),
        pltpu.VMEM((B, 128), jnp.float32),
        pltpu.VMEM_SHARED((N_ACC, 128), jnp.float32),
        pltpu.SemaphoreType.DMA,
    ],
)
def _counts(ones_hbm, dst_hbm, zeros_hbm, out_hbm, dst_v, ones_v, acc_sh,
            sem):
    c = lax.axis_index("c")
    s = lax.axis_index("s")
    wid = s * 2 + c
    pltpu.sync_copy(zeros_hbm, acc_sh.at[pl.ds(s * RPS, RPS)])
    pltpu.sync_copy(dst_hbm.at[wid], dst_v)
    pltpu.sync_copy(ones_hbm, ones_v)
    plsc.subcore_barrier()

    def fire(j, carry):
        pltpu.async_copy(ones_v, acc_sh.at[dst_v.at[j]], sem, add=True)
        return carry

    def drain(j, carry):
        pltpu.make_async_copy(ones_v, acc_sh.at[dst_v.at[0]], sem).wait()
        return carry

    lax.fori_loop(0, NB, fire, 0)
    lax.fori_loop(0, NB, drain, 0)
    plsc.subcore_barrier()
    pltpu.sync_copy(acc_sh.at[pl.ds(s * RPS, RPS)],
                    out_hbm.at[c, pl.ds(s * RPS, RPS)])


def _dense(parts, cnt, x, Wl, b, Wr, relu):
    NP, D = x.shape
    F = Wl.shape[1]
    BN = 512

    def body(p_ref, c_ref, x_ref, wl_ref, b_ref, wr_ref, o_ref):
        cnt_b = jnp.maximum(c_ref[0] + c_ref[1], 1.0)
        mean = (p_ref[0] + p_ref[1]) / cnt_b
        acc = jnp.dot(mean, wl_ref[...], preferred_element_type=jnp.float32)
        acc = acc + jnp.dot(x_ref[...], wr_ref[...],
                            preferred_element_type=jnp.float32)
        acc = acc + b_ref[...]
        if relu:
            acc = jnp.maximum(acc, 0.0)
        o_ref[...] = acc

    return pl.pallas_call(
        body,
        grid=(NP // BN,),
        in_specs=[
            pl.BlockSpec((2, BN, D), lambda i: (0, i, 0)),
            pl.BlockSpec((2, BN, 1), lambda i: (0, i, 0)),
            pl.BlockSpec((BN, D), lambda i: (i, 0)),
            pl.BlockSpec((D, F), lambda i: (0, 0)),
            pl.BlockSpec((1, F), lambda i: (0, 0)),
            pl.BlockSpec((D, F), lambda i: (0, 0)),
        ],
        out_specs=pl.BlockSpec((BN, F), lambda i: (i, 0)),
        out_shape=jax.ShapeDtypeStruct((NP, F), jnp.float32),
    )(parts, cnt, x, Wl, b, Wr)


def kernel(x, edge_index, W1l, b1l, W1r, W2l, b2l, W2r):
    src = edge_index[0]
    dst = edge_index[1]
    pad = E_PAD - E
    src_p = jnp.concatenate([src, jnp.zeros((pad,), jnp.int32)])
    dst_p = jnp.concatenate([dst, jnp.full((pad,), N, jnp.int32)])
    src3 = src_p.reshape(NW, NB, B)
    dst3 = dst_p.reshape(NW, NB, B)
    zeros = jnp.zeros((RPS, 128), jnp.float32)
    ones = jnp.ones((B, 128), jnp.float32)

    cntp = _counts(ones, dst3, zeros)
    cnt = cntp[:, :, 0:1]

    def agg(table):
        return _agg(table, src3, dst3, zeros)

    p0 = agg(x[:, :128])
    p1 = agg(x[:, 128:])
    parts1 = jnp.concatenate([p0, p1], axis=2)

    x_pad = jnp.pad(x, ((0, N_ACC - N), (0, 0)))
    h = _dense(parts1, cnt, x_pad, W1l, b1l.reshape(1, -1), W1r, relu=True)

    p2 = [agg(h[:, k * 128:(k + 1) * 128]) for k in range(4)]
    parts2 = jnp.concatenate(p2, axis=2)
    out = _dense(parts2, cnt, h, W2l, b2l.reshape(1, -1), W2r, relu=False)
    return out[:N]

# --- scband reference (transcript-rebuilt; emitter-appended) ---
"""Pipeline reference for scband-gnnencoder-58016418234916 (READ-ONLY COPY).

The authoritative reference and input builder live on the scoring server;
editing this copy changes nothing except your own understanding.
"""

import jax, jax.numpy as jnp
import numpy as np

N = 10000
E = 160000
D_IN = 256
D_HID = 512
D_OUT = 512


def setup_inputs(seed: int = 0) -> dict:
    key = jax.random.key(seed)
    ks = jax.random.split(key, 8)
    x = jax.random.normal(ks[0], (N, D_IN), dtype=jnp.float32)
    edge_index = jax.random.randint(ks[1], (2, E), 0, N, dtype=jnp.int32)
    s1 = 1.0 / np.sqrt(D_IN)
    s2 = 1.0 / np.sqrt(D_HID)
    # PyG SAGEConv params: lin_l (applied to mean-aggregated neighbors, has bias),
    # lin_r (applied to root features, no bias). Stored as [in, out].
    W1l = jax.random.uniform(ks[2], (D_IN, D_HID), jnp.float32, -s1, s1)
    b1l = jax.random.uniform(ks[3], (D_HID,), jnp.float32, -s1, s1)
    W1r = jax.random.uniform(ks[4], (D_IN, D_HID), jnp.float32, -s1, s1)
    W2l = jax.random.uniform(ks[5], (D_HID, D_OUT), jnp.float32, -s2, s2)
    b2l = jax.random.uniform(ks[6], (D_OUT,), jnp.float32, -s2, s2)
    W2r = jax.random.uniform(ks[7], (D_HID, D_OUT), jnp.float32, -s2, s2)
    return {"x": x, "edge_index": edge_index, "W1l": W1l, "b1l": b1l, "W1r": W1r,
            "W2l": W2l, "b2l": b2l, "W2r": W2r}


def _sage_conv(x, edge_index, Wl, bl, Wr, num_nodes):
    src = edge_index[0]
    dst = edge_index[1]
    msgs = jnp.take(x, src, axis=0)                      # gather source features
    agg = jax.ops.segment_sum(msgs, dst, num_segments=num_nodes)
    cnt = jax.ops.segment_sum(jnp.ones((msgs.shape[0],), dtype=x.dtype), dst,
                              num_segments=num_nodes)
    mean = agg / jnp.clip(cnt, 1.0, None)[:, None]       # mean aggregation
    return mean @ Wl + bl + x @ Wr


def reference(x, edge_index, W1l, b1l, W1r, W2l, b2l, W2r):
    h = _sage_conv(x, edge_index, W1l, b1l, W1r, N)
    h = jax.nn.relu(h)
    out = _sage_conv(h, edge_index, W2l, b2l, W2r, N)
    return out

if __name__ == "__main__":
    import jax
    _d = setup_inputs()
    print(jax.jit(kernel)(*tuple(_d.values())))

</pallas_src>

<mosaic_0001>
#map = affine_map<(d0, d1) -> (0, 0)>
#map1 = affine_map<(d0, d1) -> (0, 0, 0)>
module attributes {stable_mosaic.version = 14 : i64} {
  func.func @_counts(%arg0: i32, %arg1: i32, %arg2: memref<128x128xf32, #tpu.memory_space<hbm>>, %arg3: memref<32x40x128xi32, #tpu.memory_space<hbm>>, %arg4: memref<640x128xf32, #tpu.memory_space<hbm>>, %arg5: memref<2x10240x128xf32, #tpu.memory_space<hbm>>, %arg6: memref<40x128xi32, #tpu.memory_space<vmem>>, %arg7: memref<128x128xf32, #tpu.memory_space<vmem>>, %arg8: memref<10240x128xf32, #tpu.memory_space<vmem_shared>>, %arg9: memref<!tpu.dma_semaphore, #tpu.memory_space<semaphore_mem>>) attributes {dimension_semantics = [#tpu.dimension_semantics<core_parallel>, #tpu.dimension_semantics<subcore_parallel>], iteration_bounds = array<i64: 2, 16>, scalar_prefetch = 0 : i64, scratch_operands = 4 : i64, tpu.core_type = #tpu.core_type<sc_vector_subcore>, window_params = [{transform_indices = #map}, {transform_indices = #map1}, {transform_indices = #map}, {transform_indices = #map1}]} {
    %mul3A = arith.constant 2 : i32
    %mul3A_0 = arith.muli %arg1, %mul3A : i32
    %add3A = arith.addi %mul3A_0, %arg0 : i32
    %mul3A_1 = arith.constant 640 : i32
    %mul3A_2 = arith.muli %arg1, %mul3A_1 : i32
    "tpu.region"() ({
      %run_scoped3A = tpu.sem_alloc : memref<!tpu.dma_semaphore, #tpu.memory_space<semaphore_mem>>
      %dma_start3A = arith.constant 0 : i32
      %dma_start3A_19 = tpu.memref_slice %arg8[%mul3A_2, %dma_start3A] : memref<10240x128xf32, #tpu.memory_space<vmem_shared>> -> memref<640x128xf32, #tpu.memory_space<vmem_shared>>
      tpu.enqueue_dma source(%arg4 : memref<640x128xf32, #tpu.memory_space<hbm>>) target(%dma_start3A_19 : memref<640x128xf32, #tpu.memory_space<vmem_shared>>) target_semaphore(%run_scoped3A : memref<!tpu.dma_semaphore, #tpu.memory_space<semaphore_mem>>)
      %dma_wait3A = arith.constant 0 : i32
      %dma_wait3A_20 = tpu.memref_slice %arg8[%mul3A_2, %dma_wait3A] : memref<10240x128xf32, #tpu.memory_space<vmem_shared>> -> memref<640x128xf32, #tpu.memory_space<vmem_shared>>
      tpu.wait_dma2 semaphore(%run_scoped3A : memref<!tpu.dma_semaphore, #tpu.memory_space<semaphore_mem>>) src(%arg4 : memref<640x128xf32, #tpu.memory_space<hbm>>) dst(%dma_wait3A_20 : memref<640x128xf32, #tpu.memory_space<vmem_shared>>)
      tpu.yield
    }) : () -> ()
    "tpu.region"() ({
      %run_scoped3A = tpu.sem_alloc : memref<!tpu.dma_semaphore, #tpu.memory_space<semaphore_mem>>
      %dma_start3A = arith.constant 0 : i32
      %dma_start3A_19 = arith.constant 0 : i32
      %dma_start3A_20 = tpu.memref_slice %arg3[%add3A, %dma_start3A, %dma_start3A_19] : memref<32x40x128xi32, #tpu.memory_space<hbm>> -> memref<1x40x128xi32, #tpu.memory_space<hbm>>
      %dma_start3A_21 = tpu.memref_squeeze %dma_start3A_20 : memref<1x40x128xi32, #tpu.memory_space<hbm>> -> memref<40x128xi32, #tpu.memory_space<hbm>>
      %dma_start3A_22 = arith.constant 0 : i32
      %dma_start3A_23 = arith.constant 0 : i32
      %dma_start3A_24 = tpu.memref_slice %arg3[%add3A, %dma_start3A_22, %dma_start3A_23] : memref<32x40x128xi32, #tpu.memory_space<hbm>> -> memref<1x40x128xi32, #tpu.memory_space<hbm>>
      %dma_start3A_25 = tpu.memref_squeeze %dma_start3A_24 : memref<1x40x128xi32, #tpu.memory_space<hbm>> -> memref<40x128xi32, #tpu.memory_space<hbm>>
      tpu.enqueue_dma source(%dma_start3A_25 : memref<40x128xi32, #tpu.memory_space<hbm>>) target(%arg6 : memref<40x128xi32, #tpu.memory_space<vmem>>) target_semaphore(%run_scoped3A : memref<!tpu.dma_semaphore, #tpu.memory_space<semaphore_mem>>)
      %dma_wait3A = arith.constant 0 : i32
      %dma_wait3A_26 = arith.constant 0 : i32
      %dma_wait3A_27 = tpu.memref_slice %arg3[%add3A, %dma_wait3A, %dma_wait3A_26] : memref<32x40x128xi32, #tpu.memory_space<hbm>> -> memref<1x40x128xi32, #tpu.memory_space<hbm>>
      %dma_wait3A_28 = tpu.memref_squeeze %dma_wait3A_27 : memref<1x40x128xi32, #tpu.memory_space<hbm>> -> memref<40x128xi32, #tpu.memory_space<hbm>>
      %dma_wait3A_29 = arith.constant 0 : i32
      %dma_wait3A_30 = arith.constant 0 : i32
      %dma_wait3A_31 = tpu.memref_slice %arg3[%add3A, %dma_wait3A_29, %dma_wait3A_30] : memref<32x40x128xi32, #tpu.memory_space<hbm>> -> memref<1x40x128xi32, #tpu.memory_space<hbm>>
      %dma_wait3A_32 = tpu.memref_squeeze %dma_wait3A_31 : memref<1x40x128xi32, #tpu.memory_space<hbm>> -> memref<40x128xi32, #tpu.memory_space<hbm>>
      tpu.wait_dma2 semaphore(%run_scoped3A : memref<!tpu.dma_semaphore, #tpu.memory_space<semaphore_mem>>) src(%dma_wait3A_32 : memref<40x128xi32, #tpu.memory_space<hbm>>) dst(%arg6 : memref<40x128xi32, #tpu.memory_space<vmem>>)
      tpu.yield
    }) : () -> ()
    "tpu.region"() ({
      %run_scoped3A = tpu.sem_alloc : memref<!tpu.dma_semaphore, #tpu.memory_space<semaphore_mem>>
      tpu.enqueue_dma source(%arg2 : memref<128x128xf32, #tpu.memory_space<hbm>>) target(%arg7 : memref<128x128xf32, #tpu.memory_space<vmem>>) target_semaphore(%run_scoped3A : memref<!tpu.dma_semaphore, #tpu.memory_space<semaphore_mem>>)
      tpu.wait_dma2 semaphore(%run_scoped3A : memref<!tpu.dma_semaphore, #tpu.memory_space<semaphore_mem>>) src(%arg2 : memref<128x128xf32, #tpu.memory_space<hbm>>) dst(%arg7 : memref<128x128xf32, #tpu.memory_space<vmem>>)
      tpu.yield
    }) : () -> ()
    %barrier3A = arith.constant 0 : index
    tpu.barrier barrier_id(%barrier3A)
    %scan3A = arith.constant 0 : i32
    %scan3A_3 = arith.constant 0 : i32
    %scan3A_4 = arith.constant 40 : i32
    %scan3A_5 = arith.addi %scan3A_3, %scan3A_4 : i32
    %scan3A_6 = arith.constant 1 : i32
    scf.for %scan3A_19 = %scan3A_3 to %scan3A_5 step %scan3A_6  : i32 {
      %dma_start3A = arith.constant 0 : i32
      %dma_start3A_20 = tpu.memref_slice %arg6[%scan3A_19, %dma_start3A] : memref<40x128xi32, #tpu.memory_space<vmem>> -> memref<1x128xi32, #tpu.memory_space<vmem>>
      %dma_start3A_21 = tpu.memref_squeeze %dma_start3A_20 : memref<1x128xi32, #tpu.memory_space<vmem>> -> memref<128xi32, #tpu.memory_space<vmem>>
      %dma_start3A_22 = arith.constant 0 : i32
      %dma_start3A_23 = arith.constant 0 : i32
      %dma_start3A_24 = tpu.memref_slice %arg8[%dma_start3A_22, %dma_start3A_23] : memref<10240x128xf32, #tpu.memory_space<vmem_shared>> -> memref<10240x128xf32, #tpu.memory_space<vmem_shared>>
      tpu.enqueue_indirect_dma source(%arg7 : memref<128x128xf32, #tpu.memory_space<vmem>>) target(%dma_start3A_24 : memref<10240x128xf32, #tpu.memory_space<vmem_shared>>) offsets(%dma_start3A_21 : memref<128xi32, #tpu.memory_space<vmem>>) semaphore(%arg9 : memref<!tpu.dma_semaphore, #tpu.memory_space<semaphore_mem>>) {add = true}
    }
    %scan3A_7 = arith.constant 40 : i32
    %scan3A_8 = arith.constant 0 : i32
    %scan3A_9 = arith.constant 0 : i32
    %scan3A_10 = arith.constant 40 : i32
    %scan3A_11 = arith.addi %scan3A_9, %scan3A_10 : i32
    %scan3A_12 = arith.constant 1 : i32
    scf.for %scan3A_19 = %scan3A_9 to %scan3A_11 step %scan3A_12  : i32 {
      %dma_wait3A = arith.constant 0 : i32
      %dma_wait3A_20 = arith.constant 0 : i32
      %dma_wait3A_21 = tpu.memref_slice %arg6[%dma_wait3A, %dma_wait3A_20] : memref<40x128xi32, #tpu.memory_space<vmem>> -> memref<1x128xi32, #tpu.memory_space<vmem>>
      %dma_wait3A_22 = tpu.memref_squeeze %dma_wait3A_21 : memref<1x128xi32, #tpu.memory_space<vmem>> -> memref<128xi32, #tpu.memory_space<vmem>>
      %dma_wait3A_23 = arith.constant 0 : i32
      %dma_wait3A_24 = arith.constant 0 : i32
      %dma_wait3A_25 = tpu.memref_slice %arg8[%dma_wait3A_23, %dma_wait3A_24] : memref<10240x128xf32, #tpu.memory_space<vmem_shared>> -> memref<10240x128xf32, #tpu.memory_space<vmem_shared>>
      tpu.wait_indirect_dma semaphore(%arg9 : memref<!tpu.dma_semaphore, #tpu.memory_space<semaphore_mem>>) src(%arg7 : memref<128x128xf32, #tpu.memory_space<vmem>>) dst(%dma_wait3A_25 : memref<10240x128xf32, #tpu.memory_space<vmem_shared>>)
    }
    %scan3A_13 = arith.constant 40 : i32
    %barrier3A_14 = arith.constant 0 : index
    tpu.barrier barrier_id(%barrier3A_14)
    %mul3A_15 = arith.constant 640 : i32
    %mul3A_16 = arith.muli %arg1, %mul3A_15 : i32
    %mul3A_17 = arith.constant 640 : i32
    %mul3A_18 = arith.muli %arg1, %mul3A_17 : i32
    "tpu.region"() ({
      %run_scoped3A = tpu.sem_alloc : memref<!tpu.dma_semaphore, #tpu.memory_space<semaphore_mem>>
      %dma_start3A = arith.constant 0 : i32
      %dma_start3A_19 = tpu.memref_slice %arg5[%arg0, %mul3A_18, %dma_start3A] : memref<2x10240x128xf32, #tpu.memory_space<hbm>> -> memref<1x640x128xf32, #tpu.memory_space<hbm>>
      %dma_start3A_20 = tpu.memref_squeeze %dma_start3A_19 : memref<1x640x128xf32, #tpu.memory_space<hbm>> -> memref<640x128xf32, #tpu.memory_space<hbm>>
      %dma_start3A_21 = arith.constant 0 : i32
      %dma_start3A_22 = tpu.memref_slice %arg8[%mul3A_16, %dma_start3A_21] : memref<10240x128xf32, #tpu.memory_space<vmem_shared>> -> memref<640x128xf32, #tpu.memory_space<vmem_shared>>
      tpu.enqueue_dma source(%dma_start3A_22 : memref<640x128xf32, #tpu.memory_space<vmem_shared>>) target(%dma_start3A_20 : memref<640x128xf32, #tpu.memory_space<hbm>>) target_semaphore(%run_scoped3A : memref<!tpu.dma_semaphore, #tpu.memory_space<semaphore_mem>>)
      %dma_wait3A = arith.constant 0 : i32
      %dma_wait3A_23 = tpu.memref_slice %arg5[%arg0, %mul3A_18, %dma_wait3A] : memref<2x10240x128xf32, #tpu.memory_space<hbm>> -> memref<1x640x128xf32, #tpu.memory_space<hbm>>
      %dma_wait3A_24 = tpu.memref_squeeze %dma_wait3A_23 : memref<1x640x128xf32, #tpu.memory_space<hbm>> -> memref<640x128xf32, #tpu.memory_space<hbm>>
      %dma_wait3A_25 = arith.constant 0 : i32
      %dma_wait3A_26 = tpu.memref_slice %arg8[%mul3A_16, %dma_wait3A_25] : memref<10240x128xf32, #tpu.memory_space<vmem_shared>> -> memref<640x128xf32, #tpu.memory_space<vmem_shared>>
      tpu.wait_dma2 semaphore(%run_scoped3A : memref<!tpu.dma_semaphore, #tpu.memory_space<semaphore_mem>>) src(%dma_wait3A_26 : memref<640x128xf32, #tpu.memory_space<vmem_shared>>) dst(%dma_wait3A_24 : memref<640x128xf32, #tpu.memory_space<hbm>>)
      tpu.yield
    }) : () -> ()
    return
  }
}

#map = affine_map<(d0, d1) -> (0, 0)>
#map1 = affine_map<(d0, d1) -> (0, 0, 0)>
module attributes {stable_mosaic.version = 14 : i64} {
  func.func @_agg(%arg0: i32, %arg1: i32, %arg2: memref<10000x128xf32, #tpu.memory_space<hbm>>, %arg3: memref<32x40x128xi32, #tpu.memory_space<hbm>>, %arg4: memref<32x40x128xi32, #tpu.memory_space<hbm>>, %arg5: memref<640x128xf32, #tpu.memory_space<hbm>>, %arg6: memref<2x10240x128xf32, #tpu.memory_space<hbm>>, %arg7: memref<40x128xi32, #tpu.memory_space<vmem>>, %arg8: memref<40x128xi32, #tpu.memory_space<vmem>>, %arg9: memref<128x128xf32, #tpu.memory_space<vmem>>, %arg10: memref<128x128xf32, #tpu.memory_space<vmem>>, %arg11: memref<10240x128xf32, #tpu.memory_space<vmem_shared>>, %arg12: memref<!tpu.dma_semaphore, #tpu.memory_space<semaphore_mem>>, %arg13: memref<!tpu.dma_semaphore, #tpu.memory_space<semaphore_mem>>) attributes {dimension_semantics = [#tpu.dimension_semantics<core_parallel>, #tpu.dimension_semantics<subcore_parallel>], iteration_bounds = array<i64: 2, 16>, scalar_prefetch = 0 : i64, scratch_operands = 7 : i64, tpu.core_type = #tpu.core_type<sc_vector_subcore>, window_params = [{transform_indices = #map}, {transform_indices = #map1}, {transform_indices = #map1}, {transform_indices = #map}, {transform_indices = #map1}]} {
    %mul3A = arith.constant 2 : i32
    %mul3A_0 = arith.muli %arg1, %mul3A : i32
    %add3A = arith.addi %mul3A_0, %arg0 : i32
    %mul3A_1 = arith.constant 640 : i32
    %mul3A_2 = arith.muli %arg1, %mul3A_1 : i32
    "tpu.region"() ({
      %run_scoped3A = tpu.sem_alloc : memref<!tpu.dma_semaphore, #tpu.memory_space<semaphore_mem>>
      %dma_start3A_19 = arith.constant 0 : i32
      %dma_start3A_20 = tpu.memref_slice %arg11[%mul3A_2, %dma_start3A_19] : memref<10240x128xf32, #tpu.memory_space<vmem_shared>> -> memref<640x128xf32, #tpu.memory_space<vmem_shared>>
      tpu.enqueue_dma source(%arg5 : memref<640x128xf32, #tpu.memory_space<hbm>>) target(%dma_start3A_20 : memref<640x128xf32, #tpu.memory_space<vmem_shared>>) target_semaphore(%run_scoped3A : memref<!tpu.dma_semaphore, #tpu.memory_space<semaphore_mem>>)
      %dma_wait3A = arith.constant 0 : i32
      %dma_wait3A_21 = tpu.memref_slice %arg11[%mul3A_2, %dma_wait3A] : memref<10240x128xf32, #tpu.memory_space<vmem_shared>> -> memref<640x128xf32, #tpu.memory_space<vmem_shared>>
      tpu.wait_dma2 semaphore(%run_scoped3A : memref<!tpu.dma_semaphore, #tpu.memory_space<semaphore_mem>>) src(%arg5 : memref<640x128xf32, #tpu.memory_space<hbm>>) dst(%dma_wait3A_21 : memref<640x128xf32, #tpu.memory_space<vmem_shared>>)
      tpu.yield
    }) : () -> ()
    "tpu.region"() ({
      %run_scoped3A = tpu.sem_alloc : memref<!tpu.dma_semaphore, #tpu.memory_space<semaphore_mem>>
      %dma_start3A_19 = arith.constant 0 : i32
      %dma_start3A_20 = arith.constant 0 : i32
      %dma_start3A_21 = tpu.memref_slice %arg3[%add3A, %dma_start3A_19, %dma_start3A_20] : memref<32x40x128xi32, #tpu.memory_space<hbm>> -> memref<1x40x128xi32, #tpu.memory_space<hbm>>
      %dma_start3A_22 = tpu.memref_squeeze %dma_start3A_21 : memref<1x40x128xi32, #tpu.memory_space<hbm>> -> memref<40x128xi32, #tpu.memory_space<hbm>>
      %dma_start3A_23 = arith.constant 0 : i32
      %dma_start3A_24 = arith.constant 0 : i32
      %dma_start3A_25 = tpu.memref_slice %arg3[%add3A, %dma_start3A_23, %dma_start3A_24] : memref<32x40x128xi32, #tpu.memory_space<hbm>> -> memref<1x40x128xi32, #tpu.memory_space<hbm>>
      %dma_start3A_26 = tpu.memref_squeeze %dma_start3A_25 : memref<1x40x128xi32, #tpu.memory_space<hbm>> -> memref<40x128xi32, #tpu.memory_space<hbm>>
      tpu.enqueue_dma source(%dma_start3A_26 : memref<40x128xi32, #tpu.memory_space<hbm>>) target(%arg7 : memref<40x128xi32, #tpu.memory_space<vmem>>) target_semaphore(%run_scoped3A : memref<!tpu.dma_semaphore, #tpu.memory_space<semaphore_mem>>)
      %dma_wait3A = arith.constant 0 : i32
      %dma_wait3A_27 = arith.constant 0 : i32
      %dma_wait3A_28 = tpu.memref_slice %arg3[%add3A, %dma_wait3A, %dma_wait3A_27] : memref<32x40x128xi32, #tpu.memory_space<hbm>> -> memref<1x40x128xi32, #tpu.memory_space<hbm>>
      %dma_wait3A_29 = tpu.memref_squeeze %dma_wait3A_28 : memref<1x40x128xi32, #tpu.memory_space<hbm>> -> memref<40x128xi32, #tpu.memory_space<hbm>>
      %dma_wait3A_30 = arith.constant 0 : i32
      %dma_wait3A_31 = arith.constant 0 : i32
      %dma_wait3A_32 = tpu.memref_slice %arg3[%add3A, %dma_wait3A_30, %dma_wait3A_31] : memref<32x40x128xi32, #tpu.memory_space<hbm>> -> memref<1x40x128xi32, #tpu.memory_space<hbm>>
      %dma_wait3A_33 = tpu.memref_squeeze %dma_wait3A_32 : memref<1x40x128xi32, #tpu.memory_space<hbm>> -> memref<40x128xi32, #tpu.memory_space<hbm>>
      tpu.wait_dma2 semaphore(%run_scoped3A : memref<!tpu.dma_semaphore, #tpu.memory_space<semaphore_mem>>) src(%dma_wait3A_33 : memref<40x128xi32, #tpu.memory_space<hbm>>) dst(%arg7 : memref<40x128xi32, #tpu.memory_space<vmem>>)
      tpu.yield
    }) : () -> ()
    "tpu.region"() ({
      %run_scoped3A = tpu.sem_alloc : memref<!tpu.dma_semaphore, #tpu.memory_space<semaphore_mem>>
      %dma_start3A_19 = arith.constant 0 : i32
      %dma_start3A_20 = arith.constant 0 : i32
      %dma_start3A_21 = tpu.memref_slice %arg4[%add3A, %dma_start3A_19, %dma_start3A_20] : memref<32x40x128xi32, #tpu.memory_space<hbm>> -> memref<1x40x128xi32, #tpu.memory_space<hbm>>
      %dma_start3A_22 = tpu.memref_squeeze %dma_start3A_21 : memref<1x40x128xi32, #tpu.memory_space<hbm>> -> memref<40x128xi32, #tpu.memory_space<hbm>>
      %dma_start3A_23 = arith.constant 0 : i32
      %dma_start3A_24 = arith.constant 0 : i32
      %dma_start3A_25 = tpu.memref_slice %arg4[%add3A, %dma_start3A_23, %dma_start3A_24] : memref<32x40x128xi32, #tpu.memory_space<hbm>> -> memref<1x40x128xi32, #tpu.memory_space<hbm>>
      %dma_start3A_26 = tpu.memref_squeeze %dma_start3A_25 : memref<1x40x128xi32, #tpu.memory_space<hbm>> -> memref<40x128xi32, #tpu.memory_space<hbm>>
      tpu.enqueue_dma source(%dma_start3A_26 : memref<40x128xi32, #tpu.memory_space<hbm>>) target(%arg8 : memref<40x128xi32, #tpu.memory_space<vmem>>) target_semaphore(%run_scoped3A : memref<!tpu.dma_semaphore, #tpu.memory_space<semaphore_mem>>)
      %dma_wait3A = arith.constant 0 : i32
      %dma_wait3A_27 = arith.constant 0 : i32
      %dma_wait3A_28 = tpu.memref_slice %arg4[%add3A, %dma_wait3A, %dma_wait3A_27] : memref<32x40x128xi32, #tpu.memory_space<hbm>> -> memref<1x40x128xi32, #tpu.memory_space<hbm>>
      %dma_wait3A_29 = tpu.memref_squeeze %dma_wait3A_28 : memref<1x40x128xi32, #tpu.memory_space<hbm>> -> memref<40x128xi32, #tpu.memory_space<hbm>>
      %dma_wait3A_30 = arith.constant 0 : i32
      %dma_wait3A_31 = arith.constant 0 : i32
      %dma_wait3A_32 = tpu.memref_slice %arg4[%add3A, %dma_wait3A_30, %dma_wait3A_31] : memref<32x40x128xi32, #tpu.memory_space<hbm>> -> memref<1x40x128xi32, #tpu.memory_space<hbm>>
      %dma_wait3A_33 = tpu.memref_squeeze %dma_wait3A_32 : memref<1x40x128xi32, #tpu.memory_space<hbm>> -> memref<40x128xi32, #tpu.memory_space<hbm>>
      tpu.wait_dma2 semaphore(%run_scoped3A : memref<!tpu.dma_semaphore, #tpu.memory_space<semaphore_mem>>) src(%dma_wait3A_33 : memref<40x128xi32, #tpu.memory_space<hbm>>) dst(%arg8 : memref<40x128xi32, #tpu.memory_space<vmem>>)
      tpu.yield
    }) : () -> ()
    %barrier3A = arith.constant 0 : index
    tpu.barrier barrier_id(%barrier3A)
    %dma_start3A = arith.constant 0 : i32
    %dma_start3A_3 = arith.constant 0 : i32
    %dma_start3A_4 = tpu.memref_slice %arg7[%dma_start3A, %dma_start3A_3] : memref<40x128xi32, #tpu.memory_space<vmem>> -> memref<1x128xi32, #tpu.memory_space<vmem>>
    %dma_start3A_5 = tpu.memref_squeeze %dma_start3A_4 : memref<1x128xi32, #tpu.memory_space<vmem>> -> memref<128xi32, #tpu.memory_space<vmem>>
    %dma_start3A_6 = arith.constant 0 : i32
    %dma_start3A_7 = arith.constant 0 : i32
    %dma_start3A_8 = tpu.memref_slice %arg2[%dma_start3A_6, %dma_start3A_7] : memref<10000x128xf32, #tpu.memory_space<hbm>> -> memref<10000x128xf32, #tpu.memory_space<hbm>>
    tpu.enqueue_indirect_dma source(%dma_start3A_8 : memref<10000x128xf32, #tpu.memory_space<hbm>>) target(%arg9 : memref<128x128xf32, #tpu.memory_space<vmem>>) offsets(%dma_start3A_5 : memref<128xi32, #tpu.memory_space<vmem>>) semaphore(%arg12 : memref<!tpu.dma_semaphore, #tpu.memory_space<semaphore_mem>>)
    %scan3A = arith.constant 0 : i32
    %scan3A_9 = arith.constant 0 : i32
    %scan3A_10 = arith.constant 20 : i32
    %scan3A_11 = arith.addi %scan3A_9, %scan3A_10 : i32
    %scan3A_12 = arith.constant 1 : i32
    scf.for %scan3A_19 = %scan3A_9 to %scan3A_11 step %scan3A_12  : i32 {
      %mul3A_20 = arith.constant 2 : i32
      %mul3A_21 = arith.muli %mul3A_20, %scan3A_19 : i32
      %add3A_22 = arith.constant 1 : i32
      %add3A_23 = arith.addi %mul3A_21, %add3A_22 : i32
      %dma_start3A_24 = arith.constant 0 : i32
      %dma_start3A_25 = tpu.memref_slice %arg7[%add3A_23, %dma_start3A_24] : memref<40x128xi32, #tpu.memory_space<vmem>> -> memref<1x128xi32, #tpu.memory_space<vmem>>
      %dma_start3A_26 = tpu.memref_squeeze %dma_start3A_25 : memref<1x128xi32, #tpu.memory_space<vmem>> -> memref<128xi32, #tpu.memory_space<vmem>>
      %dma_start3A_27 = arith.constant 0 : i32
      %dma_start3A_28 = arith.constant 0 : i32
      %dma_start3A_29 = tpu.memref_slice %arg2[%dma_start3A_27, %dma_start3A_28] : memref<10000x128xf32, #tpu.memory_space<hbm>> -> memref<10000x128xf32, #tpu.memory_space<hbm>>
      tpu.enqueue_indirect_dma source(%dma_start3A_29 : memref<10000x128xf32, #tpu.memory_space<hbm>>) target(%arg10 : memref<128x128xf32, #tpu.memory_space<vmem>>) offsets(%dma_start3A_26 : memref<128xi32, #tpu.memory_space<vmem>>) semaphore(%arg13 : memref<!tpu.dma_semaphore, #tpu.memory_space<semaphore_mem>>)
      %dma_wait3A = arith.constant 0 : i32
      %dma_wait3A_30 = arith.constant 0 : i32
      %dma_wait3A_31 = tpu.memref_slice %arg7[%dma_wait3A, %dma_wait3A_30] : memref<40x128xi32, #tpu.memory_space<vmem>> -> memref<1x128xi32, #tpu.memory_space<vmem>>
      %dma_wait3A_32 = tpu.memref_squeeze %dma_wait3A_31 : memref<1x128xi32, #tpu.memory_space<vmem>> -> memref<128xi32, #tpu.memory_space<vmem>>
      %dma_wait3A_33 = arith.constant 0 : i32
      %dma_wait3A_34 = arith.constant 0 : i32
      %dma_wait3A_35 = tpu.memref_slice %arg2[%dma_wait3A_33, %dma_wait3A_34] : memref<10000x128xf32, #tpu.memory_space<hbm>> -> memref<10000x128xf32, #tpu.memory_space<hbm>>
      tpu.wait_indirect_dma semaphore(%arg12 : memref<!tpu.dma_semaphore, #tpu.memory_space<semaphore_mem>>) src(%dma_wait3A_35 : memref<10000x128xf32, #tpu.memory_space<hbm>>) dst(%arg9 : memref<128x128xf32, #tpu.memory_space<vmem>>)
      "tpu.region"() ({
        %run_scoped3A = tpu.sem_alloc : memref<!tpu.dma_semaphore, #tpu.memory_space<semaphore_mem>>
        %dma_start3A_47 = arith.constant 0 : i32
        %dma_start3A_48 = tpu.memref_slice %arg8[%mul3A_21, %dma_start3A_47] : memref<40x128xi32, #tpu.memory_space<vmem>> -> memref<1x128xi32, #tpu.memory_space<vmem>>
        %dma_start3A_49 = tpu.memref_squeeze %dma_start3A_48 : memref<1x128xi32, #tpu.memory_space<vmem>> -> memref<128xi32, #tpu.memory_space<vmem>>
        %dma_start3A_50 = arith.constant 0 : i32
        %dma_start3A_51 = arith.constant 0 : i32
        %dma_start3A_52 = tpu.memref_slice %arg11[%dma_start3A_50, %dma_start3A_51] : memref<10240x128xf32, #tpu.memory_space<vmem_shared>> -> memref<10240x128xf32, #tpu.memory_space<vmem_shared>>
        tpu.enqueue_indirect_dma source(%arg9 : memref<128x128xf32, #tpu.memory_space<vmem>>) target(%dma_start3A_52 : memref<10240x128xf32, #tpu.memory_space<vmem_shared>>) offsets(%dma_start3A_49 : memref<128xi32, #tpu.memory_space<vmem>>) semaphore(%run_scoped3A : memref<!tpu.dma_semaphore, #tpu.memory_space<semaphore_mem>>) {add = true}
        %dma_wait3A_53 = arith.constant 0 : i32
        %dma_wait3A_54 = tpu.memref_slice %arg8[%mul3A_21, %dma_wait3A_53] : memref<40x128xi32, #tpu.memory_space<vmem>> -> memref<1x128xi32, #tpu.memory_space<vmem>>
        %dma_wait3A_55 = tpu.memref_squeeze %dma_wait3A_54 : memref<1x128xi32, #tpu.memory_space<vmem>> -> memref<128xi32, #tpu.memory_space<vmem>>
        %dma_wait3A_56 = arith.constant 0 : i32
        %dma_wait3A_57 = arith.constant 0 : i32
        %dma_wait3A_58 = tpu.memref_slice %arg11[%dma_wait3A_56, %dma_wait3A_57] : memref<10240x128xf32, #tpu.memory_space<vmem_shared>> -> memref<10240x128xf32, #tpu.memory_space<vmem_shared>>
        tpu.wait_indirect_dma semaphore(%run_scoped3A : memref<!tpu.dma_semaphore, #tpu.memory_space<semaphore_mem>>) src(%arg9 : memref<128x128xf32, #tpu.memory_space<vmem>>) dst(%dma_wait3A_58 : memref<10240x128xf32, #tpu.memory_space<vmem_shared>>)
        tpu.yield
      }) : () -> ()
      %lt3A = arith.constant 19 : i32
      %lt3A_36 = arith.cmpi slt, %scan3A_19, %lt3A : i32
      %convert_element_type3A = arith.extui %lt3A_36 : i1 to i32
      %cond3A = arith.constant 0 : i32
      %cond3A_37 = arith.cmpi ne, %convert_element_type3A, %cond3A : i32
      scf.if %cond3A_37 {
        %add3A_47 = arith.constant 2 : i32
        %add3A_48 = arith.addi %mul3A_21, %add3A_47 : i32
        %dma_start3A_49 = arith.constant 0 : i32
        %dma_start3A_50 = tpu.memref_slice %arg7[%add3A_48, %dma_start3A_49] : memref<40x128xi32, #tpu.memory_space<vmem>> -> memref<1x128xi32, #tpu.memory_space<vmem>>
        %dma_start3A_51 = tpu.memref_squeeze %dma_start3A_50 : memref<1x128xi32, #tpu.memory_space<vmem>> -> memref<128xi32, #tpu.memory_space<vmem>>
        %dma_start3A_52 = arith.constant 0 : i32
        %dma_start3A_53 = arith.constant 0 : i32
        %dma_start3A_54 = tpu.memref_slice %arg2[%dma_start3A_52, %dma_start3A_53] : memref<10000x128xf32, #tpu.memory_space<hbm>> -> memref<10000x128xf32, #tpu.memory_space<hbm>>
        tpu.enqueue_indirect_dma source(%dma_start3A_54 : memref<10000x128xf32, #tpu.memory_space<hbm>>) target(%arg9 : memref<128x128xf32, #tpu.memory_space<vmem>>) offsets(%dma_start3A_51 : memref<128xi32, #tpu.memory_space<vmem>>) semaphore(%arg12 : memref<!tpu.dma_semaphore, #tpu.memory_space<semaphore_mem>>)
      } else {
      }
      %dma_wait3A_38 = arith.constant 0 : i32
      %dma_wait3A_39 = arith.constant 0 : i32
      %dma_wait3A_40 = tpu.memref_slice %arg7[%dma_wait3A_38, %dma_wait3A_39] : memref<40x128xi32, #tpu.memory_space<vmem>> -> memref<1x128xi32, #tpu.memory_space<vmem>>
      %dma_wait3A_41 = tpu.memref_squeeze %dma_wait3A_40 : memref<1x128xi32, #tpu.memory_space<vmem>> -> memref<128xi32, #tpu.memory_space<vmem>>
      %dma_wait3A_42 = arith.constant 0 : i32
      %dma_wait3A_43 = arith.constant 0 : i32
      %dma_wait3A_44 = tpu.memref_slice %arg2[%dma_wait3A_42, %dma_wait3A_43] : memref<10000x128xf32, #tpu.memory_space<hbm>> -> memref<10000x128xf32, #tpu.memory_space<hbm>>
      tpu.wait_indirect_dma semaphore(%arg13 : memref<!tpu.dma_semaphore, #tpu.memory_space<semaphore_mem>>) src(%dma_wait3A_44 : memref<10000x128xf32, #tpu.memory_space<hbm>>) dst(%arg10 : memref<128x128xf32, #tpu.memory_space<vmem>>)
      %add3A_45 = arith.constant 1 : i32
      %add3A_46 = arith.addi %mul3A_21, %add3A_45 : i32
      "tpu.region"() ({
        %run_scoped3A = tpu.sem_alloc : memref<!tpu.dma_semaphore, #tpu.memory_space<semaphore_mem>>
        %dma_start3A_47 = arith.constant 0 : i32
        %dma_start3A_48 = tpu.memref_slice %arg8[%add3A_46, %dma_start3A_47] : memref<40x128xi32, #tpu.memory_space<vmem>> -> memref<1x128xi32, #tpu.memory_space<vmem>>
        %dma_start3A_49 = tpu.memref_squeeze %dma_start3A_48 : memref<1x128xi32, #tpu.memory_space<vmem>> -> memref<128xi32, #tpu.memory_space<vmem>>
        %dma_start3A_50 = arith.constant 0 : i32
        %dma_start3A_51 = arith.constant 0 : i32
        %dma_start3A_52 = tpu.memref_slice %arg11[%dma_start3A_50, %dma_start3A_51] : memref<10240x128xf32, #tpu.memory_space<vmem_shared>> -> memref<10240x128xf32, #tpu.memory_space<vmem_shared>>
        tpu.enqueue_indirect_dma source(%arg10 : memref<128x128xf32, #tpu.memory_space<vmem>>) target(%dma_start3A_52 : memref<10240x128xf32, #tpu.memory_space<vmem_shared>>) offsets(%dma_start3A_49 : memref<128xi32, #tpu.memory_space<vmem>>) semaphore(%run_scoped3A : memref<!tpu.dma_semaphore, #tpu.memory_space<semaphore_mem>>) {add = true}
        %dma_wait3A_53 = arith.constant 0 : i32
        %dma_wait3A_54 = tpu.memref_slice %arg8[%add3A_46, %dma_wait3A_53] : memref<40x128xi32, #tpu.memory_space<vmem>> -> memref<1x128xi32, #tpu.memory_space<vmem>>
        %dma_wait3A_55 = tpu.memref_squeeze %dma_wait3A_54 : memref<1x128xi32, #tpu.memory_space<vmem>> -> memref<128xi32, #tpu.memory_space<vmem>>
        %dma_wait3A_56 = arith.constant 0 : i32
        %dma_wait3A_57 = arith.constant 0 : i32
        %dma_wait3A_58 = tpu.memref_slice %arg11[%dma_wait3A_56, %dma_wait3A_57] : memref<10240x128xf32, #tpu.memory_space<vmem_shared>> -> memref<10240x128xf32, #tpu.memory_space<vmem_shared>>
        tpu.wait_indirect_dma semaphore(%run_scoped3A : memref<!tpu.dma_semaphore, #tpu.memory_space<semaphore_mem>>) src(%arg10 : memref<128x128xf32, #tpu.memory_space<vmem>>) dst(%dma_wait3A_58 : memref<10240x128xf32, #tpu.memory_space<vmem_shared>>)
        tpu.yield
      }) : () -> ()
    }
    %scan3A_13 = arith.constant 20 : i32
    %barrier3A_14 = arith.constant 0 : index
    tpu.barrier barrier_id(%barrier3A_14)
    %mul3A_15 = arith.constant 640 : i32
    %mul3A_16 = arith.muli %arg1, %mul3A_15 : i32
    %mul3A_17 = arith.constant 640 : i32
    %mul3A_18 = arith.muli %arg1, %mul3A_17 : i32
    "tpu.region"() ({
      %run_scoped3A = tpu.sem_alloc : memref<!tpu.dma_semaphore, #tpu.memory_space<semaphore_mem>>
      %dma_start3A_19 = arith.constant 0 : i32
      %dma_start3A_20 = tpu.memref_slice %arg6[%arg0, %mul3A_18, %dma_start3A_19] : memref<2x10240x128xf32, #tpu.memory_space<hbm>> -> memref<1x640x128xf32, #tpu.memory_space<hbm>>
      %dma_start3A_21 = tpu.memref_squeeze %dma_start3A_20 : memref<1x640x128xf32, #tpu.memory_space<hbm>> -> memref<640x128xf32, #tpu.memory_space<hbm>>
      %dma_start3A_22 = arith.constant 0 : i32
      %dma_start3A_23 = tpu.memref_slice %arg11[%mul3A_16, %dma_start3A_22] : memref<10240x128xf32, #tpu.memory_space<vmem_shared>> -> memref<640x128xf32, #tpu.memory_space<vmem_shared>>
      tpu.enqueue_dma source(%dma_start3A_23 : memref<640x128xf32, #tpu.memory_space<vmem_shared>>) target(%dma_start3A_21 : memref<640x128xf32, #tpu.memory_space<hbm>>) target_semaphore(%run_scoped3A : memref<!tpu.dma_semaphore, #tpu.memory_space<semaphore_mem>>)
      %dma_wait3A = arith.constant 0 : i32
      %dma_wait3A_24 = tpu.memref_slice %arg6[%arg0, %mul3A_18, %dma_wait3A] : memref<2x10240x128xf32, #tpu.memory_space<hbm>> -> memref<1x640x128xf32, #tpu.memory_space<hbm>>
      %dma_wait3A_25 = tpu.memref_squeeze %dma_wait3A_24 : memref<1x640x128xf32, #tpu.memory_space<hbm>> -> memref<640x128xf32, #tpu.memory_space<hbm>>
      %dma_wait3A_26 = arith.constant 0 : i32
      %dma_wait3A_27 = tpu.memref_slice %arg11[%mul3A_16, %dma_wait3A_26] : memref<10240x128xf32, #tpu.memory_space<vmem_shared>> -> memref<640x128xf32, #tpu.memory_space<vmem_shared>>
      tpu.wait_dma2 semaphore(%run_scoped3A : memref<!tpu.dma_semaphore, #tpu.memory_space<semaphore_mem>>) src(%dma_wait3A_27 : memref<640x128xf32, #tpu.memory_space<vmem_shared>>) dst(%dma_wait3A_25 : memref<640x128xf32, #tpu.memory_space<hbm>>)
      tpu.yield
    }) : () -> ()
    return
  }
}

#map = affine_map<(d0, d1) -> (0, 0)>
#map1 = affine_map<(d0, d1) -> (0, 0, 0)>
module attributes {stable_mosaic.version = 14 : i64} {
  func.func @_agg(%arg0: i32, %arg1: i32, %arg2: memref<10000x128xf32, #tpu.memory_space<hbm>>, %arg3: memref<32x40x128xi32, #tpu.memory_space<hbm>>, %arg4: memref<32x40x128xi32, #tpu.memory_space<hbm>>, %arg5: memref<640x128xf32, #tpu.memory_space<hbm>>, %arg6: memref<2x10240x128xf32, #tpu.memory_space<hbm>>, %arg7: memref<40x128xi32, #tpu.memory_space<vmem>>, %arg8: memref<40x128xi32, #tpu.memory_space<vmem>>, %arg9: memref<128x128xf32, #tpu.memory_space<vmem>>, %arg10: memref<128x128xf32, #tpu.memory_space<vmem>>, %arg11: memref<10240x128xf32, #tpu.memory_space<vmem_shared>>, %arg12: memref<!tpu.dma_semaphore, #tpu.memory_space<semaphore_mem>>, %arg13: memref<!tpu.dma_semaphore, #tpu.memory_space<semaphore_mem>>) attributes {dimension_semantics = [#tpu.dimension_semantics<core_parallel>, #tpu.dimension_semantics<subcore_parallel>], iteration_bounds = array<i64: 2, 16>, scalar_prefetch = 0 : i64, scratch_operands = 7 : i64, tpu.core_type = #tpu.core_type<sc_vector_subcore>, window_params = [{transform_indices = #map}, {transform_indices = #map1}, {transform_indices = #map1}, {transform_indices = #map}, {transform_indices = #map1}]} {
    %mul3A = arith.constant 2 : i32
    %mul3A_0 = arith.muli %arg1, %mul3A : i32
    %add3A = arith.addi %mul3A_0, %arg0 : i32
    %mul3A_1 = arith.constant 640 : i32
    %mul3A_2 = arith.muli %arg1, %mul3A_1 : i32
    "tpu.region"() ({
      %run_scoped3A = tpu.sem_alloc : memref<!tpu.dma_semaphore, #tpu.memory_space<semaphore_mem>>
      %dma_start3A_19 = arith.constant 0 : i32
      %dma_start3A_20 = tpu.memref_slice %arg11[%mul3A_2, %dma_start3A_19] : memref<10240x128xf32, #tpu.memory_space<vmem_shared>> -> memref<640x128xf32, #tpu.memory_space<vmem_shared>>
      tpu.enqueue_dma source(%arg5 : memref<640x128xf32, #tpu.memory_space<hbm>>) target(%dma_start3A_20 : memref<640x128xf32, #tpu.memory_space<vmem_shared>>) target_semaphore(%run_scoped3A : memref<!tpu.dma_semaphore, #tpu.memory_space<semaphore_mem>>)
      %dma_wait3A = arith.constant 0 : i32
      %dma_wait3A_21 = tpu.memref_slice %arg11[%mul3A_2, %dma_wait3A] : memref<10240x128xf32, #tpu.memory_space<vmem_shared>> -> memref<640x128xf32, #tpu.memory_space<vmem_shared>>
      tpu.wait_dma2 semaphore(%run_scoped3A : memref<!tpu.dma_semaphore, #tpu.memory_space<semaphore_mem>>) src(%arg5 : memref<640x128xf32, #tpu.memory_space<hbm>>) dst(%dma_wait3A_21 : memref<640x128xf32, #tpu.memory_space<vmem_shared>>)
      tpu.yield
    }) : () -> ()
    "tpu.region"() ({
      %run_scoped3A = tpu.sem_alloc : memref<!tpu.dma_semaphore, #tpu.memory_space<semaphore_mem>>
      %dma_start3A_19 = arith.constant 0 : i32
      %dma_start3A_20 = arith.constant 0 : i32
      %dma_start3A_21 = tpu.memref_slice %arg3[%add3A, %dma_start3A_19, %dma_start3A_20] : memref<32x40x128xi32, #tpu.memory_space<hbm>> -> memref<1x40x128xi32, #tpu.memory_space<hbm>>
      %dma_start3A_22 = tpu.memref_squeeze %dma_start3A_21 : memref<1x40x128xi32, #tpu.memory_space<hbm>> -> memref<40x128xi32, #tpu.memory_space<hbm>>
      %dma_start3A_23 = arith.constant 0 : i32
      %dma_start3A_24 = arith.constant 0 : i32
      %dma_start3A_25 = tpu.memref_slice %arg3[%add3A, %dma_start3A_23, %dma_start3A_24] : memref<32x40x128xi32, #tpu.memory_space<hbm>> -> memref<1x40x128xi32, #tpu.memory_space<hbm>>
      %dma_start3A_26 = tpu.memref_squeeze %dma_start3A_25 : memref<1x40x128xi32, #tpu.memory_space<hbm>> -> memref<40x128xi32, #tpu.memory_space<hbm>>
      tpu.enqueue_dma source(%dma_start3A_26 : memref<40x128xi32, #tpu.memory_space<hbm>>) target(%arg7 : memref<40x128xi32, #tpu.memory_space<vmem>>) target_semaphore(%run_scoped3A : memref<!tpu.dma_semaphore, #tpu.memory_space<semaphore_mem>>)
      %dma_wait3A = arith.constant 0 : i32
      %dma_wait3A_27 = arith.constant 0 : i32
      %dma_wait3A_28 = tpu.memref_slice %arg3[%add3A, %dma_wait3A, %dma_wait3A_27] : memref<32x40x128xi32, #tpu.memory_space<hbm>> -> memref<1x40x128xi32, #tpu.memory_space<hbm>>
      %dma_wait3A_29 = tpu.memref_squeeze %dma_wait3A_28 : memref<1x40x128xi32, #tpu.memory_space<hbm>> -> memref<40x128xi32, #tpu.memory_space<hbm>>
      %dma_wait3A_30 = arith.constant 0 : i32
      %dma_wait3A_31 = arith.constant 0 : i32
      %dma_wait3A_32 = tpu.memref_slice %arg3[%add3A, %dma_wait3A_30, %dma_wait3A_31] : memref<32x40x128xi32, #tpu.memory_space<hbm>> -> memref<1x40x128xi32, #tpu.memory_space<hbm>>
      %dma_wait3A_33 = tpu.memref_squeeze %dma_wait3A_32 : memref<1x40x128xi32, #tpu.memory_space<hbm>> -> memref<40x128xi32, #tpu.memory_space<hbm>>
      tpu.wait_dma2 semaphore(%run_scoped3A : memref<!tpu.dma_semaphore, #tpu.memory_space<semaphore_mem>>) src(%dma_wait3A_33 : memref<40x128xi32, #tpu.memory_space<hbm>>) dst(%arg7 : memref<40x128xi32, #tpu.memory_space<vmem>>)
      tpu.yield
    }) : () -> ()
    "tpu.region"() ({
      %run_scoped3A = tpu.sem_alloc : memref<!tpu.dma_semaphore, #tpu.memory_space<semaphore_mem>>
      %dma_start3A_19 = arith.constant 0 : i32
      %dma_start3A_20 = arith.constant 0 : i32
      %dma_start3A_21 = tpu.memref_slice %arg4[%add3A, %dma_start3A_19, %dma_start3A_20] : memref<32x40x128xi32, #tpu.memory_space<hbm>> -> memref<1x40x128xi32, #tpu.memory_space<hbm>>
      %dma_start3A_22 = tpu.memref_squeeze %dma_start3A_21 : memref<1x40x128xi32, #tpu.memory_space<hbm>> -> memref<40x128xi32, #tpu.memory_space<hbm>>
      %dma_start3A_23 = arith.constant 0 : i32
      %dma_start3A_24 = arith.constant 0 : i32
      %dma_start3A_25 = tpu.memref_slice %arg4[%add3A, %dma_start3A_23, %dma_start3A_24] : memref<32x40x128xi32, #tpu.memory_space<hbm>> -> memref<1x40x128xi32, #tpu.memory_space<hbm>>
      %dma_start3A_26 = tpu.memref_squeeze %dma_start3A_25 : memref<1x40x128xi32, #tpu.memory_space<hbm>> -> memref<40x128xi32, #tpu.memory_space<hbm>>
      tpu.enqueue_dma source(%dma_start3A_26 : memref<40x128xi32, #tpu.memory_space<hbm>>) target(%arg8 : memref<40x128xi32, #tpu.memory_space<vmem>>) target_semaphore(%run_scoped3A : memref<!tpu.dma_semaphore, #tpu.memory_space<semaphore_mem>>)
      %dma_wait3A = arith.constant 0 : i32
      %dma_wait3A_27 = arith.constant 0 : i32
      %dma_wait3A_28 = tpu.memref_slice %arg4[%add3A, %dma_wait3A, %dma_wait3A_27] : memref<32x40x128xi32, #tpu.memory_space<hbm>> -> memref<1x40x128xi32, #tpu.memory_space<hbm>>
      %dma_wait3A_29 = tpu.memref_squeeze %dma_wait3A_28 : memref<1x40x128xi32, #tpu.memory_space<hbm>> -> memref<40x128xi32, #tpu.memory_space<hbm>>
      %dma_wait3A_30 = arith.constant 0 : i32
      %dma_wait3A_31 = arith.constant 0 : i32
      %dma_wait3A_32 = tpu.memref_slice %arg4[%add3A, %dma_wait3A_30, %dma_wait3A_31] : memref<32x40x128xi32, #tpu.memory_space<hbm>> -> memref<1x40x128xi32, #tpu.memory_space<hbm>>
      %dma_wait3A_33 = tpu.memref_squeeze %dma_wait3A_32 : memref<1x40x128xi32, #tpu.memory_space<hbm>> -> memref<40x128xi32, #tpu.memory_space<hbm>>
      tpu.wait_dma2 semaphore(%run_scoped3A : memref<!tpu.dma_semaphore, #tpu.memory_space<semaphore_mem>>) src(%dma_wait3A_33 : memref<40x128xi32, #tpu.memory_space<hbm>>) dst(%arg8 : memref<40x128xi32, #tpu.memory_space<vmem>>)
      tpu.yield
    }) : () -> ()
    %barrier3A = arith.constant 0 : index
    tpu.barrier barrier_id(%barrier3A)
    %dma_start3A = arith.constant 0 : i32
    %dma_start3A_3 = arith.constant 0 : i32
    %dma_start3A_4 = tpu.memref_slice %arg7[%dma_start3A, %dma_start3A_3] : memref<40x128xi32, #tpu.memory_space<vmem>> -> memref<1x128xi32, #tpu.memory_space<vmem>>
    %dma_start3A_5 = tpu.memref_squeeze %dma_start3A_4 : memref<1x128xi32, #tpu.memory_space<vmem>> -> memref<128xi32, #tpu.memory_space<vmem>>
    %dma_start3A_6 = arith.constant 0 : i32
    %dma_start3A_7 = arith.constant 0 : i32
    %dma_start3A_8 = tpu.memref_slice %arg2[%dma_start3A_6, %dma_start3A_7] : memref<10000x128xf32, #tpu.memory_space<hbm>> -> memref<10000x128xf32, #tpu.memory_space<hbm>>
    tpu.enqueue_indirect_dma source(%dma_start3A_8 : memref<10000x128xf32, #tpu.memory_space<hbm>>) target(%arg9 : memref<128x128xf32, #tpu.memory_space<vmem>>) offsets(%dma_start3A_5 : memref<128xi32, #tpu.memory_space<vmem>>) semaphore(%arg12 : memref<!tpu.dma_semaphore, #tpu.memory_space<semaphore_mem>>)
    %scan3A = arith.constant 0 : i32
    %scan3A_9 = arith.constant 0 : i32
    %scan3A_10 = arith.constant 20 : i32
    %scan3A_11 = arith.addi %scan3A_9, %scan3A_10 : i32
    %scan3A_12 = arith.constant 1 : i32
    scf.for %scan3A_19 = %scan3A_9 to %scan3A_11 step %scan3A_12  : i32 {
      %mul3A_20 = arith.constant 2 : i32
      %mul3A_21 = arith.muli %mul3A_20, %scan3A_19 : i32
      %add3A_22 = arith.constant 1 : i32
      %add3A_23 = arith.addi %mul3A_21, %add3A_22 : i32
      %dma_start3A_24 = arith.constant 0 : i32
      %dma_start3A_25 = tpu.memref_slice %arg7[%add3A_23, %dma_start3A_24] : memref<40x128xi32, #tpu.memory_space<vmem>> -> memref<1x128xi32, #tpu.memory_space<vmem>>
      %dma_start3A_26 = tpu.memref_squeeze %dma_start3A_25 : memref<1x128xi32, #tpu.memory_space<vmem>> -> memref<128xi32, #tpu.memory_space<vmem>>
      %dma_start3A_27 = arith.constant 0 : i32
      %dma_start3A_28 = arith.constant 0 : i32
      %dma_start3A_29 = tpu.memref_slice %arg2[%dma_start3A_27, %dma_start3A_28] : memref<10000x128xf32, #tpu.memory_space<hbm>> -> memref<10000x128xf32, #tpu.memory_space<hbm>>
      tpu.enqueue_indirect_dma source(%dma_start3A_29 : memref<10000x128xf32, #tpu.memory_space<hbm>>) target(%arg10 : memref<128x128xf32, #tpu.memory_space<vmem>>) offsets(%dma_start3A_26 : memref<128xi32, #tpu.memory_space<vmem>>) semaphore(%arg13 : memref<!tpu.dma_semaphore, #tpu.memory_space<semaphore_mem>>)
      %dma_wait3A = arith.constant 0 : i32
      %dma_wait3A_30 = arith.constant 0 : i32
      %dma_wait3A_31 = tpu.memref_slice %arg7[%dma_wait3A, %dma_wait3A_30] : memref<40x128xi32, #tpu.memory_space<vmem>> -> memref<1x128xi32, #tpu.memory_space<vmem>>
      %dma_wait3A_32 = tpu.memref_squeeze %dma_wait3A_31 : memref<1x128xi32, #tpu.memory_space<vmem>> -> memref<128xi32, #tpu.memory_space<vmem>>
      %dma_wait3A_33 = arith.constant 0 : i32
      %dma_wait3A_34 = arith.constant 0 : i32
      %dma_wait3A_35 = tpu.memref_slice %arg2[%dma_wait3A_33, %dma_wait3A_34] : memref<10000x128xf32, #tpu.memory_space<hbm>> -> memref<10000x128xf32, #tpu.memory_space<hbm>>
      tpu.wait_indirect_dma semaphore(%arg12 : memref<!tpu.dma_semaphore, #tpu.memory_space<semaphore_mem>>) src(%dma_wait3A_35 : memref<10000x128xf32, #tpu.memory_space<hbm>>) dst(%arg9 : memref<128x128xf32, #tpu.memory_space<vmem>>)
      "tpu.region"() ({
        %run_scoped3A = tpu.sem_alloc : memref<!tpu.dma_semaphore, #tpu.memory_space<semaphore_mem>>
        %dma_start3A_47 = arith.constant 0 : i32
        %dma_start3A_48 = tpu.memref_slice %arg8[%mul3A_21, %dma_start3A_47] : memref<40x128xi32, #tpu.memory_space<vmem>> -> memref<1x128xi32, #tpu.memory_space<vmem>>
        %dma_start3A_49 = tpu.memref_squeeze %dma_start3A_48 : memref<1x128xi32, #tpu.memory_space<vmem>> -> memref<128xi32, #tpu.memory_space<vmem>>
        %dma_start3A_50 = arith.constant 0 : i32
        %dma_start3A_51 = arith.constant 0 : i32
        %dma_start3A_52 = tpu.memref_slice %arg11[%dma_start3A_50, %dma_start3A_51] : memref<10240x128xf32, #tpu.memory_space<vmem_shared>> -> memref<10240x128xf32, #tpu.memory_space<vmem_shared>>
        tpu.enqueue_indirect_dma source(%arg9 : memref<128x128xf32, #tpu.memory_space<vmem>>) target(%dma_start3A_52 : memref<10240x128xf32, #tpu.memory_space<vmem_shared>>) offsets(%dma_start3A_49 : memref<128xi32, #tpu.memory_space<vmem>>) semaphore(%run_scoped3A : memref<!tpu.dma_semaphore, #tpu.memory_space<semaphore_mem>>) {add = true}
        %dma_wait3A_53 = arith.constant 0 : i32
        %dma_wait3A_54 = tpu.memref_slice %arg8[%mul3A_21, %dma_wait3A_53] : memref<40x128xi32, #tpu.memory_space<vmem>> -> memref<1x128xi32, #tpu.memory_space<vmem>>
        %dma_wait3A_55 = tpu.memref_squeeze %dma_wait3A_54 : memref<1x128xi32, #tpu.memory_space<vmem>> -> memref<128xi32, #tpu.memory_space<vmem>>
        %dma_wait3A_56 = arith.constant 0 : i32
        %dma_wait3A_57 = arith.constant 0 : i32
        %dma_wait3A_58 = tpu.memref_slice %arg11[%dma_wait3A_56, %dma_wait3A_57] : memref<10240x128xf32, #tpu.memory_space<vmem_shared>> -> memref<10240x128xf32, #tpu.memory_space<vmem_shared>>
        tpu.wait_indirect_dma semaphore(%run_scoped3A : memref<!tpu.dma_semaphore, #tpu.memory_space<semaphore_mem>>) src(%arg9 : memref<128x128xf32, #tpu.memory_space<vmem>>) dst(%dma_wait3A_58 : memref<10240x128xf32, #tpu.memory_space<vmem_shared>>)
        tpu.yield
      }) : () -> ()
      %lt3A = arith.constant 19 : i32
      %lt3A_36 = arith.cmpi slt, %scan3A_19, %lt3A : i32
      %convert_element_type3A = arith.extui %lt3A_36 : i1 to i32
      %cond3A = arith.constant 0 : i32
      %cond3A_37 = arith.cmpi ne, %convert_element_type3A, %cond3A : i32
      scf.if %cond3A_37 {
        %add3A_47 = arith.constant 2 : i32
        %add3A_48 = arith.addi %mul3A_21, %add3A_47 : i32
        %dma_start3A_49 = arith.constant 0 : i32
        %dma_start3A_50 = tpu.memref_slice %arg7[%add3A_48, %dma_start3A_49] : memref<40x128xi32, #tpu.memory_space<vmem>> -> memref<1x128xi32, #tpu.memory_space<vmem>>
        %dma_start3A_51 = tpu.memref_squeeze %dma_start3A_50 : memref<1x128xi32, #tpu.memory_space<vmem>> -> memref<128xi32, #tpu.memory_space<vmem>>
        %dma_start3A_52 = arith.constant 0 : i32
        %dma_start3A_53 = arith.constant 0 : i32
        %dma_start3A_54 = tpu.memref_slice %arg2[%dma_start3A_52, %dma_start3A_53] : memref<10000x128xf32, #tpu.memory_space<hbm>> -> memref<10000x128xf32, #tpu.memory_space<hbm>>
        tpu.enqueue_indirect_dma source(%dma_start3A_54 : memref<10000x128xf32, #tpu.memory_space<hbm>>) target(%arg9 : memref<128x128xf32, #tpu.memory_space<vmem>>) offsets(%dma_start3A_51 : memref<128xi32, #tpu.memory_space<vmem>>) semaphore(%arg12 : memref<!tpu.dma_semaphore, #tpu.memory_space<semaphore_mem>>)
      } else {
      }
      %dma_wait3A_38 = arith.constant 0 : i32
      %dma_wait3A_39 = arith.constant 0 : i32
      %dma_wait3A_40 = tpu.memref_slice %arg7[%dma_wait3A_38, %dma_wait3A_39] : memref<40x128xi32, #tpu.memory_space<vmem>> -> memref<1x128xi32, #tpu.memory_space<vmem>>
      %dma_wait3A_41 = tpu.memref_squeeze %dma_wait3A_40 : memref<1x128xi32, #tpu.memory_space<vmem>> -> memref<128xi32, #tpu.memory_space<vmem>>
      %dma_wait3A_42 = arith.constant 0 : i32
      %dma_wait3A_43 = arith.constant 0 : i32
      %dma_wait3A_44 = tpu.memref_slice %arg2[%dma_wait3A_42, %dma_wait3A_43] : memref<10000x128xf32, #tpu.memory_space<hbm>> -> memref<10000x128xf32, #tpu.memory_space<hbm>>
      tpu.wait_indirect_dma semaphore(%arg13 : memref<!tpu.dma_semaphore, #tpu.memory_space<semaphore_mem>>) src(%dma_wait3A_44 : memref<10000x128xf32, #tpu.memory_space<hbm>>) dst(%arg10 : memref<128x128xf32, #tpu.memory_space<vmem>>)
      %add3A_45 = arith.constant 1 : i32
      %add3A_46 = arith.addi %mul3A_21, %add3A_45 : i32
      "tpu.region"() ({
        %run_scoped3A = tpu.sem_alloc : memref<!tpu.dma_semaphore, #tpu.memory_space<semaphore_mem>>
        %dma_start3A_47 = arith.constant 0 : i32
        %dma_start3A_48 = tpu.memref_slice %arg8[%add3A_46, %dma_start3A_47] : memref<40x128xi32, #tpu.memory_space<vmem>> -> memref<1x128xi32, #tpu.memory_space<vmem>>
        %dma_start3A_49 = tpu.memref_squeeze %dma_start3A_48 : memref<1x128xi32, #tpu.memory_space<vmem>> -> memref<128xi32, #tpu.memory_space<vmem>>
        %dma_start3A_50 = arith.constant 0 : i32
        %dma_start3A_51 = arith.constant 0 : i32
        %dma_start3A_52 = tpu.memref_slice %arg11[%dma_start3A_50, %dma_start3A_51] : memref<10240x128xf32, #tpu.memory_space<vmem_shared>> -> memref<10240x128xf32, #tpu.memory_space<vmem_shared>>
        tpu.enqueue_indirect_dma source(%arg10 : memref<128x128xf32, #tpu.memory_space<vmem>>) target(%dma_start3A_52 : memref<10240x128xf32, #tpu.memory_space<vmem_shared>>) offsets(%dma_start3A_49 : memref<128xi32, #tpu.memory_space<vmem>>) semaphore(%run_scoped3A : memref<!tpu.dma_semaphore, #tpu.memory_space<semaphore_mem>>) {add = true}
        %dma_wait3A_53 = arith.constant 0 : i32
        %dma_wait3A_54 = tpu.memref_slice %arg8[%add3A_46, %dma_wait3A_53] : memref<40x128xi32, #tpu.memory_space<vmem>> -> memref<1x128xi32, #tpu.memory_space<vmem>>
        %dma_wait3A_55 = tpu.memref_squeeze %dma_wait3A_54 : memref<1x128xi32, #tpu.memory_space<vmem>> -> memref<128xi32, #tpu.memory_space<vmem>>
        %dma_wait3A_56 = arith.constant 0 : i32
        %dma_wait3A_57 = arith.constant 0 : i32
        %dma_wait3A_58 = tpu.memref_slice %arg11[%dma_wait3A_56, %dma_wait3A_57] : memref<10240x128xf32, #tpu.memory_space<vmem_shared>> -> memref<10240x128xf32, #tpu.memory_space<vmem_shared>>
        tpu.wait_indirect_dma semaphore(%run_scoped3A : memref<!tpu.dma_semaphore, #tpu.memory_space<semaphore_mem>>) src(%arg10 : memref<128x128xf32, #tpu.memory_space<vmem>>) dst(%dma_wait3A_58 : memref<10240x128xf32, #tpu.memory_space<vmem_shared>>)
        tpu.yield
      }) : () -> ()
    }
    %scan3A_13 = arith.constant 20 : i32
    %barrier3A_14 = arith.constant 0 : index
    tpu.barrier barrier_id(%barrier3A_14)
    %mul3A_15 = arith.constant 640 : i32
    %mul3A_16 = arith.muli %arg1, %mul3A_15 : i32
    %mul3A_17 = arith.constant 640 : i32
    %mul3A_18 = arith.muli %arg1, %mul3A_17 : i32
    "tpu.region"() ({
      %run_scoped3A = tpu.sem_alloc : memref<!tpu.dma_semaphore, #tpu.memory_space<semaphore_mem>>
      %dma_start3A_19 = arith.constant 0 : i32
      %dma_start3A_20 = tpu.memref_slice %arg6[%arg0, %mul3A_18, %dma_start3A_19] : memref<2x10240x128xf32, #tpu.memory_space<hbm>> -> memref<1x640x128xf32, #tpu.memory_space<hbm>>
      %dma_start3A_21 = tpu.memref_squeeze %dma_start3A_20 : memref<1x640x128xf32, #tpu.memory_space<hbm>> -> memref<640x128xf32, #tpu.memory_space<hbm>>
      %dma_start3A_22 = arith.constant 0 : i32
      %dma_start3A_23 = tpu.memref_slice %arg11[%mul3A_16, %dma_start3A_22] : memref<10240x128xf32, #tpu.memory_space<vmem_shared>> -> memref<640x128xf32, #tpu.memory_space<vmem_shared>>
      tpu.enqueue_dma source(%dma_start3A_23 : memref<640x128xf32, #tpu.memory_space<vmem_shared>>) target(%dma_start3A_21 : memref<640x128xf32, #tpu.memory_space<hbm>>) target_semaphore(%run_scoped3A : memref<!tpu.dma_semaphore, #tpu.memory_space<semaphore_mem>>)
      %dma_wait3A = arith.constant 0 : i32
      %dma_wait3A_24 = tpu.memref_slice %arg6[%arg0, %mul3A_18, %dma_wait3A] : memref<2x10240x128xf32, #tpu.memory_space<hbm>> -> memref<1x640x128xf32, #tpu.memory_space<hbm>>
      %dma_wait3A_25 = tpu.memref_squeeze %dma_wait3A_24 : memref<1x640x128xf32, #tpu.memory_space<hbm>> -> memref<640x128xf32, #tpu.memory_space<hbm>>
      %dma_wait3A_26 = arith.constant 0 : i32
      %dma_wait3A_27 = tpu.memref_slice %arg11[%mul3A_16, %dma_wait3A_26] : memref<10240x128xf32, #tpu.memory_space<vmem_shared>> -> memref<640x128xf32, #tpu.memory_space<vmem_shared>>
      tpu.wait_dma2 semaphore(%run_scoped3A : memref<!tpu.dma_semaphore, #tpu.memory_space<semaphore_mem>>) src(%dma_wait3A_27 : memref<640x128xf32, #tpu.memory_space<vmem_shared>>) dst(%dma_wait3A_25 : memref<640x128xf32, #tpu.memory_space<hbm>>)
      tpu.yield
    }) : () -> ()
    return
  }
}

#map = affine_map<(d0, d1) -> (0, 0)>
#map1 = affine_map<(d0, d1) -> (0, 0, 0)>
module attributes {stable_mosaic.version = 14 : i64} {
  func.func @_agg(%arg0: i32, %arg1: i32, %arg2: memref<10240x128xf32, #tpu.memory_space<hbm>>, %arg3: memref<32x40x128xi32, #tpu.memory_space<hbm>>, %arg4: memref<32x40x128xi32, #tpu.memory_space<hbm>>, %arg5: memref<640x128xf32, #tpu.memory_space<hbm>>, %arg6: memref<2x10240x128xf32, #tpu.memory_space<hbm>>, %arg7: memref<40x128xi32, #tpu.memory_space<vmem>>, %arg8: memref<40x128xi32, #tpu.memory_space<vmem>>, %arg9: memref<128x128xf32, #tpu.memory_space<vmem>>, %arg10: memref<128x128xf32, #tpu.memory_space<vmem>>, %arg11: memref<10240x128xf32, #tpu.memory_space<vmem_shared>>, %arg12: memref<!tpu.dma_semaphore, #tpu.memory_space<semaphore_mem>>, %arg13: memref<!tpu.dma_semaphore, #tpu.memory_space<semaphore_mem>>) attributes {dimension_semantics = [#tpu.dimension_semantics<core_parallel>, #tpu.dimension_semantics<subcore_parallel>], iteration_bounds = array<i64: 2, 16>, scalar_prefetch = 0 : i64, scratch_operands = 7 : i64, tpu.core_type = #tpu.core_type<sc_vector_subcore>, window_params = [{transform_indices = #map}, {transform_indices = #map1}, {transform_indices = #map1}, {transform_indices = #map}, {transform_indices = #map1}]} {
    %mul3A = arith.constant 2 : i32
    %mul3A_0 = arith.muli %arg1, %mul3A : i32
    %add3A = arith.addi %mul3A_0, %arg0 : i32
    %mul3A_1 = arith.constant 640 : i32
    %mul3A_2 = arith.muli %arg1, %mul3A_1 : i32
    "tpu.region"() ({
      %run_scoped3A = tpu.sem_alloc : memref<!tpu.dma_semaphore, #tpu.memory_space<semaphore_mem>>
      %dma_start3A_19 = arith.constant 0 : i32
      %dma_start3A_20 = tpu.memref_slice %arg11[%mul3A_2, %dma_start3A_19] : memref<10240x128xf32, #tpu.memory_space<vmem_shared>> -> memref<640x128xf32, #tpu.memory_space<vmem_shared>>
      tpu.enqueue_dma source(%arg5 : memref<640x128xf32, #tpu.memory_space<hbm>>) target(%dma_start3A_20 : memref<640x128xf32, #tpu.memory_space<vmem_shared>>) target_semaphore(%run_scoped3A : memref<!tpu.dma_semaphore, #tpu.memory_space<semaphore_mem>>)
      %dma_wait3A = arith.constant 0 : i32
      %dma_wait3A_21 = tpu.memref_slice %arg11[%mul3A_2, %dma_wait3A] : memref<10240x128xf32, #tpu.memory_space<vmem_shared>> -> memref<640x128xf32, #tpu.memory_space<vmem_shared>>
      tpu.wait_dma2 semaphore(%run_scoped3A : memref<!tpu.dma_semaphore, #tpu.memory_space<semaphore_mem>>) src(%arg5 : memref<640x128xf32, #tpu.memory_space<hbm>>) dst(%dma_wait3A_21 : memref<640x128xf32, #tpu.memory_space<vmem_shared>>)
      tpu.yield
    }) : () -> ()
    "tpu.region"() ({
      %run_scoped3A = tpu.sem_alloc : memref<!tpu.dma_semaphore, #tpu.memory_space<semaphore_mem>>
      %dma_start3A_19 = arith.constant 0 : i32
      %dma_start3A_20 = arith.constant 0 : i32
      %dma_start3A_21 = tpu.memref_slice %arg3[%add3A, %dma_start3A_19, %dma_start3A_20] : memref<32x40x128xi32, #tpu.memory_space<hbm>> -> memref<1x40x128xi32, #tpu.memory_space<hbm>>
      %dma_start3A_22 = tpu.memref_squeeze %dma_start3A_21 : memref<1x40x128xi32, #tpu.memory_space<hbm>> -> memref<40x128xi32, #tpu.memory_space<hbm>>
      %dma_start3A_23 = arith.constant 0 : i32
      %dma_start3A_24 = arith.constant 0 : i32
      %dma_start3A_25 = tpu.memref_slice %arg3[%add3A, %dma_start3A_23, %dma_start3A_24] : memref<32x40x128xi32, #tpu.memory_space<hbm>> -> memref<1x40x128xi32, #tpu.memory_space<hbm>>
      %dma_start3A_26 = tpu.memref_squeeze %dma_start3A_25 : memref<1x40x128xi32, #tpu.memory_space<hbm>> -> memref<40x128xi32, #tpu.memory_space<hbm>>
      tpu.enqueue_dma source(%dma_start3A_26 : memref<40x128xi32, #tpu.memory_space<hbm>>) target(%arg7 : memref<40x128xi32, #tpu.memory_space<vmem>>) target_semaphore(%run_scoped3A : memref<!tpu.dma_semaphore, #tpu.memory_space<semaphore_mem>>)
      %dma_wait3A = arith.constant 0 : i32
      %dma_wait3A_27 = arith.constant 0 : i32
      %dma_wait3A_28 = tpu.memref_slice %arg3[%add3A, %dma_wait3A, %dma_wait3A_27] : memref<32x40x128xi32, #tpu.memory_space<hbm>> -> memref<1x40x128xi32, #tpu.memory_space<hbm>>
      %dma_wait3A_29 = tpu.memref_squeeze %dma_wait3A_28 : memref<1x40x128xi32, #tpu.memory_space<hbm>> -> memref<40x128xi32, #tpu.memory_space<hbm>>
      %dma_wait3A_30 = arith.constant 0 : i32
      %dma_wait3A_31 = arith.constant 0 : i32
      %dma_wait3A_32 = tpu.memref_slice %arg3[%add3A, %dma_wait3A_30, %dma_wait3A_31] : memref<32x40x128xi32, #tpu.memory_space<hbm>> -> memref<1x40x128xi32, #tpu.memory_space<hbm>>
      %dma_wait3A_33 = tpu.memref_squeeze %dma_wait3A_32 : memref<1x40x128xi32, #tpu.memory_space<hbm>> -> memref<40x128xi32, #tpu.memory_space<hbm>>
      tpu.wait_dma2 semaphore(%run_scoped3A : memref<!tpu.dma_semaphore, #tpu.memory_space<semaphore_mem>>) src(%dma_wait3A_33 : memref<40x128xi32, #tpu.memory_space<hbm>>) dst(%arg7 : memref<40x128xi32, #tpu.memory_space<vmem>>)
      tpu.yield
    }) : () -> ()
    "tpu.region"() ({
      %run_scoped3A = tpu.sem_alloc : memref<!tpu.dma_semaphore, #tpu.memory_space<semaphore_mem>>
      %dma_start3A_19 = arith.constant 0 : i32
      %dma_start3A_20 = arith.constant 0 : i32
      %dma_start3A_21 = tpu.memref_slice %arg4[%add3A, %dma_start3A_19, %dma_start3A_20] : memref<32x40x128xi32, #tpu.memory_space<hbm>> -> memref<1x40x128xi32, #tpu.memory_space<hbm>>
      %dma_start3A_22 = tpu.memref_squeeze %dma_start3A_21 : memref<1x40x128xi32, #tpu.memory_space<hbm>> -> memref<40x128xi32, #tpu.memory_space<hbm>>
      %dma_start3A_23 = arith.constant 0 : i32
      %dma_start3A_24 = arith.constant 0 : i32
      %dma_start3A_25 = tpu.memref_slice %arg4[%add3A, %dma_start3A_23, %dma_start3A_24] : memref<32x40x128xi32, #tpu.memory_space<hbm>> -> memref<1x40x128xi32, #tpu.memory_space<hbm>>
      %dma_start3A_26 = tpu.memref_squeeze %dma_start3A_25 : memref<1x40x128xi32, #tpu.memory_space<hbm>> -> memref<40x128xi32, #tpu.memory_space<hbm>>
      tpu.enqueue_dma source(%dma_start3A_26 : memref<40x128xi32, #tpu.memory_space<hbm>>) target(%arg8 : memref<40x128xi32, #tpu.memory_space<vmem>>) target_semaphore(%run_scoped3A : memref<!tpu.dma_semaphore, #tpu.memory_space<semaphore_mem>>)
      %dma_wait3A = arith.constant 0 : i32
      %dma_wait3A_27 = arith.constant 0 : i32
      %dma_wait3A_28 = tpu.memref_slice %arg4[%add3A, %dma_wait3A, %dma_wait3A_27] : memref<32x40x128xi32, #tpu.memory_space<hbm>> -> memref<1x40x128xi32, #tpu.memory_space<hbm>>
      %dma_wait3A_29 = tpu.memref_squeeze %dma_wait3A_28 : memref<1x40x128xi32, #tpu.memory_space<hbm>> -> memref<40x128xi32, #tpu.memory_space<hbm>>
      %dma_wait3A_30 = arith.constant 0 : i32
      %dma_wait3A_31 = arith.constant 0 : i32
      %dma_wait3A_32 = tpu.memref_slice %arg4[%add3A, %dma_wait3A_30, %dma_wait3A_31] : memref<32x40x128xi32, #tpu.memory_space<hbm>> -> memref<1x40x128xi32, #tpu.memory_space<hbm>>
      %dma_wait3A_33 = tpu.memref_squeeze %dma_wait3A_32 : memref<1x40x128xi32, #tpu.memory_space<hbm>> -> memref<40x128xi32, #tpu.memory_space<hbm>>
      tpu.wait_dma2 semaphore(%run_scoped3A : memref<!tpu.dma_semaphore, #tpu.memory_space<semaphore_mem>>) src(%dma_wait3A_33 : memref<40x128xi32, #tpu.memory_space<hbm>>) dst(%arg8 : memref<40x128xi32, #tpu.memory_space<vmem>>)
      tpu.yield
    }) : () -> ()
    %barrier3A = arith.constant 0 : index
    tpu.barrier barrier_id(%barrier3A)
    %dma_start3A = arith.constant 0 : i32
    %dma_start3A_3 = arith.constant 0 : i32
    %dma_start3A_4 = tpu.memref_slice %arg7[%dma_start3A, %dma_start3A_3] : memref<40x128xi32, #tpu.memory_space<vmem>> -> memref<1x128xi32, #tpu.memory_space<vmem>>
    %dma_start3A_5 = tpu.memref_squeeze %dma_start3A_4 : memref<1x128xi32, #tpu.memory_space<vmem>> -> memref<128xi32, #tpu.memory_space<vmem>>
    %dma_start3A_6 = arith.constant 0 : i32
    %dma_start3A_7 = arith.constant 0 : i32
    %dma_start3A_8 = tpu.memref_slice %arg2[%dma_start3A_6, %dma_start3A_7] : memref<10240x128xf32, #tpu.memory_space<hbm>> -> memref<10240x128xf32, #tpu.memory_space<hbm>>
    tpu.enqueue_indirect_dma source(%dma_start3A_8 : memref<10240x128xf32, #tpu.memory_space<hbm>>) target(%arg9 : memref<128x128xf32, #tpu.memory_space<vmem>>) offsets(%dma_start3A_5 : memref<128xi32, #tpu.memory_space<vmem>>) semaphore(%arg12 : memref<!tpu.dma_semaphore, #tpu.memory_space<semaphore_mem>>)
    %scan3A = arith.constant 0 : i32
    %scan3A_9 = arith.constant 0 : i32
    %scan3A_10 = arith.constant 20 : i32
    %scan3A_11 = arith.addi %scan3A_9, %scan3A_10 : i32
    %scan3A_12 = arith.constant 1 : i32
    scf.for %scan3A_19 = %scan3A_9 to %scan3A_11 step %scan3A_12  : i32 {
      %mul3A_20 = arith.constant 2 : i32
      %mul3A_21 = arith.muli %mul3A_20, %scan3A_19 : i32
      %add3A_22 = arith.constant 1 : i32
      %add3A_23 = arith.addi %mul3A_21, %add3A_22 : i32
      %dma_start3A_24 = arith.constant 0 : i32
      %dma_start3A_25 = tpu.memref_slice %arg7[%add3A_23, %dma_start3A_24] : memref<40x128xi32, #tpu.memory_space<vmem>> -> memref<1x128xi32, #tpu.memory_space<vmem>>
      %dma_start3A_26 = tpu.memref_squeeze %dma_start3A_25 : memref<1x128xi32, #tpu.memory_space<vmem>> -> memref<128xi32, #tpu.memory_space<vmem>>
      %dma_start3A_27 = arith.constant 0 : i32
      %dma_start3A_28 = arith.constant 0 : i32
      %dma_start3A_29 = tpu.memref_slice %arg2[%dma_start3A_27, %dma_start3A_28] : memref<10240x128xf32, #tpu.memory_space<hbm>> -> memref<10240x128xf32, #tpu.memory_space<hbm>>
      tpu.enqueue_indirect_dma source(%dma_start3A_29 : memref<10240x128xf32, #tpu.memory_space<hbm>>) target(%arg10 : memref<128x128xf32, #tpu.memory_space<vmem>>) offsets(%dma_start3A_26 : memref<128xi32, #tpu.memory_space<vmem>>) semaphore(%arg13 : memref<!tpu.dma_semaphore, #tpu.memory_space<semaphore_mem>>)
      %dma_wait3A = arith.constant 0 : i32
      %dma_wait3A_30 = arith.constant 0 : i32
      %dma_wait3A_31 = tpu.memref_slice %arg7[%dma_wait3A, %dma_wait3A_30] : memref<40x128xi32, #tpu.memory_space<vmem>> -> memref<1x128xi32, #tpu.memory_space<vmem>>
      %dma_wait3A_32 = tpu.memref_squeeze %dma_wait3A_31 : memref<1x128xi32, #tpu.memory_space<vmem>> -> memref<128xi32, #tpu.memory_space<vmem>>
      %dma_wait3A_33 = arith.constant 0 : i32
      %dma_wait3A_34 = arith.constant 0 : i32
      %dma_wait3A_35 = tpu.memref_slice %arg2[%dma_wait3A_33, %dma_wait3A_34] : memref<10240x128xf32, #tpu.memory_space<hbm>> -> memref<10240x128xf32, #tpu.memory_space<hbm>>
      tpu.wait_indirect_dma semaphore(%arg12 : memref<!tpu.dma_semaphore, #tpu.memory_space<semaphore_mem>>) src(%dma_wait3A_35 : memref<10240x128xf32, #tpu.memory_space<hbm>>) dst(%arg9 : memref<128x128xf32, #tpu.memory_space<vmem>>)
      "tpu.region"() ({
        %run_scoped3A = tpu.sem_alloc : memref<!tpu.dma_semaphore, #tpu.memory_space<semaphore_mem>>
        %dma_start3A_47 = arith.constant 0 : i32
        %dma_start3A_48 = tpu.memref_slice %arg8[%mul3A_21, %dma_start3A_47] : memref<40x128xi32, #tpu.memory_space<vmem>> -> memref<1x128xi32, #tpu.memory_space<vmem>>
        %dma_start3A_49 = tpu.memref_squeeze %dma_start3A_48 : memref<1x128xi32, #tpu.memory_space<vmem>> -> memref<128xi32, #tpu.memory_space<vmem>>
        %dma_start3A_50 = arith.constant 0 : i32
        %dma_start3A_51 = arith.constant 0 : i32
        %dma_start3A_52 = tpu.memref_slice %arg11[%dma_start3A_50, %dma_start3A_51] : memref<10240x128xf32, #tpu.memory_space<vmem_shared>> -> memref<10240x128xf32, #tpu.memory_space<vmem_shared>>
        tpu.enqueue_indirect_dma source(%arg9 : memref<128x128xf32, #tpu.memory_space<vmem>>) target(%dma_start3A_52 : memref<10240x128xf32, #tpu.memory_space<vmem_shared>>) offsets(%dma_start3A_49 : memref<128xi32, #tpu.memory_space<vmem>>) semaphore(%run_scoped3A : memref<!tpu.dma_semaphore, #tpu.memory_space<semaphore_mem>>) {add = true}
        %dma_wait3A_53 = arith.constant 0 : i32
        %dma_wait3A_54 = tpu.memref_slice %arg8[%mul3A_21, %dma_wait3A_53] : memref<40x128xi32, #tpu.memory_space<vmem>> -> memref<1x128xi32, #tpu.memory_space<vmem>>
        %dma_wait3A_55 = tpu.memref_squeeze %dma_wait3A_54 : memref<1x128xi32, #tpu.memory_space<vmem>> -> memref<128xi32, #tpu.memory_space<vmem>>
        %dma_wait3A_56 = arith.constant 0 : i32
        %dma_wait3A_57 = arith.constant 0 : i32
        %dma_wait3A_58 = tpu.memref_slice %arg11[%dma_wait3A_56, %dma_wait3A_57] : memref<10240x128xf32, #tpu.memory_space<vmem_shared>> -> memref<10240x128xf32, #tpu.memory_space<vmem_shared>>
        tpu.wait_indirect_dma semaphore(%run_scoped3A : memref<!tpu.dma_semaphore, #tpu.memory_space<semaphore_mem>>) src(%arg9 : memref<128x128xf32, #tpu.memory_space<vmem>>) dst(%dma_wait3A_58 : memref<10240x128xf32, #tpu.memory_space<vmem_shared>>)
        tpu.yield
      }) : () -> ()
      %lt3A = arith.constant 19 : i32
      %lt3A_36 = arith.cmpi slt, %scan3A_19, %lt3A : i32
      %convert_element_type3A = arith.extui %lt3A_36 : i1 to i32
      %cond3A = arith.constant 0 : i32
      %cond3A_37 = arith.cmpi ne, %convert_element_type3A, %cond3A : i32
      scf.if %cond3A_37 {
        %add3A_47 = arith.constant 2 : i32
        %add3A_48 = arith.addi %mul3A_21, %add3A_47 : i32
        %dma_start3A_49 = arith.constant 0 : i32
        %dma_start3A_50 = tpu.memref_slice %arg7[%add3A_48, %dma_start3A_49] : memref<40x128xi32, #tpu.memory_space<vmem>> -> memref<1x128xi32, #tpu.memory_space<vmem>>
        %dma_start3A_51 = tpu.memref_squeeze %dma_start3A_50 : memref<1x128xi32, #tpu.memory_space<vmem>> -> memref<128xi32, #tpu.memory_space<vmem>>
        %dma_start3A_52 = arith.constant 0 : i32
        %dma_start3A_53 = arith.constant 0 : i32
        %dma_start3A_54 = tpu.memref_slice %arg2[%dma_start3A_52, %dma_start3A_53] : memref<10240x128xf32, #tpu.memory_space<hbm>> -> memref<10240x128xf32, #tpu.memory_space<hbm>>
        tpu.enqueue_indirect_dma source(%dma_start3A_54 : memref<10240x128xf32, #tpu.memory_space<hbm>>) target(%arg9 : memref<128x128xf32, #tpu.memory_space<vmem>>) offsets(%dma_start3A_51 : memref<128xi32, #tpu.memory_space<vmem>>) semaphore(%arg12 : memref<!tpu.dma_semaphore, #tpu.memory_space<semaphore_mem>>)
      } else {
      }
      %dma_wait3A_38 = arith.constant 0 : i32
      %dma_wait3A_39 = arith.constant 0 : i32
      %dma_wait3A_40 = tpu.memref_slice %arg7[%dma_wait3A_38, %dma_wait3A_39] : memref<40x128xi32, #tpu.memory_space<vmem>> -> memref<1x128xi32, #tpu.memory_space<vmem>>
      %dma_wait3A_41 = tpu.memref_squeeze %dma_wait3A_40 : memref<1x128xi32, #tpu.memory_space<vmem>> -> memref<128xi32, #tpu.memory_space<vmem>>
      %dma_wait3A_42 = arith.constant 0 : i32
      %dma_wait3A_43 = arith.constant 0 : i32
      %dma_wait3A_44 = tpu.memref_slice %arg2[%dma_wait3A_42, %dma_wait3A_43] : memref<10240x128xf32, #tpu.memory_space<hbm>> -> memref<10240x128xf32, #tpu.memory_space<hbm>>
      tpu.wait_indirect_dma semaphore(%arg13 : memref<!tpu.dma_semaphore, #tpu.memory_space<semaphore_mem>>) src(%dma_wait3A_44 : memref<10240x128xf32, #tpu.memory_space<hbm>>) dst(%arg10 : memref<128x128xf32, #tpu.memory_space<vmem>>)
      %add3A_45 = arith.constant 1 : i32
      %add3A_46 = arith.addi %mul3A_21, %add3A_45 : i32
      "tpu.region"() ({
        %run_scoped3A = tpu.sem_alloc : memref<!tpu.dma_semaphore, #tpu.memory_space<semaphore_mem>>
        %dma_start3A_47 = arith.constant 0 : i32
        %dma_start3A_48 = tpu.memref_slice %arg8[%add3A_46, %dma_start3A_47] : memref<40x128xi32, #tpu.memory_space<vmem>> -> memref<1x128xi32, #tpu.memory_space<vmem>>
        %dma_start3A_49 = tpu.memref_squeeze %dma_start3A_48 : memref<1x128xi32, #tpu.memory_space<vmem>> -> memref<128xi32, #tpu.memory_space<vmem>>
        %dma_start3A_50 = arith.constant 0 : i32
        %dma_start3A_51 = arith.constant 0 : i32
        %dma_start3A_52 = tpu.memref_slice %arg11[%dma_start3A_50, %dma_start3A_51] : memref<10240x128xf32, #tpu.memory_space<vmem_shared>> -> memref<10240x128xf32, #tpu.memory_space<vmem_shared>>
        tpu.enqueue_indirect_dma source(%arg10 : memref<128x128xf32, #tpu.memory_space<vmem>>) target(%dma_start3A_52 : memref<10240x128xf32, #tpu.memory_space<vmem_shared>>) offsets(%dma_start3A_49 : memref<128xi32, #tpu.memory_space<vmem>>) semaphore(%run_scoped3A : memref<!tpu.dma_semaphore, #tpu.memory_space<semaphore_mem>>) {add = true}
        %dma_wait3A_53 = arith.constant 0 : i32
        %dma_wait3A_54 = tpu.memref_slice %arg8[%add3A_46, %dma_wait3A_53] : memref<40x128xi32, #tpu.memory_space<vmem>> -> memref<1x128xi32, #tpu.memory_space<vmem>>
        %dma_wait3A_55 = tpu.memref_squeeze %dma_wait3A_54 : memref<1x128xi32, #tpu.memory_space<vmem>> -> memref<128xi32, #tpu.memory_space<vmem>>
        %dma_wait3A_56 = arith.constant 0 : i32
        %dma_wait3A_57 = arith.constant 0 : i32
        %dma_wait3A_58 = tpu.memref_slice %arg11[%dma_wait3A_56, %dma_wait3A_57] : memref<10240x128xf32, #tpu.memory_space<vmem_shared>> -> memref<10240x128xf32, #tpu.memory_space<vmem_shared>>
        tpu.wait_indirect_dma semaphore(%run_scoped3A : memref<!tpu.dma_semaphore, #tpu.memory_space<semaphore_mem>>) src(%arg10 : memref<128x128xf32, #tpu.memory_space<vmem>>) dst(%dma_wait3A_58 : memref<10240x128xf32, #tpu.memory_space<vmem_shared>>)
        tpu.yield
      }) : () -> ()
    }
    %scan3A_13 = arith.constant 20 : i32
    %barrier3A_14 = arith.constant 0 : index
    tpu.barrier barrier_id(%barrier3A_14)
    %mul3A_15 = arith.constant 640 : i32
    %mul3A_16 = arith.muli %arg1, %mul3A_15 : i32
    %mul3A_17 = arith.constant 640 : i32
    %mul3A_18 = arith.muli %arg1, %mul3A_17 : i32
    "tpu.region"() ({
      %run_scoped3A = tpu.sem_alloc : memref<!tpu.dma_semaphore, #tpu.memory_space<semaphore_mem>>
      %dma_start3A_19 = arith.constant 0 : i32
      %dma_start3A_20 = tpu.memref_slice %arg6[%arg0, %mul3A_18, %dma_start3A_19] : memref<2x10240x128xf32, #tpu.memory_space<hbm>> -> memref<1x640x128xf32, #tpu.memory_space<hbm>>
      %dma_start3A_21 = tpu.memref_squeeze %dma_start3A_20 : memref<1x640x128xf32, #tpu.memory_space<hbm>> -> memref<640x128xf32, #tpu.memory_space<hbm>>
      %dma_start3A_22 = arith.constant 0 : i32
      %dma_start3A_23 = tpu.memref_slice %arg11[%mul3A_16, %dma_start3A_22] : memref<10240x128xf32, #tpu.memory_space<vmem_shared>> -> memref<640x128xf32, #tpu.memory_space<vmem_shared>>
      tpu.enqueue_dma source(%dma_start3A_23 : memref<640x128xf32, #tpu.memory_space<vmem_shared>>) target(%dma_start3A_21 : memref<640x128xf32, #tpu.memory_space<hbm>>) target_semaphore(%run_scoped3A : memref<!tpu.dma_semaphore, #tpu.memory_space<semaphore_mem>>)
      %dma_wait3A = arith.constant 0 : i32
      %dma_wait3A_24 = tpu.memref_slice %arg6[%arg0, %mul3A_18, %dma_wait3A] : memref<2x10240x128xf32, #tpu.memory_space<hbm>> -> memref<1x640x128xf32, #tpu.memory_space<hbm>>
      %dma_wait3A_25 = tpu.memref_squeeze %dma_wait3A_24 : memref<1x640x128xf32, #tpu.memory_space<hbm>> -> memref<640x128xf32, #tpu.memory_space<hbm>>
      %dma_wait3A_26 = arith.constant 0 : i32
      %dma_wait3A_27 = tpu.memref_slice %arg11[%mul3A_16, %dma_wait3A_26] : memref<10240x128xf32, #tpu.memory_space<vmem_shared>> -> memref<640x128xf32, #tpu.memory_space<vmem_shared>>
      tpu.wait_dma2 semaphore(%run_scoped3A : memref<!tpu.dma_semaphore, #tpu.memory_space<semaphore_mem>>) src(%dma_wait3A_27 : memref<640x128xf32, #tpu.memory_space<vmem_shared>>) dst(%dma_wait3A_25 : memref<640x128xf32, #tpu.memory_space<hbm>>)
      tpu.yield
    }) : () -> ()
    return
  }
}

#map = affine_map<(d0, d1) -> (0, 0)>
#map1 = affine_map<(d0, d1) -> (0, 0, 0)>
module attributes {stable_mosaic.version = 14 : i64} {
  func.func @_agg(%arg0: i32, %arg1: i32, %arg2: memref<10240x128xf32, #tpu.memory_space<hbm>>, %arg3: memref<32x40x128xi32, #tpu.memory_space<hbm>>, %arg4: memref<32x40x128xi32, #tpu.memory_space<hbm>>, %arg5: memref<640x128xf32, #tpu.memory_space<hbm>>, %arg6: memref<2x10240x128xf32, #tpu.memory_space<hbm>>, %arg7: memref<40x128xi32, #tpu.memory_space<vmem>>, %arg8: memref<40x128xi32, #tpu.memory_space<vmem>>, %arg9: memref<128x128xf32, #tpu.memory_space<vmem>>, %arg10: memref<128x128xf32, #tpu.memory_space<vmem>>, %arg11: memref<10240x128xf32, #tpu.memory_space<vmem_shared>>, %arg12: memref<!tpu.dma_semaphore, #tpu.memory_space<semaphore_mem>>, %arg13: memref<!tpu.dma_semaphore, #tpu.memory_space<semaphore_mem>>) attributes {dimension_semantics = [#tpu.dimension_semantics<core_parallel>, #tpu.dimension_semantics<subcore_parallel>], iteration_bounds = array<i64: 2, 16>, scalar_prefetch = 0 : i64, scratch_operands = 7 : i64, tpu.core_type = #tpu.core_type<sc_vector_subcore>, window_params = [{transform_indices = #map}, {transform_indices = #map1}, {transform_indices = #map1}, {transform_indices = #map}, {transform_indices = #map1}]} {
    %mul3A = arith.constant 2 : i32
    %mul3A_0 = arith.muli %arg1, %mul3A : i32
    %add3A = arith.addi %mul3A_0, %arg0 : i32
    %mul3A_1 = arith.constant 640 : i32
    %mul3A_2 = arith.muli %arg1, %mul3A_1 : i32
    "tpu.region"() ({
      %run_scoped3A = tpu.sem_alloc : memref<!tpu.dma_semaphore, #tpu.memory_space<semaphore_mem>>
      %dma_start3A_19 = arith.constant 0 : i32
      %dma_start3A_20 = tpu.memref_slice %arg11[%mul3A_2, %dma_start3A_19] : memref<10240x128xf32, #tpu.memory_space<vmem_shared>> -> memref<640x128xf32, #tpu.memory_space<vmem_shared>>
      tpu.enqueue_dma source(%arg5 : memref<640x128xf32, #tpu.memory_space<hbm>>) target(%dma_start3A_20 : memref<640x128xf32, #tpu.memory_space<vmem_shared>>) target_semaphore(%run_scoped3A : memref<!tpu.dma_semaphore, #tpu.memory_space<semaphore_mem>>)
      %dma_wait3A = arith.constant 0 : i32
      %dma_wait3A_21 = tpu.memref_slice %arg11[%mul3A_2, %dma_wait3A] : memref<10240x128xf32, #tpu.memory_space<vmem_shared>> -> memref<640x128xf32, #tpu.memory_space<vmem_shared>>
      tpu.wait_dma2 semaphore(%run_scoped3A : memref<!tpu.dma_semaphore, #tpu.memory_space<semaphore_mem>>) src(%arg5 : memref<640x128xf32, #tpu.memory_space<hbm>>) dst(%dma_wait3A_21 : memref<640x128xf32, #tpu.memory_space<vmem_shared>>)
      tpu.yield
    }) : () -> ()
    "tpu.region"() ({
      %run_scoped3A = tpu.sem_alloc : memref<!tpu.dma_semaphore, #tpu.memory_space<semaphore_mem>>
      %dma_start3A_19 = arith.constant 0 : i32
      %dma_start3A_20 = arith.constant 0 : i32
      %dma_start3A_21 = tpu.memref_slice %arg3[%add3A, %dma_start3A_19, %dma_start3A_20] : memref<32x40x128xi32, #tpu.memory_space<hbm>> -> memref<1x40x128xi32, #tpu.memory_space<hbm>>
      %dma_start3A_22 = tpu.memref_squeeze %dma_start3A_21 : memref<1x40x128xi32, #tpu.memory_space<hbm>> -> memref<40x128xi32, #tpu.memory_space<hbm>>
      %dma_start3A_23 = arith.constant 0 : i32
      %dma_start3A_24 = arith.constant 0 : i32
      %dma_start3A_25 = tpu.memref_slice %arg3[%add3A, %dma_start3A_23, %dma_start3A_24] : memref<32x40x128xi32, #tpu.memory_space<hbm>> -> memref<1x40x128xi32, #tpu.memory_space<hbm>>
      %dma_start3A_26 = tpu.memref_squeeze %dma_start3A_25 : memref<1x40x128xi32, #tpu.memory_space<hbm>> -> memref<40x128xi32, #tpu.memory_space<hbm>>
      tpu.enqueue_dma source(%dma_start3A_26 : memref<40x128xi32, #tpu.memory_space<hbm>>) target(%arg7 : memref<40x128xi32, #tpu.memory_space<vmem>>) target_semaphore(%run_scoped3A : memref<!tpu.dma_semaphore, #tpu.memory_space<semaphore_mem>>)
      %dma_wait3A = arith.constant 0 : i32
      %dma_wait3A_27 = arith.constant 0 : i32
      %dma_wait3A_28 = tpu.memref_slice %arg3[%add3A, %dma_wait3A, %dma_wait3A_27] : memref<32x40x128xi32, #tpu.memory_space<hbm>> -> memref<1x40x128xi32, #tpu.memory_space<hbm>>
      %dma_wait3A_29 = tpu.memref_squeeze %dma_wait3A_28 : memref<1x40x128xi32, #tpu.memory_space<hbm>> -> memref<40x128xi32, #tpu.memory_space<hbm>>
      %dma_wait3A_30 = arith.constant 0 : i32
      %dma_wait3A_31 = arith.constant 0 : i32
      %dma_wait3A_32 = tpu.memref_slice %arg3[%add3A, %dma_wait3A_30, %dma_wait3A_31] : memref<32x40x128xi32, #tpu.memory_space<hbm>> -> memref<1x40x128xi32, #tpu.memory_space<hbm>>
      %dma_wait3A_33 = tpu.memref_squeeze %dma_wait3A_32 : memref<1x40x128xi32, #tpu.memory_space<hbm>> -> memref<40x128xi32, #tpu.memory_space<hbm>>
      tpu.wait_dma2 semaphore(%run_scoped3A : memref<!tpu.dma_semaphore, #tpu.memory_space<semaphore_mem>>) src(%dma_wait3A_33 : memref<40x128xi32, #tpu.memory_space<hbm>>) dst(%arg7 : memref<40x128xi32, #tpu.memory_space<vmem>>)
      tpu.yield
    }) : () -> ()
    "tpu.region"() ({
      %run_scoped3A = tpu.sem_alloc : memref<!tpu.dma_semaphore, #tpu.memory_space<semaphore_mem>>
      %dma_start3A_19 = arith.constant 0 : i32
      %dma_start3A_20 = arith.constant 0 : i32
      %dma_start3A_21 = tpu.memref_slice %arg4[%add3A, %dma_start3A_19, %dma_start3A_20] : memref<32x40x128xi32, #tpu.memory_space<hbm>> -> memref<1x40x128xi32, #tpu.memory_space<hbm>>
      %dma_start3A_22 = tpu.memref_squeeze %dma_start3A_21 : memref<1x40x128xi32, #tpu.memory_space<hbm>> -> memref<40x128xi32, #tpu.memory_space<hbm>>
      %dma_start3A_23 = arith.constant 0 : i32
      %dma_start3A_24 = arith.constant 0 : i32
      %dma_start3A_25 = tpu.memref_slice %arg4[%add3A, %dma_start3A_23, %dma_start3A_24] : memref<32x40x128xi32, #tpu.memory_space<hbm>> -> memref<1x40x128xi32, #tpu.memory_space<hbm>>
      %dma_start3A_26 = tpu.memref_squeeze %dma_start3A_25 : memref<1x40x128xi32, #tpu.memory_space<hbm>> -> memref<40x128xi32, #tpu.memory_space<hbm>>
      tpu.enqueue_dma source(%dma_start3A_26 : memref<40x128xi32, #tpu.memory_space<hbm>>) target(%arg8 : memref<40x128xi32, #tpu.memory_space<vmem>>) target_semaphore(%run_scoped3A : memref<!tpu.dma_semaphore, #tpu.memory_space<semaphore_mem>>)
      %dma_wait3A = arith.constant 0 : i32
      %dma_wait3A_27 = arith.constant 0 : i32
      %dma_wait3A_28 = tpu.memref_slice %arg4[%add3A, %dma_wait3A, %dma_wait3A_27] : memref<32x40x128xi32, #tpu.memory_space<hbm>> -> memref<1x40x128xi32, #tpu.memory_space<hbm>>
      %dma_wait3A_29 = tpu.memref_squeeze %dma_wait3A_28 : memref<1x40x128xi32, #tpu.memory_space<hbm>> -> memref<40x128xi32, #tpu.memory_space<hbm>>
      %dma_wait3A_30 = arith.constant 0 : i32
      %dma_wait3A_31 = arith.constant 0 : i32
      %dma_wait3A_32 = tpu.memref_slice %arg4[%add3A, %dma_wait3A_30, %dma_wait3A_31] : memref<32x40x128xi32, #tpu.memory_space<hbm>> -> memref<1x40x128xi32, #tpu.memory_space<hbm>>
      %dma_wait3A_33 = tpu.memref_squeeze %dma_wait3A_32 : memref<1x40x128xi32, #tpu.memory_space<hbm>> -> memref<40x128xi32, #tpu.memory_space<hbm>>
      tpu.wait_dma2 semaphore(%run_scoped3A : memref<!tpu.dma_semaphore, #tpu.memory_space<semaphore_mem>>) src(%dma_wait3A_33 : memref<40x128xi32, #tpu.memory_space<hbm>>) dst(%arg8 : memref<40x128xi32, #tpu.memory_space<vmem>>)
      tpu.yield
    }) : () -> ()
    %barrier3A = arith.constant 0 : index
    tpu.barrier barrier_id(%barrier3A)
    %dma_start3A = arith.constant 0 : i32
    %dma_start3A_3 = arith.constant 0 : i32
    %dma_start3A_4 = tpu.memref_slice %arg7[%dma_start3A, %dma_start3A_3] : memref<40x128xi32, #tpu.memory_space<vmem>> -> memref<1x128xi32, #tpu.memory_space<vmem>>
    %dma_start3A_5 = tpu.memref_squeeze %dma_start3A_4 : memref<1x128xi32, #tpu.memory_space<vmem>> -> memref<128xi32, #tpu.memory_space<vmem>>
    %dma_start3A_6 = arith.constant 0 : i32
    %dma_start3A_7 = arith.constant 0 : i32
    %dma_start3A_8 = tpu.memref_slice %arg2[%dma_start3A_6, %dma_start3A_7] : memref<10240x128xf32, #tpu.memory_space<hbm>> -> memref<10240x128xf32, #tpu.memory_space<hbm>>
    tpu.enqueue_indirect_dma source(%dma_start3A_8 : memref<10240x128xf32, #tpu.memory_space<hbm>>) target(%arg9 : memref<128x128xf32, #tpu.memory_space<vmem>>) offsets(%dma_start3A_5 : memref<128xi32, #tpu.memory_space<vmem>>) semaphore(%arg12 : memref<!tpu.dma_semaphore, #tpu.memory_space<semaphore_mem>>)
    %scan3A = arith.constant 0 : i32
    %scan3A_9 = arith.constant 0 : i32
    %scan3A_10 = arith.constant 20 : i32
    %scan3A_11 = arith.addi %scan3A_9, %scan3A_10 : i32
    %scan3A_12 = arith.constant 1 : i32
    scf.for %scan3A_19 = %scan3A_9 to %scan3A_11 step %scan3A_12  : i32 {
      %mul3A_20 = arith.constant 2 : i32
      %mul3A_21 = arith.muli %mul3A_20, %scan3A_19 : i32
      %add3A_22 = arith.constant 1 : i32
      %add3A_23 = arith.addi %mul3A_21, %add3A_22 : i32
      %dma_start3A_24 = arith.constant 0 : i32
      %dma_start3A_25 = tpu.memref_slice %arg7[%add3A_23, %dma_start3A_24] : memref<40x128xi32, #tpu.memory_space<vmem>> -> memref<1x128xi32, #tpu.memory_space<vmem>>
      %dma_start3A_26 = tpu.memref_squeeze %dma_start3A_25 : memref<1x128xi32, #tpu.memory_space<vmem>> -> memref<128xi32, #tpu.memory_space<vmem>>
      %dma_start3A_27 = arith.constant 0 : i32
      %dma_start3A_28 = arith.constant 0 : i32
      %dma_start3A_29 = tpu.memref_slice %arg2[%dma_start3A_27, %dma_start3A_28] : memref<10240x128xf32, #tpu.memory_space<hbm>> -> memref<10240x128xf32, #tpu.memory_space<hbm>>
      tpu.enqueue_indirect_dma source(%dma_start3A_29 : memref<10240x128xf32, #tpu.memory_space<hbm>>) target(%arg10 : memref<128x128xf32, #tpu.memory_space<vmem>>) offsets(%dma_start3A_26 : memref<128xi32, #tpu.memory_space<vmem>>) semaphore(%arg13 : memref<!tpu.dma_semaphore, #tpu.memory_space<semaphore_mem>>)
      %dma_wait3A = arith.constant 0 : i32
      %dma_wait3A_30 = arith.constant 0 : i32
      %dma_wait3A_31 = tpu.memref_slice %arg7[%dma_wait3A, %dma_wait3A_30] : memref<40x128xi32, #tpu.memory_space<vmem>> -> memref<1x128xi32, #tpu.memory_space<vmem>>
      %dma_wait3A_32 = tpu.memref_squeeze %dma_wait3A_31 : memref<1x128xi32, #tpu.memory_space<vmem>> -> memref<128xi32, #tpu.memory_space<vmem>>
      %dma_wait3A_33 = arith.constant 0 : i32
      %dma_wait3A_34 = arith.constant 0 : i32
      %dma_wait3A_35 = tpu.memref_slice %arg2[%dma_wait3A_33, %dma_wait3A_34] : memref<10240x128xf32, #tpu.memory_space<hbm>> -> memref<10240x128xf32, #tpu.memory_space<hbm>>
      tpu.wait_indirect_dma semaphore(%arg12 : memref<!tpu.dma_semaphore, #tpu.memory_space<semaphore_mem>>) src(%dma_wait3A_35 : memref<10240x128xf32, #tpu.memory_space<hbm>>) dst(%arg9 : memref<128x128xf32, #tpu.memory_space<vmem>>)
      "tpu.region"() ({
        %run_scoped3A = tpu.sem_alloc : memref<!tpu.dma_semaphore, #tpu.memory_space<semaphore_mem>>
        %dma_start3A_47 = arith.constant 0 : i32
        %dma_start3A_48 = tpu.memref_slice %arg8[%mul3A_21, %dma_start3A_47] : memref<40x128xi32, #tpu.memory_space<vmem>> -> memref<1x128xi32, #tpu.memory_space<vmem>>
        %dma_start3A_49 = tpu.memref_squeeze %dma_start3A_48 : memref<1x128xi32, #tpu.memory_space<vmem>> -> memref<128xi32, #tpu.memory_space<vmem>>
        %dma_start3A_50 = arith.constant 0 : i32
        %dma_start3A_51 = arith.constant 0 : i32
        %dma_start3A_52 = tpu.memref_slice %arg11[%dma_start3A_50, %dma_start3A_51] : memref<10240x128xf32, #tpu.memory_space<vmem_shared>> -> memref<10240x128xf32, #tpu.memory_space<vmem_shared>>
        tpu.enqueue_indirect_dma source(%arg9 : memref<128x128xf32, #tpu.memory_space<vmem>>) target(%dma_start3A_52 : memref<10240x128xf32, #tpu.memory_space<vmem_shared>>) offsets(%dma_start3A_49 : memref<128xi32, #tpu.memory_space<vmem>>) semaphore(%run_scoped3A : memref<!tpu.dma_semaphore, #tpu.memory_space<semaphore_mem>>) {add = true}
        %dma_wait3A_53 = arith.constant 0 : i32
        %dma_wait3A_54 = tpu.memref_slice %arg8[%mul3A_21, %dma_wait3A_53] : memref<40x128xi32, #tpu.memory_space<vmem>> -> memref<1x128xi32, #tpu.memory_space<vmem>>
        %dma_wait3A_55 = tpu.memref_squeeze %dma_wait3A_54 : memref<1x128xi32, #tpu.memory_space<vmem>> -> memref<128xi32, #tpu.memory_space<vmem>>
        %dma_wait3A_56 = arith.constant 0 : i32
        %dma_wait3A_57 = arith.constant 0 : i32
        %dma_wait3A_58 = tpu.memref_slice %arg11[%dma_wait3A_56, %dma_wait3A_57] : memref<10240x128xf32, #tpu.memory_space<vmem_shared>> -> memref<10240x128xf32, #tpu.memory_space<vmem_shared>>
        tpu.wait_indirect_dma semaphore(%run_scoped3A : memref<!tpu.dma_semaphore, #tpu.memory_space<semaphore_mem>>) src(%arg9 : memref<128x128xf32, #tpu.memory_space<vmem>>) dst(%dma_wait3A_58 : memref<10240x128xf32, #tpu.memory_space<vmem_shared>>)
        tpu.yield
      }) : () -> ()
      %lt3A = arith.constant 19 : i32
      %lt3A_36 = arith.cmpi slt, %scan3A_19, %lt3A : i32
      %convert_element_type3A = arith.extui %lt3A_36 : i1 to i32
      %cond3A = arith.constant 0 : i32
      %cond3A_37 = arith.cmpi ne, %convert_element_type3A, %cond3A : i32
      scf.if %cond3A_37 {
        %add3A_47 = arith.constant 2 : i32
        %add3A_48 = arith.addi %mul3A_21, %add3A_47 : i32
        %dma_start3A_49 = arith.constant 0 : i32
        %dma_start3A_50 = tpu.memref_slice %arg7[%add3A_48, %dma_start3A_49] : memref<40x128xi32, #tpu.memory_space<vmem>> -> memref<1x128xi32, #tpu.memory_space<vmem>>
        %dma_start3A_51 = tpu.memref_squeeze %dma_start3A_50 : memref<1x128xi32, #tpu.memory_space<vmem>> -> memref<128xi32, #tpu.memory_space<vmem>>
        %dma_start3A_52 = arith.constant 0 : i32
        %dma_start3A_53 = arith.constant 0 : i32
        %dma_start3A_54 = tpu.memref_slice %arg2[%dma_start3A_52, %dma_start3A_53] : memref<10240x128xf32, #tpu.memory_space<hbm>> -> memref<10240x128xf32, #tpu.memory_space<hbm>>
        tpu.enqueue_indirect_dma source(%dma_start3A_54 : memref<10240x128xf32, #tpu.memory_space<hbm>>) target(%arg9 : memref<128x128xf32, #tpu.memory_space<vmem>>) offsets(%dma_start3A_51 : memref<128xi32, #tpu.memory_space<vmem>>) semaphore(%arg12 : memref<!tpu.dma_semaphore, #tpu.memory_space<semaphore_mem>>)
      } else {
      }
      %dma_wait3A_38 = arith.constant 0 : i32
      %dma_wait3A_39 = arith.constant 0 : i32
      %dma_wait3A_40 = tpu.memref_slice %arg7[%dma_wait3A_38, %dma_wait3A_39] : memref<40x128xi32, #tpu.memory_space<vmem>> -> memref<1x128xi32, #tpu.memory_space<vmem>>
      %dma_wait3A_41 = tpu.memref_squeeze %dma_wait3A_40 : memref<1x128xi32, #tpu.memory_space<vmem>> -> memref<128xi32, #tpu.memory_space<vmem>>
      %dma_wait3A_42 = arith.constant 0 : i32
      %dma_wait3A_43 = arith.constant 0 : i32
      %dma_wait3A_44 = tpu.memref_slice %arg2[%dma_wait3A_42, %dma_wait3A_43] : memref<10240x128xf32, #tpu.memory_space<hbm>> -> memref<10240x128xf32, #tpu.memory_space<hbm>>
      tpu.wait_indirect_dma semaphore(%arg13 : memref<!tpu.dma_semaphore, #tpu.memory_space<semaphore_mem>>) src(%dma_wait3A_44 : memref<10240x128xf32, #tpu.memory_space<hbm>>) dst(%arg10 : memref<128x128xf32, #tpu.memory_space<vmem>>)
      %add3A_45 = arith.constant 1 : i32
      %add3A_46 = arith.addi %mul3A_21, %add3A_45 : i32
      "tpu.region"() ({
        %run_scoped3A = tpu.sem_alloc : memref<!tpu.dma_semaphore, #tpu.memory_space<semaphore_mem>>
        %dma_start3A_47 = arith.constant 0 : i32
        %dma_start3A_48 = tpu.memref_slice %arg8[%add3A_46, %dma_start3A_47] : memref<40x128xi32, #tpu.memory_space<vmem>> -> memref<1x128xi32, #tpu.memory_space<vmem>>
        %dma_start3A_49 = tpu.memref_squeeze %dma_start3A_48 : memref<1x128xi32, #tpu.memory_space<vmem>> -> memref<128xi32, #tpu.memory_space<vmem>>
        %dma_start3A_50 = arith.constant 0 : i32
        %dma_start3A_51 = arith.constant 0 : i32
        %dma_start3A_52 = tpu.memref_slice %arg11[%dma_start3A_50, %dma_start3A_51] : memref<10240x128xf32, #tpu.memory_space<vmem_shared>> -> memref<10240x128xf32, #tpu.memory_space<vmem_shared>>
        tpu.enqueue_indirect_dma source(%arg10 : memref<128x128xf32, #tpu.memory_space<vmem>>) target(%dma_start3A_52 : memref<10240x128xf32, #tpu.memory_space<vmem_shared>>) offsets(%dma_start3A_49 : memref<128xi32, #tpu.memory_space<vmem>>) semaphore(%run_scoped3A : memref<!tpu.dma_semaphore, #tpu.memory_space<semaphore_mem>>) {add = true}
        %dma_wait3A_53 = arith.constant 0 : i32
        %dma_wait3A_54 = tpu.memref_slice %arg8[%add3A_46, %dma_wait3A_53] : memref<40x128xi32, #tpu.memory_space<vmem>> -> memref<1x128xi32, #tpu.memory_space<vmem>>
        %dma_wait3A_55 = tpu.memref_squeeze %dma_wait3A_54 : memref<1x128xi32, #tpu.memory_space<vmem>> -> memref<128xi32, #tpu.memory_space<vmem>>
        %dma_wait3A_56 = arith.constant 0 : i32
        %dma_wait3A_57 = arith.constant 0 : i32
        %dma_wait3A_58 = tpu.memref_slice %arg11[%dma_wait3A_56, %dma_wait3A_57] : memref<10240x128xf32, #tpu.memory_space<vmem_shared>> -> memref<10240x128xf32, #tpu.memory_space<vmem_shared>>
        tpu.wait_indirect_dma semaphore(%run_scoped3A : memref<!tpu.dma_semaphore, #tpu.memory_space<semaphore_mem>>) src(%arg10 : memref<128x128xf32, #tpu.memory_space<vmem>>) dst(%dma_wait3A_58 : memref<10240x128xf32, #tpu.memory_space<vmem_shared>>)
        tpu.yield
      }) : () -> ()
    }
    %scan3A_13 = arith.constant 20 : i32
    %barrier3A_14 = arith.constant 0 : index
    tpu.barrier barrier_id(%barrier3A_14)
    %mul3A_15 = arith.constant 640 : i32
    %mul3A_16 = arith.muli %arg1, %mul3A_15 : i32
    %mul3A_17 = arith.constant 640 : i32
    %mul3A_18 = arith.muli %arg1, %mul3A_17 : i32
    "tpu.region"() ({
      %run_scoped3A = tpu.sem_alloc : memref<!tpu.dma_semaphore, #tpu.memory_space<semaphore_mem>>
      %dma_start3A_19 = arith.constant 0 : i32
      %dma_start3A_20 = tpu.memref_slice %arg6[%arg0, %mul3A_18, %dma_start3A_19] : memref<2x10240x128xf32, #tpu.memory_space<hbm>> -> memref<1x640x128xf32, #tpu.memory_space<hbm>>
      %dma_start3A_21 = tpu.memref_squeeze %dma_start3A_20 : memref<1x640x128xf32, #tpu.memory_space<hbm>> -> memref<640x128xf32, #tpu.memory_space<hbm>>
      %dma_start3A_22 = arith.constant 0 : i32
      %dma_start3A_23 = tpu.memref_slice %arg11[%mul3A_16, %dma_start3A_22] : memref<10240x128xf32, #tpu.memory_space<vmem_shared>> -> memref<640x128xf32, #tpu.memory_space<vmem_shared>>
      tpu.enqueue_dma source(%dma_start3A_23 : memref<640x128xf32, #tpu.memory_space<vmem_shared>>) target(%dma_start3A_21 : memref<640x128xf32, #tpu.memory_space<hbm>>) target_semaphore(%run_scoped3A : memref<!tpu.dma_semaphore, #tpu.memory_space<semaphore_mem>>)
      %dma_wait3A = arith.constant 0 : i32
      %dma_wait3A_24 = tpu.memref_slice %arg6[%arg0, %mul3A_18, %dma_wait3A] : memref<2x10240x128xf32, #tpu.memory_space<hbm>> -> memref<1x640x128xf32, #tpu.memory_space<hbm>>
      %dma_wait3A_25 = tpu.memref_squeeze %dma_wait3A_24 : memref<1x640x128xf32, #tpu.memory_space<hbm>> -> memref<640x128xf32, #tpu.memory_space<hbm>>
      %dma_wait3A_26 = arith.constant 0 : i32
      %dma_wait3A_27 = tpu.memref_slice %arg11[%mul3A_16, %dma_wait3A_26] : memref<10240x128xf32, #tpu.memory_space<vmem_shared>> -> memref<640x128xf32, #tpu.memory_space<vmem_shared>>
      tpu.wait_dma2 semaphore(%run_scoped3A : memref<!tpu.dma_semaphore, #tpu.memory_space<semaphore_mem>>) src(%dma_wait3A_27 : memref<640x128xf32, #tpu.memory_space<vmem_shared>>) dst(%dma_wait3A_25 : memref<640x128xf32, #tpu.memory_space<hbm>>)
      tpu.yield
    }) : () -> ()
    return
  }
}

#map = affine_map<(d0, d1) -> (0, 0)>
#map1 = affine_map<(d0, d1) -> (0, 0, 0)>
module attributes {stable_mosaic.version = 14 : i64} {
  func.func @_agg(%arg0: i32, %arg1: i32, %arg2: memref<10240x128xf32, #tpu.memory_space<hbm>>, %arg3: memref<32x40x128xi32, #tpu.memory_space<hbm>>, %arg4: memref<32x40x128xi32, #tpu.memory_space<hbm>>, %arg5: memref<640x128xf32, #tpu.memory_space<hbm>>, %arg6: memref<2x10240x128xf32, #tpu.memory_space<hbm>>, %arg7: memref<40x128xi32, #tpu.memory_space<vmem>>, %arg8: memref<40x128xi32, #tpu.memory_space<vmem>>, %arg9: memref<128x128xf32, #tpu.memory_space<vmem>>, %arg10: memref<128x128xf32, #tpu.memory_space<vmem>>, %arg11: memref<10240x128xf32, #tpu.memory_space<vmem_shared>>, %arg12: memref<!tpu.dma_semaphore, #tpu.memory_space<semaphore_mem>>, %arg13: memref<!tpu.dma_semaphore, #tpu.memory_space<semaphore_mem>>) attributes {dimension_semantics = [#tpu.dimension_semantics<core_parallel>, #tpu.dimension_semantics<subcore_parallel>], iteration_bounds = array<i64: 2, 16>, scalar_prefetch = 0 : i64, scratch_operands = 7 : i64, tpu.core_type = #tpu.core_type<sc_vector_subcore>, window_params = [{transform_indices = #map}, {transform_indices = #map1}, {transform_indices = #map1}, {transform_indices = #map}, {transform_indices = #map1}]} {
    %mul3A = arith.constant 2 : i32
    %mul3A_0 = arith.muli %arg1, %mul3A : i32
    %add3A = arith.addi %mul3A_0, %arg0 : i32
    %mul3A_1 = arith.constant 640 : i32
    %mul3A_2 = arith.muli %arg1, %mul3A_1 : i32
    "tpu.region"() ({
      %run_scoped3A = tpu.sem_alloc : memref<!tpu.dma_semaphore, #tpu.memory_space<semaphore_mem>>
      %dma_start3A_19 = arith.constant 0 : i32
      %dma_start3A_20 = tpu.memref_slice %arg11[%mul3A_2, %dma_start3A_19] : memref<10240x128xf32, #tpu.memory_space<vmem_shared>> -> memref<640x128xf32, #tpu.memory_space<vmem_shared>>
      tpu.enqueue_dma source(%arg5 : memref<640x128xf32, #tpu.memory_space<hbm>>) target(%dma_start3A_20 : memref<640x128xf32, #tpu.memory_space<vmem_shared>>) target_semaphore(%run_scoped3A : memref<!tpu.dma_semaphore, #tpu.memory_space<semaphore_mem>>)
      %dma_wait3A = arith.constant 0 : i32
      %dma_wait3A_21 = tpu.memref_slice %arg11[%mul3A_2, %dma_wait3A] : memref<10240x128xf32, #tpu.memory_space<vmem_shared>> -> memref<640x128xf32, #tpu.memory_space<vmem_shared>>
      tpu.wait_dma2 semaphore(%run_scoped3A : memref<!tpu.dma_semaphore, #tpu.memory_space<semaphore_mem>>) src(%arg5 : memref<640x128xf32, #tpu.memory_space<hbm>>) dst(%dma_wait3A_21 : memref<640x128xf32, #tpu.memory_space<vmem_shared>>)
      tpu.yield
    }) : () -> ()
    "tpu.region"() ({
      %run_scoped3A = tpu.sem_alloc : memref<!tpu.dma_semaphore, #tpu.memory_space<semaphore_mem>>
      %dma_start3A_19 = arith.constant 0 : i32
      %dma_start3A_20 = arith.constant 0 : i32
      %dma_start3A_21 = tpu.memref_slice %arg3[%add3A, %dma_start3A_19, %dma_start3A_20] : memref<32x40x128xi32, #tpu.memory_space<hbm>> -> memref<1x40x128xi32, #tpu.memory_space<hbm>>
      %dma_start3A_22 = tpu.memref_squeeze %dma_start3A_21 : memref<1x40x128xi32, #tpu.memory_space<hbm>> -> memref<40x128xi32, #tpu.memory_space<hbm>>
      %dma_start3A_23 = arith.constant 0 : i32
      %dma_start3A_24 = arith.constant 0 : i32
      %dma_start3A_25 = tpu.memref_slice %arg3[%add3A, %dma_start3A_23, %dma_start3A_24] : memref<32x40x128xi32, #tpu.memory_space<hbm>> -> memref<1x40x128xi32, #tpu.memory_space<hbm>>
      %dma_start3A_26 = tpu.memref_squeeze %dma_start3A_25 : memref<1x40x128xi32, #tpu.memory_space<hbm>> -> memref<40x128xi32, #tpu.memory_space<hbm>>
      tpu.enqueue_dma source(%dma_start3A_26 : memref<40x128xi32, #tpu.memory_space<hbm>>) target(%arg7 : memref<40x128xi32, #tpu.memory_space<vmem>>) target_semaphore(%run_scoped3A : memref<!tpu.dma_semaphore, #tpu.memory_space<semaphore_mem>>)
      %dma_wait3A = arith.constant 0 : i32
      %dma_wait3A_27 = arith.constant 0 : i32
      %dma_wait3A_28 = tpu.memref_slice %arg3[%add3A, %dma_wait3A, %dma_wait3A_27] : memref<32x40x128xi32, #tpu.memory_space<hbm>> -> memref<1x40x128xi32, #tpu.memory_space<hbm>>
      %dma_wait3A_29 = tpu.memref_squeeze %dma_wait3A_28 : memref<1x40x128xi32, #tpu.memory_space<hbm>> -> memref<40x128xi32, #tpu.memory_space<hbm>>
      %dma_wait3A_30 = arith.constant 0 : i32
      %dma_wait3A_31 = arith.constant 0 : i32
      %dma_wait3A_32 = tpu.memref_slice %arg3[%add3A, %dma_wait3A_30, %dma_wait3A_31] : memref<32x40x128xi32, #tpu.memory_space<hbm>> -> memref<1x40x128xi32, #tpu.memory_space<hbm>>
      %dma_wait3A_33 = tpu.memref_squeeze %dma_wait3A_32 : memref<1x40x128xi32, #tpu.memory_space<hbm>> -> memref<40x128xi32, #tpu.memory_space<hbm>>
      tpu.wait_dma2 semaphore(%run_scoped3A : memref<!tpu.dma_semaphore, #tpu.memory_space<semaphore_mem>>) src(%dma_wait3A_33 : memref<40x128xi32, #tpu.memory_space<hbm>>) dst(%arg7 : memref<40x128xi32, #tpu.memory_space<vmem>>)
      tpu.yield
    }) : () -> ()
    "tpu.region"() ({
      %run_scoped3A = tpu.sem_alloc : memref<!tpu.dma_semaphore, #tpu.memory_space<semaphore_mem>>
      %dma_start3A_19 = arith.constant 0 : i32
      %dma_start3A_20 = arith.constant 0 : i32
      %dma_start3A_21 = tpu.memref_slice %arg4[%add3A, %dma_start3A_19, %dma_start3A_20] : memref<32x40x128xi32, #tpu.memory_space<hbm>> -> memref<1x40x128xi32, #tpu.memory_space<hbm>>
      %dma_start3A_22 = tpu.memref_squeeze %dma_start3A_21 : memref<1x40x128xi32, #tpu.memory_space<hbm>> -> memref<40x128xi32, #tpu.memory_space<hbm>>
      %dma_start3A_23 = arith.constant 0 : i32
      %dma_start3A_24 = arith.constant 0 : i32
      %dma_start3A_25 = tpu.memref_slice %arg4[%add3A, %dma_start3A_23, %dma_start3A_24] : memref<32x40x128xi32, #tpu.memory_space<hbm>> -> memref<1x40x128xi32, #tpu.memory_space<hbm>>
      %dma_start3A_26 = tpu.memref_squeeze %dma_start3A_25 : memref<1x40x128xi32, #tpu.memory_space<hbm>> -> memref<40x128xi32, #tpu.memory_space<hbm>>
      tpu.enqueue_dma source(%dma_start3A_26 : memref<40x128xi32, #tpu.memory_space<hbm>>) target(%arg8 : memref<40x128xi32, #tpu.memory_space<vmem>>) target_semaphore(%run_scoped3A : memref<!tpu.dma_semaphore, #tpu.memory_space<semaphore_mem>>)
      %dma_wait3A = arith.constant 0 : i32
      %dma_wait3A_27 = arith.constant 0 : i32
      %dma_wait3A_28 = tpu.memref_slice %arg4[%add3A, %dma_wait3A, %dma_wait3A_27] : memref<32x40x128xi32, #tpu.memory_space<hbm>> -> memref<1x40x128xi32, #tpu.memory_space<hbm>>
      %dma_wait3A_29 = tpu.memref_squeeze %dma_wait3A_28 : memref<1x40x128xi32, #tpu.memory_space<hbm>> -> memref<40x128xi32, #tpu.memory_space<hbm>>
      %dma_wait3A_30 = arith.constant 0 : i32
      %dma_wait3A_31 = arith.constant 0 : i32
      %dma_wait3A_32 = tpu.memref_slice %arg4[%add3A, %dma_wait3A_30, %dma_wait3A_31] : memref<32x40x128xi32, #tpu.memory_space<hbm>> -> memref<1x40x128xi32, #tpu.memory_space<hbm>>
      %dma_wait3A_33 = tpu.memref_squeeze %dma_wait3A_32 : memref<1x40x128xi32, #tpu.memory_space<hbm>> -> memref<40x128xi32, #tpu.memory_space<hbm>>
      tpu.wait_dma2 semaphore(%run_scoped3A : memref<!tpu.dma_semaphore, #tpu.memory_space<semaphore_mem>>) src(%dma_wait3A_33 : memref<40x128xi32, #tpu.memory_space<hbm>>) dst(%arg8 : memref<40x128xi32, #tpu.memory_space<vmem>>)
      tpu.yield
    }) : () -> ()
    %barrier3A = arith.constant 0 : index
    tpu.barrier barrier_id(%barrier3A)
    %dma_start3A = arith.constant 0 : i32
    %dma_start3A_3 = arith.constant 0 : i32
    %dma_start3A_4 = tpu.memref_slice %arg7[%dma_start3A, %dma_start3A_3] : memref<40x128xi32, #tpu.memory_space<vmem>> -> memref<1x128xi32, #tpu.memory_space<vmem>>
    %dma_start3A_5 = tpu.memref_squeeze %dma_start3A_4 : memref<1x128xi32, #tpu.memory_space<vmem>> -> memref<128xi32, #tpu.memory_space<vmem>>
    %dma_start3A_6 = arith.constant 0 : i32
    %dma_start3A_7 = arith.constant 0 : i32
    %dma_start3A_8 = tpu.memref_slice %arg2[%dma_start3A_6, %dma_start3A_7] : memref<10240x128xf32, #tpu.memory_space<hbm>> -> memref<10240x128xf32, #tpu.memory_space<hbm>>
    tpu.enqueue_indirect_dma source(%dma_start3A_8 : memref<10240x128xf32, #tpu.memory_space<hbm>>) target(%arg9 : memref<128x128xf32, #tpu.memory_space<vmem>>) offsets(%dma_start3A_5 : memref<128xi32, #tpu.memory_space<vmem>>) semaphore(%arg12 : memref<!tpu.dma_semaphore, #tpu.memory_space<semaphore_mem>>)
    %scan3A = arith.constant 0 : i32
    %scan3A_9 = arith.constant 0 : i32
    %scan3A_10 = arith.constant 20 : i32
    %scan3A_11 = arith.addi %scan3A_9, %scan3A_10 : i32
    %scan3A_12 = arith.constant 1 : i32
    scf.for %scan3A_19 = %scan3A_9 to %scan3A_11 step %scan3A_12  : i32 {
      %mul3A_20 = arith.constant 2 : i32
      %mul3A_21 = arith.muli %mul3A_20, %scan3A_19 : i32
      %add3A_22 = arith.constant 1 : i32
      %add3A_23 = arith.addi %mul3A_21, %add3A_22 : i32
      %dma_start3A_24 = arith.constant 0 : i32
      %dma_start3A_25 = tpu.memref_slice %arg7[%add3A_23, %dma_start3A_24] : memref<40x128xi32, #tpu.memory_space<vmem>> -> memref<1x128xi32, #tpu.memory_space<vmem>>
      %dma_start3A_26 = tpu.memref_squeeze %dma_start3A_25 : memref<1x128xi32, #tpu.memory_space<vmem>> -> memref<128xi32, #tpu.memory_space<vmem>>
      %dma_start3A_27 = arith.constant 0 : i32
      %dma_start3A_28 = arith.constant 0 : i32
      %dma_start3A_29 = tpu.memref_slice %arg2[%dma_start3A_27, %dma_start3A_28] : memref<10240x128xf32, #tpu.memory_space<hbm>> -> memref<10240x128xf32, #tpu.memory_space<hbm>>
      tpu.enqueue_indirect_dma source(%dma_start3A_29 : memref<10240x128xf32, #tpu.memory_space<hbm>>) target(%arg10 : memref<128x128xf32, #tpu.memory_space<vmem>>) offsets(%dma_start3A_26 : memref<128xi32, #tpu.memory_space<vmem>>) semaphore(%arg13 : memref<!tpu.dma_semaphore, #tpu.memory_space<semaphore_mem>>)
      %dma_wait3A = arith.constant 0 : i32
      %dma_wait3A_30 = arith.constant 0 : i32
      %dma_wait3A_31 = tpu.memref_slice %arg7[%dma_wait3A, %dma_wait3A_30] : memref<40x128xi32, #tpu.memory_space<vmem>> -> memref<1x128xi32, #tpu.memory_space<vmem>>
      %dma_wait3A_32 = tpu.memref_squeeze %dma_wait3A_31 : memref<1x128xi32, #tpu.memory_space<vmem>> -> memref<128xi32, #tpu.memory_space<vmem>>
      %dma_wait3A_33 = arith.constant 0 : i32
      %dma_wait3A_34 = arith.constant 0 : i32
      %dma_wait3A_35 = tpu.memref_slice %arg2[%dma_wait3A_33, %dma_wait3A_34] : memref<10240x128xf32, #tpu.memory_space<hbm>> -> memref<10240x128xf32, #tpu.memory_space<hbm>>
      tpu.wait_indirect_dma semaphore(%arg12 : memref<!tpu.dma_semaphore, #tpu.memory_space<semaphore_mem>>) src(%dma_wait3A_35 : memref<10240x128xf32, #tpu.memory_space<hbm>>) dst(%arg9 : memref<128x128xf32, #tpu.memory_space<vmem>>)
      "tpu.region"() ({
        %run_scoped3A = tpu.sem_alloc : memref<!tpu.dma_semaphore, #tpu.memory_space<semaphore_mem>>
        %dma_start3A_47 = arith.constant 0 : i32
        %dma_start3A_48 = tpu.memref_slice %arg8[%mul3A_21, %dma_start3A_47] : memref<40x128xi32, #tpu.memory_space<vmem>> -> memref<1x128xi32, #tpu.memory_space<vmem>>
        %dma_start3A_49 = tpu.memref_squeeze %dma_start3A_48 : memref<1x128xi32, #tpu.memory_space<vmem>> -> memref<128xi32, #tpu.memory_space<vmem>>
        %dma_start3A_50 = arith.constant 0 : i32
        %dma_start3A_51 = arith.constant 0 : i32
        %dma_start3A_52 = tpu.memref_slice %arg11[%dma_start3A_50, %dma_start3A_51] : memref<10240x128xf32, #tpu.memory_space<vmem_shared>> -> memref<10240x128xf32, #tpu.memory_space<vmem_shared>>
        tpu.enqueue_indirect_dma source(%arg9 : memref<128x128xf32, #tpu.memory_space<vmem>>) target(%dma_start3A_52 : memref<10240x128xf32, #tpu.memory_space<vmem_shared>>) offsets(%dma_start3A_49 : memref<128xi32, #tpu.memory_space<vmem>>) semaphore(%run_scoped3A : memref<!tpu.dma_semaphore, #tpu.memory_space<semaphore_mem>>) {add = true}
        %dma_wait3A_53 = arith.constant 0 : i32
        %dma_wait3A_54 = tpu.memref_slice %arg8[%mul3A_21, %dma_wait3A_53] : memref<40x128xi32, #tpu.memory_space<vmem>> -> memref<1x128xi32, #tpu.memory_space<vmem>>
        %dma_wait3A_55 = tpu.memref_squeeze %dma_wait3A_54 : memref<1x128xi32, #tpu.memory_space<vmem>> -> memref<128xi32, #tpu.memory_space<vmem>>
        %dma_wait3A_56 = arith.constant 0 : i32
        %dma_wait3A_57 = arith.constant 0 : i32
        %dma_wait3A_58 = tpu.memref_slice %arg11[%dma_wait3A_56, %dma_wait3A_57] : memref<10240x128xf32, #tpu.memory_space<vmem_shared>> -> memref<10240x128xf32, #tpu.memory_space<vmem_shared>>
        tpu.wait_indirect_dma semaphore(%run_scoped3A : memref<!tpu.dma_semaphore, #tpu.memory_space<semaphore_mem>>) src(%arg9 : memref<128x128xf32, #tpu.memory_space<vmem>>) dst(%dma_wait3A_58 : memref<10240x128xf32, #tpu.memory_space<vmem_shared>>)
        tpu.yield
      }) : () -> ()
      %lt3A = arith.constant 19 : i32
      %lt3A_36 = arith.cmpi slt, %scan3A_19, %lt3A : i32
      %convert_element_type3A = arith.extui %lt3A_36 : i1 to i32
      %cond3A = arith.constant 0 : i32
      %cond3A_37 = arith.cmpi ne, %convert_element_type3A, %cond3A : i32
      scf.if %cond3A_37 {
        %add3A_47 = arith.constant 2 : i32
        %add3A_48 = arith.addi %mul3A_21, %add3A_47 : i32
        %dma_start3A_49 = arith.constant 0 : i32
        %dma_start3A_50 = tpu.memref_slice %arg7[%add3A_48, %dma_start3A_49] : memref<40x128xi32, #tpu.memory_space<vmem>> -> memref<1x128xi32, #tpu.memory_space<vmem>>
        %dma_start3A_51 = tpu.memref_squeeze %dma_start3A_50 : memref<1x128xi32, #tpu.memory_space<vmem>> -> memref<128xi32, #tpu.memory_space<vmem>>
        %dma_start3A_52 = arith.constant 0 : i32
        %dma_start3A_53 = arith.constant 0 : i32
        %dma_start3A_54 = tpu.memref_slice %arg2[%dma_start3A_52, %dma_start3A_53] : memref<10240x128xf32, #tpu.memory_space<hbm>> -> memref<10240x128xf32, #tpu.memory_space<hbm>>
        tpu.enqueue_indirect_dma source(%dma_start3A_54 : memref<10240x128xf32, #tpu.memory_space<hbm>>) target(%arg9 : memref<128x128xf32, #tpu.memory_space<vmem>>) offsets(%dma_start3A_51 : memref<128xi32, #tpu.memory_space<vmem>>) semaphore(%arg12 : memref<!tpu.dma_semaphore, #tpu.memory_space<semaphore_mem>>)
      } else {
      }
      %dma_wait3A_38 = arith.constant 0 : i32
      %dma_wait3A_39 = arith.constant 0 : i32
      %dma_wait3A_40 = tpu.memref_slice %arg7[%dma_wait3A_38, %dma_wait3A_39] : memref<40x128xi32, #tpu.memory_space<vmem>> -> memref<1x128xi32, #tpu.memory_space<vmem>>
      %dma_wait3A_41 = tpu.memref_squeeze %dma_wait3A_40 : memref<1x128xi32, #tpu.memory_space<vmem>> -> memref<128xi32, #tpu.memory_space<vmem>>
      %dma_wait3A_42 = arith.constant 0 : i32
      %dma_wait3A_43 = arith.constant 0 : i32
      %dma_wait3A_44 = tpu.memref_slice %arg2[%dma_wait3A_42, %dma_wait3A_43] : memref<10240x128xf32, #tpu.memory_space<hbm>> -> memref<10240x128xf32, #tpu.memory_space<hbm>>
      tpu.wait_indirect_dma semaphore(%arg13 : memref<!tpu.dma_semaphore, #tpu.memory_space<semaphore_mem>>) src(%dma_wait3A_44 : memref<10240x128xf32, #tpu.memory_space<hbm>>) dst(%arg10 : memref<128x128xf32, #tpu.memory_space<vmem>>)
      %add3A_45 = arith.constant 1 : i32
      %add3A_46 = arith.addi %mul3A_21, %add3A_45 : i32
      "tpu.region"() ({
        %run_scoped3A = tpu.sem_alloc : memref<!tpu.dma_semaphore, #tpu.memory_space<semaphore_mem>>
        %dma_start3A_47 = arith.constant 0 : i32
        %dma_start3A_48 = tpu.memref_slice %arg8[%add3A_46, %dma_start3A_47] : memref<40x128xi32, #tpu.memory_space<vmem>> -> memref<1x128xi32, #tpu.memory_space<vmem>>
        %dma_start3A_49 = tpu.memref_squeeze %dma_start3A_48 : memref<1x128xi32, #tpu.memory_space<vmem>> -> memref<128xi32, #tpu.memory_space<vmem>>
        %dma_start3A_50 = arith.constant 0 : i32
        %dma_start3A_51 = arith.constant 0 : i32
        %dma_start3A_52 = tpu.memref_slice %arg11[%dma_start3A_50, %dma_start3A_51] : memref<10240x128xf32, #tpu.memory_space<vmem_shared>> -> memref<10240x128xf32, #tpu.memory_space<vmem_shared>>
        tpu.enqueue_indirect_dma source(%arg10 : memref<128x128xf32, #tpu.memory_space<vmem>>) target(%dma_start3A_52 : memref<10240x128xf32, #tpu.memory_space<vmem_shared>>) offsets(%dma_start3A_49 : memref<128xi32, #tpu.memory_space<vmem>>) semaphore(%run_scoped3A : memref<!tpu.dma_semaphore, #tpu.memory_space<semaphore_mem>>) {add = true}
        %dma_wait3A_53 = arith.constant 0 : i32
        %dma_wait3A_54 = tpu.memref_slice %arg8[%add3A_46, %dma_wait3A_53] : memref<40x128xi32, #tpu.memory_space<vmem>> -> memref<1x128xi32, #tpu.memory_space<vmem>>
        %dma_wait3A_55 = tpu.memref_squeeze %dma_wait3A_54 : memref<1x128xi32, #tpu.memory_space<vmem>> -> memref<128xi32, #tpu.memory_space<vmem>>
        %dma_wait3A_56 = arith.constant 0 : i32
        %dma_wait3A_57 = arith.constant 0 : i32
        %dma_wait3A_58 = tpu.memref_slice %arg11[%dma_wait3A_56, %dma_wait3A_57] : memref<10240x128xf32, #tpu.memory_space<vmem_shared>> -> memref<10240x128xf32, #tpu.memory_space<vmem_shared>>
        tpu.wait_indirect_dma semaphore(%run_scoped3A : memref<!tpu.dma_semaphore, #tpu.memory_space<semaphore_mem>>) src(%arg10 : memref<128x128xf32, #tpu.memory_space<vmem>>) dst(%dma_wait3A_58 : memref<10240x128xf32, #tpu.memory_space<vmem_shared>>)
        tpu.yield
      }) : () -> ()
    }
    %scan3A_13 = arith.constant 20 : i32
    %barrier3A_14 = arith.constant 0 : index
    tpu.barrier barrier_id(%barrier3A_14)
    %mul3A_15 = arith.constant 640 : i32
    %mul3A_16 = arith.muli %arg1, %mul3A_15 : i32
    %mul3A_17 = arith.constant 640 : i32
    %mul3A_18 = arith.muli %arg1, %mul3A_17 : i32
    "tpu.region"() ({
      %run_scoped3A = tpu.sem_alloc : memref<!tpu.dma_semaphore, #tpu.memory_space<semaphore_mem>>
      %dma_start3A_19 = arith.constant 0 : i32
      %dma_start3A_20 = tpu.memref_slice %arg6[%arg0, %mul3A_18, %dma_start3A_19] : memref<2x10240x128xf32, #tpu.memory_space<hbm>> -> memref<1x640x128xf32, #tpu.memory_space<hbm>>
      %dma_start3A_21 = tpu.memref_squeeze %dma_start3A_20 : memref<1x640x128xf32, #tpu.memory_space<hbm>> -> memref<640x128xf32, #tpu.memory_space<hbm>>
      %dma_start3A_22 = arith.constant 0 : i32
      %dma_start3A_23 = tpu.memref_slice %arg11[%mul3A_16, %dma_start3A_22] : memref<10240x128xf32, #tpu.memory_space<vmem_shared>> -> memref<640x128xf32, #tpu.memory_space<vmem_shared>>
      tpu.enqueue_dma source(%dma_start3A_23 : memref<640x128xf32, #tpu.memory_space<vmem_shared>>) target(%dma_start3A_21 : memref<640x128xf32, #tpu.memory_space<hbm>>) target_semaphore(%run_scoped3A : memref<!tpu.dma_semaphore, #tpu.memory_space<semaphore_mem>>)
      %dma_wait3A = arith.constant 0 : i32
      %dma_wait3A_24 = tpu.memref_slice %arg6[%arg0, %mul3A_18, %dma_wait3A] : memref<2x10240x128xf32, #tpu.memory_space<hbm>> -> memref<1x640x128xf32, #tpu.memory_space<hbm>>
      %dma_wait3A_25 = tpu.memref_squeeze %dma_wait3A_24 : memref<1x640x128xf32, #tpu.memory_space<hbm>> -> memref<640x128xf32, #tpu.memory_space<hbm>>
      %dma_wait3A_26 = arith.constant 0 : i32
      %dma_wait3A_27 = tpu.memref_slice %arg11[%mul3A_16, %dma_wait3A_26] : memref<10240x128xf32, #tpu.memory_space<vmem_shared>> -> memref<640x128xf32, #tpu.memory_space<vmem_shared>>
      tpu.wait_dma2 semaphore(%run_scoped3A : memref<!tpu.dma_semaphore, #tpu.memory_space<semaphore_mem>>) src(%dma_wait3A_27 : memref<640x128xf32, #tpu.memory_space<vmem_shared>>) dst(%dma_wait3A_25 : memref<640x128xf32, #tpu.memory_space<hbm>>)
      tpu.yield
    }) : () -> ()
    return
  }
}

#map = affine_map<(d0, d1) -> (0, 0)>
#map1 = affine_map<(d0, d1) -> (0, 0, 0)>
module attributes {stable_mosaic.version = 14 : i64} {
  func.func @_agg(%arg0: i32, %arg1: i32, %arg2: memref<10240x128xf32, #tpu.memory_space<hbm>>, %arg3: memref<32x40x128xi32, #tpu.memory_space<hbm>>, %arg4: memref<32x40x128xi32, #tpu.memory_space<hbm>>, %arg5: memref<640x128xf32, #tpu.memory_space<hbm>>, %arg6: memref<2x10240x128xf32, #tpu.memory_space<hbm>>, %arg7: memref<40x128xi32, #tpu.memory_space<vmem>>, %arg8: memref<40x128xi32, #tpu.memory_space<vmem>>, %arg9: memref<128x128xf32, #tpu.memory_space<vmem>>, %arg10: memref<128x128xf32, #tpu.memory_space<vmem>>, %arg11: memref<10240x128xf32, #tpu.memory_space<vmem_shared>>, %arg12: memref<!tpu.dma_semaphore, #tpu.memory_space<semaphore_mem>>, %arg13: memref<!tpu.dma_semaphore, #tpu.memory_space<semaphore_mem>>) attributes {dimension_semantics = [#tpu.dimension_semantics<core_parallel>, #tpu.dimension_semantics<subcore_parallel>], iteration_bounds = array<i64: 2, 16>, scalar_prefetch = 0 : i64, scratch_operands = 7 : i64, tpu.core_type = #tpu.core_type<sc_vector_subcore>, window_params = [{transform_indices = #map}, {transform_indices = #map1}, {transform_indices = #map1}, {transform_indices = #map}, {transform_indices = #map1}]} {
    %mul3A = arith.constant 2 : i32
    %mul3A_0 = arith.muli %arg1, %mul3A : i32
    %add3A = arith.addi %mul3A_0, %arg0 : i32
    %mul3A_1 = arith.constant 640 : i32
    %mul3A_2 = arith.muli %arg1, %mul3A_1 : i32
    "tpu.region"() ({
      %run_scoped3A = tpu.sem_alloc : memref<!tpu.dma_semaphore, #tpu.memory_space<semaphore_mem>>
      %dma_start3A_19 = arith.constant 0 : i32
      %dma_start3A_20 = tpu.memref_slice %arg11[%mul3A_2, %dma_start3A_19] : memref<10240x128xf32, #tpu.memory_space<vmem_shared>> -> memref<640x128xf32, #tpu.memory_space<vmem_shared>>
      tpu.enqueue_dma source(%arg5 : memref<640x128xf32, #tpu.memory_space<hbm>>) target(%dma_start3A_20 : memref<640x128xf32, #tpu.memory_space<vmem_shared>>) target_semaphore(%run_scoped3A : memref<!tpu.dma_semaphore, #tpu.memory_space<semaphore_mem>>)
      %dma_wait3A = arith.constant 0 : i32
      %dma_wait3A_21 = tpu.memref_slice %arg11[%mul3A_2, %dma_wait3A] : memref<10240x128xf32, #tpu.memory_space<vmem_shared>> -> memref<640x128xf32, #tpu.memory_space<vmem_shared>>
      tpu.wait_dma2 semaphore(%run_scoped3A : memref<!tpu.dma_semaphore, #tpu.memory_space<semaphore_mem>>) src(%arg5 : memref<640x128xf32, #tpu.memory_space<hbm>>) dst(%dma_wait3A_21 : memref<640x128xf32, #tpu.memory_space<vmem_shared>>)
      tpu.yield
    }) : () -> ()
    "tpu.region"() ({
      %run_scoped3A = tpu.sem_alloc : memref<!tpu.dma_semaphore, #tpu.memory_space<semaphore_mem>>
      %dma_start3A_19 = arith.constant 0 : i32
      %dma_start3A_20 = arith.constant 0 : i32
      %dma_start3A_21 = tpu.memref_slice %arg3[%add3A, %dma_start3A_19, %dma_start3A_20] : memref<32x40x128xi32, #tpu.memory_space<hbm>> -> memref<1x40x128xi32, #tpu.memory_space<hbm>>
      %dma_start3A_22 = tpu.memref_squeeze %dma_start3A_21 : memref<1x40x128xi32, #tpu.memory_space<hbm>> -> memref<40x128xi32, #tpu.memory_space<hbm>>
      %dma_start3A_23 = arith.constant 0 : i32
      %dma_start3A_24 = arith.constant 0 : i32
      %dma_start3A_25 = tpu.memref_slice %arg3[%add3A, %dma_start3A_23, %dma_start3A_24] : memref<32x40x128xi32, #tpu.memory_space<hbm>> -> memref<1x40x128xi32, #tpu.memory_space<hbm>>
      %dma_start3A_26 = tpu.memref_squeeze %dma_start3A_25 : memref<1x40x128xi32, #tpu.memory_space<hbm>> -> memref<40x128xi32, #tpu.memory_space<hbm>>
      tpu.enqueue_dma source(%dma_start3A_26 : memref<40x128xi32, #tpu.memory_space<hbm>>) target(%arg7 : memref<40x128xi32, #tpu.memory_space<vmem>>) target_semaphore(%run_scoped3A : memref<!tpu.dma_semaphore, #tpu.memory_space<semaphore_mem>>)
      %dma_wait3A = arith.constant 0 : i32
      %dma_wait3A_27 = arith.constant 0 : i32
      %dma_wait3A_28 = tpu.memref_slice %arg3[%add3A, %dma_wait3A, %dma_wait3A_27] : memref<32x40x128xi32, #tpu.memory_space<hbm>> -> memref<1x40x128xi32, #tpu.memory_space<hbm>>
      %dma_wait3A_29 = tpu.memref_squeeze %dma_wait3A_28 : memref<1x40x128xi32, #tpu.memory_space<hbm>> -> memref<40x128xi32, #tpu.memory_space<hbm>>
      %dma_wait3A_30 = arith.constant 0 : i32
      %dma_wait3A_31 = arith.constant 0 : i32
      %dma_wait3A_32 = tpu.memref_slice %arg3[%add3A, %dma_wait3A_30, %dma_wait3A_31] : memref<32x40x128xi32, #tpu.memory_space<hbm>> -> memref<1x40x128xi32, #tpu.memory_space<hbm>>
      %dma_wait3A_33 = tpu.memref_squeeze %dma_wait3A_32 : memref<1x40x128xi32, #tpu.memory_space<hbm>> -> memref<40x128xi32, #tpu.memory_space<hbm>>
      tpu.wait_dma2 semaphore(%run_scoped3A : memref<!tpu.dma_semaphore, #tpu.memory_space<semaphore_mem>>) src(%dma_wait3A_33 : memref<40x128xi32, #tpu.memory_space<hbm>>) dst(%arg7 : memref<40x128xi32, #tpu.memory_space<vmem>>)
      tpu.yield
    }) : () -> ()
    "tpu.region"() ({
      %run_scoped3A = tpu.sem_alloc : memref<!tpu.dma_semaphore, #tpu.memory_space<semaphore_mem>>
      %dma_start3A_19 = arith.constant 0 : i32
      %dma_start3A_20 = arith.constant 0 : i32
      %dma_start3A_21 = tpu.memref_slice %arg4[%add3A, %dma_start3A_19, %dma_start3A_20] : memref<32x40x128xi32, #tpu.memory_space<hbm>> -> memref<1x40x128xi32, #tpu.memory_space<hbm>>
      %dma_start3A_22 = tpu.memref_squeeze %dma_start3A_21 : memref<1x40x128xi32, #tpu.memory_space<hbm>> -> memref<40x128xi32, #tpu.memory_space<hbm>>
      %dma_start3A_23 = arith.constant 0 : i32
      %dma_start3A_24 = arith.constant 0 : i32
      %dma_start3A_25 = tpu.memref_slice %arg4[%add3A, %dma_start3A_23, %dma_start3A_24] : memref<32x40x128xi32, #tpu.memory_space<hbm>> -> memref<1x40x128xi32, #tpu.memory_space<hbm>>
      %dma_start3A_26 = tpu.memref_squeeze %dma_start3A_25 : memref<1x40x128xi32, #tpu.memory_space<hbm>> -> memref<40x128xi32, #tpu.memory_space<hbm>>
      tpu.enqueue_dma source(%dma_start3A_26 : memref<40x128xi32, #tpu.memory_space<hbm>>) target(%arg8 : memref<40x128xi32, #tpu.memory_space<vmem>>) target_semaphore(%run_scoped3A : memref<!tpu.dma_semaphore, #tpu.memory_space<semaphore_mem>>)
      %dma_wait3A = arith.constant 0 : i32
      %dma_wait3A_27 = arith.constant 0 : i32
      %dma_wait3A_28 = tpu.memref_slice %arg4[%add3A, %dma_wait3A, %dma_wait3A_27] : memref<32x40x128xi32, #tpu.memory_space<hbm>> -> memref<1x40x128xi32, #tpu.memory_space<hbm>>
      %dma_wait3A_29 = tpu.memref_squeeze %dma_wait3A_28 : memref<1x40x128xi32, #tpu.memory_space<hbm>> -> memref<40x128xi32, #tpu.memory_space<hbm>>
      %dma_wait3A_30 = arith.constant 0 : i32
      %dma_wait3A_31 = arith.constant 0 : i32
      %dma_wait3A_32 = tpu.memref_slice %arg4[%add3A, %dma_wait3A_30, %dma_wait3A_31] : memref<32x40x128xi32, #tpu.memory_space<hbm>> -> memref<1x40x128xi32, #tpu.memory_space<hbm>>
      %dma_wait3A_33 = tpu.memref_squeeze %dma_wait3A_32 : memref<1x40x128xi32, #tpu.memory_space<hbm>> -> memref<40x128xi32, #tpu.memory_space<hbm>>
      tpu.wait_dma2 semaphore(%run_scoped3A : memref<!tpu.dma_semaphore, #tpu.memory_space<semaphore_mem>>) src(%dma_wait3A_33 : memref<40x128xi32, #tpu.memory_space<hbm>>) dst(%arg8 : memref<40x128xi32, #tpu.memory_space<vmem>>)
      tpu.yield
    }) : () -> ()
    %barrier3A = arith.constant 0 : index
    tpu.barrier barrier_id(%barrier3A)
    %dma_start3A = arith.constant 0 : i32
    %dma_start3A_3 = arith.constant 0 : i32
    %dma_start3A_4 = tpu.memref_slice %arg7[%dma_start3A, %dma_start3A_3] : memref<40x128xi32, #tpu.memory_space<vmem>> -> memref<1x128xi32, #tpu.memory_space<vmem>>
    %dma_start3A_5 = tpu.memref_squeeze %dma_start3A_4 : memref<1x128xi32, #tpu.memory_space<vmem>> -> memref<128xi32, #tpu.memory_space<vmem>>
    %dma_start3A_6 = arith.constant 0 : i32
    %dma_start3A_7 = arith.constant 0 : i32
    %dma_start3A_8 = tpu.memref_slice %arg2[%dma_start3A_6, %dma_start3A_7] : memref<10240x128xf32, #tpu.memory_space<hbm>> -> memref<10240x128xf32, #tpu.memory_space<hbm>>
    tpu.enqueue_indirect_dma source(%dma_start3A_8 : memref<10240x128xf32, #tpu.memory_space<hbm>>) target(%arg9 : memref<128x128xf32, #tpu.memory_space<vmem>>) offsets(%dma_start3A_5 : memref<128xi32, #tpu.memory_space<vmem>>) semaphore(%arg12 : memref<!tpu.dma_semaphore, #tpu.memory_space<semaphore_mem>>)
    %scan3A = arith.constant 0 : i32
    %scan3A_9 = arith.constant 0 : i32
    %scan3A_10 = arith.constant 20 : i32
    %scan3A_11 = arith.addi %scan3A_9, %scan3A_10 : i32
    %scan3A_12 = arith.constant 1 : i32
    scf.for %scan3A_19 = %scan3A_9 to %scan3A_11 step %scan3A_12  : i32 {
      %mul3A_20 = arith.constant 2 : i32
      %mul3A_21 = arith.muli %mul3A_20, %scan3A_19 : i32
      %add3A_22 = arith.constant 1 : i32
      %add3A_23 = arith.addi %mul3A_21, %add3A_22 : i32
      %dma_start3A_24 = arith.constant 0 : i32
      %dma_start3A_25 = tpu.memref_slice %arg7[%add3A_23, %dma_start3A_24] : memref<40x128xi32, #tpu.memory_space<vmem>> -> memref<1x128xi32, #tpu.memory_space<vmem>>
      %dma_start3A_26 = tpu.memref_squeeze %dma_start3A_25 : memref<1x128xi32, #tpu.memory_space<vmem>> -> memref<128xi32, #tpu.memory_space<vmem>>
      %dma_start3A_27 = arith.constant 0 : i32
      %dma_start3A_28 = arith.constant 0 : i32
      %dma_start3A_29 = tpu.memref_slice %arg2[%dma_start3A_27, %dma_start3A_28] : memref<10240x128xf32, #tpu.memory_space<hbm>> -> memref<10240x128xf32, #tpu.memory_space<hbm>>
      tpu.enqueue_indirect_dma source(%dma_start3A_29 : memref<10240x128xf32, #tpu.memory_space<hbm>>) target(%arg10 : memref<128x128xf32, #tpu.memory_space<vmem>>) offsets(%dma_start3A_26 : memref<128xi32, #tpu.memory_space<vmem>>) semaphore(%arg13 : memref<!tpu.dma_semaphore, #tpu.memory_space<semaphore_mem>>)
      %dma_wait3A = arith.constant 0 : i32
      %dma_wait3A_30 = arith.constant 0 : i32
      %dma_wait3A_31 = tpu.memref_slice %arg7[%dma_wait3A, %dma_wait3A_30] : memref<40x128xi32, #tpu.memory_space<vmem>> -> memref<1x128xi32, #tpu.memory_space<vmem>>
      %dma_wait3A_32 = tpu.memref_squeeze %dma_wait3A_31 : memref<1x128xi32, #tpu.memory_space<vmem>> -> memref<128xi32, #tpu.memory_space<vmem>>
      %dma_wait3A_33 = arith.constant 0 : i32
      %dma_wait3A_34 = arith.constant 0 : i32
      %dma_wait3A_35 = tpu.memref_slice %arg2[%dma_wait3A_33, %dma_wait3A_34] : memref<10240x128xf32, #tpu.memory_space<hbm>> -> memref<10240x128xf32, #tpu.memory_space<hbm>>
      tpu.wait_indirect_dma semaphore(%arg12 : memref<!tpu.dma_semaphore, #tpu.memory_space<semaphore_mem>>) src(%dma_wait3A_35 : memref<10240x128xf32, #tpu.memory_space<hbm>>) dst(%arg9 : memref<128x128xf32, #tpu.memory_space<vmem>>)
      "tpu.region"() ({
        %run_scoped3A = tpu.sem_alloc : memref<!tpu.dma_semaphore, #tpu.memory_space<semaphore_mem>>
        %dma_start3A_47 = arith.constant 0 : i32
        %dma_start3A_48 = tpu.memref_slice %arg8[%mul3A_21, %dma_start3A_47] : memref<40x128xi32, #tpu.memory_space<vmem>> -> memref<1x128xi32, #tpu.memory_space<vmem>>
        %dma_start3A_49 = tpu.memref_squeeze %dma_start3A_48 : memref<1x128xi32, #tpu.memory_space<vmem>> -> memref<128xi32, #tpu.memory_space<vmem>>
        %dma_start3A_50 = arith.constant 0 : i32
        %dma_start3A_51 = arith.constant 0 : i32
        %dma_start3A_52 = tpu.memref_slice %arg11[%dma_start3A_50, %dma_start3A_51] : memref<10240x128xf32, #tpu.memory_space<vmem_shared>> -> memref<10240x128xf32, #tpu.memory_space<vmem_shared>>
        tpu.enqueue_indirect_dma source(%arg9 : memref<128x128xf32, #tpu.memory_space<vmem>>) target(%dma_start3A_52 : memref<10240x128xf32, #tpu.memory_space<vmem_shared>>) offsets(%dma_start3A_49 : memref<128xi32, #tpu.memory_space<vmem>>) semaphore(%run_scoped3A : memref<!tpu.dma_semaphore, #tpu.memory_space<semaphore_mem>>) {add = true}
        %dma_wait3A_53 = arith.constant 0 : i32
        %dma_wait3A_54 = tpu.memref_slice %arg8[%mul3A_21, %dma_wait3A_53] : memref<40x128xi32, #tpu.memory_space<vmem>> -> memref<1x128xi32, #tpu.memory_space<vmem>>
        %dma_wait3A_55 = tpu.memref_squeeze %dma_wait3A_54 : memref<1x128xi32, #tpu.memory_space<vmem>> -> memref<128xi32, #tpu.memory_space<vmem>>
        %dma_wait3A_56 = arith.constant 0 : i32
        %dma_wait3A_57 = arith.constant 0 : i32
        %dma_wait3A_58 = tpu.memref_slice %arg11[%dma_wait3A_56, %dma_wait3A_57] : memref<10240x128xf32, #tpu.memory_space<vmem_shared>> -> memref<10240x128xf32, #tpu.memory_space<vmem_shared>>
        tpu.wait_indirect_dma semaphore(%run_scoped3A : memref<!tpu.dma_semaphore, #tpu.memory_space<semaphore_mem>>) src(%arg9 : memref<128x128xf32, #tpu.memory_space<vmem>>) dst(%dma_wait3A_58 : memref<10240x128xf32, #tpu.memory_space<vmem_shared>>)
        tpu.yield
      }) : () -> ()
      %lt3A = arith.constant 19 : i32
      %lt3A_36 = arith.cmpi slt, %scan3A_19, %lt3A : i32
      %convert_element_type3A = arith.extui %lt3A_36 : i1 to i32
      %cond3A = arith.constant 0 : i32
      %cond3A_37 = arith.cmpi ne, %convert_element_type3A, %cond3A : i32
      scf.if %cond3A_37 {
        %add3A_47 = arith.constant 2 : i32
        %add3A_48 = arith.addi %mul3A_21, %add3A_47 : i32
        %dma_start3A_49 = arith.constant 0 : i32
        %dma_start3A_50 = tpu.memref_slice %arg7[%add3A_48, %dma_start3A_49] : memref<40x128xi32, #tpu.memory_space<vmem>> -> memref<1x128xi32, #tpu.memory_space<vmem>>
        %dma_start3A_51 = tpu.memref_squeeze %dma_start3A_50 : memref<1x128xi32, #tpu.memory_space<vmem>> -> memref<128xi32, #tpu.memory_space<vmem>>
        %dma_start3A_52 = arith.constant 0 : i32
        %dma_start3A_53 = arith.constant 0 : i32
        %dma_start3A_54 = tpu.memref_slice %arg2[%dma_start3A_52, %dma_start3A_53] : memref<10240x128xf32, #tpu.memory_space<hbm>> -> memref<10240x128xf32, #tpu.memory_space<hbm>>
        tpu.enqueue_indirect_dma source(%dma_start3A_54 : memref<10240x128xf32, #tpu.memory_space<hbm>>) target(%arg9 : memref<128x128xf32, #tpu.memory_space<vmem>>) offsets(%dma_start3A_51 : memref<128xi32, #tpu.memory_space<vmem>>) semaphore(%arg12 : memref<!tpu.dma_semaphore, #tpu.memory_space<semaphore_mem>>)
      } else {
      }
      %dma_wait3A_38 = arith.constant 0 : i32
      %dma_wait3A_39 = arith.constant 0 : i32
      %dma_wait3A_40 = tpu.memref_slice %arg7[%dma_wait3A_38, %dma_wait3A_39] : memref<40x128xi32, #tpu.memory_space<vmem>> -> memref<1x128xi32, #tpu.memory_space<vmem>>
      %dma_wait3A_41 = tpu.memref_squeeze %dma_wait3A_40 : memref<1x128xi32, #tpu.memory_space<vmem>> -> memref<128xi32, #tpu.memory_space<vmem>>
      %dma_wait3A_42 = arith.constant 0 : i32
      %dma_wait3A_43 = arith.constant 0 : i32
      %dma_wait3A_44 = tpu.memref_slice %arg2[%dma_wait3A_42, %dma_wait3A_43] : memref<10240x128xf32, #tpu.memory_space<hbm>> -> memref<10240x128xf32, #tpu.memory_space<hbm>>
      tpu.wait_indirect_dma semaphore(%arg13 : memref<!tpu.dma_semaphore, #tpu.memory_space<semaphore_mem>>) src(%dma_wait3A_44 : memref<10240x128xf32, #tpu.memory_space<hbm>>) dst(%arg10 : memref<128x128xf32, #tpu.memory_space<vmem>>)
      %add3A_45 = arith.constant 1 : i32
      %add3A_46 = arith.addi %mul3A_21, %add3A_45 : i32
      "tpu.region"() ({
        %run_scoped3A = tpu.sem_alloc : memref<!tpu.dma_semaphore, #tpu.memory_space<semaphore_mem>>
        %dma_start3A_47 = arith.constant 0 : i32
        %dma_start3A_48 = tpu.memref_slice %arg8[%add3A_46, %dma_start3A_47] : memref<40x128xi32, #tpu.memory_space<vmem>> -> memref<1x128xi32, #tpu.memory_space<vmem>>
        %dma_start3A_49 = tpu.memref_squeeze %dma_start3A_48 : memref<1x128xi32, #tpu.memory_space<vmem>> -> memref<128xi32, #tpu.memory_space<vmem>>
        %dma_start3A_50 = arith.constant 0 : i32
        %dma_start3A_51 = arith.constant 0 : i32
        %dma_start3A_52 = tpu.memref_slice %arg11[%dma_start3A_50, %dma_start3A_51] : memref<10240x128xf32, #tpu.memory_space<vmem_shared>> -> memref<10240x128xf32, #tpu.memory_space<vmem_shared>>
        tpu.enqueue_indirect_dma source(%arg10 : memref<128x128xf32, #tpu.memory_space<vmem>>) target(%dma_start3A_52 : memref<10240x128xf32, #tpu.memory_space<vmem_shared>>) offsets(%dma_start3A_49 : memref<128xi32, #tpu.memory_space<vmem>>) semaphore(%run_scoped3A : memref<!tpu.dma_semaphore, #tpu.memory_space<semaphore_mem>>) {add = true}
        %dma_wait3A_53 = arith.constant 0 : i32
        %dma_wait3A_54 = tpu.memref_slice %arg8[%add3A_46, %dma_wait3A_53] : memref<40x128xi32, #tpu.memory_space<vmem>> -> memref<1x128xi32, #tpu.memory_space<vmem>>
        %dma_wait3A_55 = tpu.memref_squeeze %dma_wait3A_54 : memref<1x128xi32, #tpu.memory_space<vmem>> -> memref<128xi32, #tpu.memory_space<vmem>>
        %dma_wait3A_56 = arith.constant 0 : i32
        %dma_wait3A_57 = arith.constant 0 : i32
        %dma_wait3A_58 = tpu.memref_slice %arg11[%dma_wait3A_56, %dma_wait3A_57] : memref<10240x128xf32, #tpu.memory_space<vmem_shared>> -> memref<10240x128xf32, #tpu.memory_space<vmem_shared>>
        tpu.wait_indirect_dma semaphore(%run_scoped3A : memref<!tpu.dma_semaphore, #tpu.memory_space<semaphore_mem>>) src(%arg10 : memref<128x128xf32, #tpu.memory_space<vmem>>) dst(%dma_wait3A_58 : memref<10240x128xf32, #tpu.memory_space<vmem_shared>>)
        tpu.yield
      }) : () -> ()
    }
    %scan3A_13 = arith.constant 20 : i32
    %barrier3A_14 = arith.constant 0 : index
    tpu.barrier barrier_id(%barrier3A_14)
    %mul3A_15 = arith.constant 640 : i32
    %mul3A_16 = arith.muli %arg1, %mul3A_15 : i32
    %mul3A_17 = arith.constant 640 : i32
    %mul3A_18 = arith.muli %arg1, %mul3A_17 : i32
    "tpu.region"() ({
      %run_scoped3A = tpu.sem_alloc : memref<!tpu.dma_semaphore, #tpu.memory_space<semaphore_mem>>
      %dma_start3A_19 = arith.constant 0 : i32
      %dma_start3A_20 = tpu.memref_slice %arg6[%arg0, %mul3A_18, %dma_start3A_19] : memref<2x10240x128xf32, #tpu.memory_space<hbm>> -> memref<1x640x128xf32, #tpu.memory_space<hbm>>
      %dma_start3A_21 = tpu.memref_squeeze %dma_start3A_20 : memref<1x640x128xf32, #tpu.memory_space<hbm>> -> memref<640x128xf32, #tpu.memory_space<hbm>>
      %dma_start3A_22 = arith.constant 0 : i32
      %dma_start3A_23 = tpu.memref_slice %arg11[%mul3A_16, %dma_start3A_22] : memref<10240x128xf32, #tpu.memory_space<vmem_shared>> -> memref<640x128xf32, #tpu.memory_space<vmem_shared>>
      tpu.enqueue_dma source(%dma_start3A_23 : memref<640x128xf32, #tpu.memory_space<vmem_shared>>) target(%dma_start3A_21 : memref<640x128xf32, #tpu.memory_space<hbm>>) target_semaphore(%run_scoped3A : memref<!tpu.dma_semaphore, #tpu.memory_space<semaphore_mem>>)
      %dma_wait3A = arith.constant 0 : i32
      %dma_wait3A_24 = tpu.memref_slice %arg6[%arg0, %mul3A_18, %dma_wait3A] : memref<2x10240x128xf32, #tpu.memory_space<hbm>> -> memref<1x640x128xf32, #tpu.memory_space<hbm>>
      %dma_wait3A_25 = tpu.memref_squeeze %dma_wait3A_24 : memref<1x640x128xf32, #tpu.memory_space<hbm>> -> memref<640x128xf32, #tpu.memory_space<hbm>>
      %dma_wait3A_26 = arith.constant 0 : i32
      %dma_wait3A_27 = tpu.memref_slice %arg11[%mul3A_16, %dma_wait3A_26] : memref<10240x128xf32, #tpu.memory_space<vmem_shared>> -> memref<640x128xf32, #tpu.memory_space<vmem_shared>>
      tpu.wait_dma2 semaphore(%run_scoped3A : memref<!tpu.dma_semaphore, #tpu.memory_space<semaphore_mem>>) src(%dma_wait3A_27 : memref<640x128xf32, #tpu.memory_space<vmem_shared>>) dst(%dma_wait3A_25 : memref<640x128xf32, #tpu.memory_space<hbm>>)
      tpu.yield
    }) : () -> ()
    return
  }
}

module attributes {stable_mosaic.version = 14 : i64} {
  func.func @body(%arg0: i32, %arg1: memref<2x512x256xf32, #tpu.memory_space<vmem>>, %arg2: memref<2x512x1xf32, #tpu.memory_space<vmem>>, %arg3: memref<512x256xf32, #tpu.memory_space<vmem>>, %arg4: memref<256x512xf32, #tpu.memory_space<vmem>>, %arg5: memref<1x512xf32, #tpu.memory_space<vmem>>, %arg6: memref<256x512xf32, #tpu.memory_space<vmem>>, %arg7: memref<512x512xf32, #tpu.memory_space<vmem>>) attributes {dimension_semantics = [#tpu.dimension_semantics<arbitrary>], iteration_bounds = array<i64: 20>, scalar_prefetch = 0 : i64, scratch_operands = 0 : i64, tpu.core_type = #tpu.core_type<tc>, window_params = [{transform_indices = @transform_0, window_bounds = array<i64: 2, 512, 256>}, {transform_indices = @transform_1, window_bounds = array<i64: 2, 512, 1>}, {transform_indices = @transform_2, window_bounds = array<i64: 512, 256>}, {pipeline_mode = #tpu.pipeline_mode<synchronous>, transform_indices = @transform_3, window_bounds = array<i64: 256, 512>}, {pipeline_mode = #tpu.pipeline_mode<synchronous>, transform_indices = @transform_4, window_bounds = array<i64: 1, 512>}, {pipeline_mode = #tpu.pipeline_mode<synchronous>, transform_indices = @transform_5, window_bounds = array<i64: 256, 512>}, {transform_indices = @transform_6, window_bounds = array<i64: 512, 512>}]} {
    %get3A = arith.constant 0 : index
    %get3A_0 = arith.constant 0 : index
    %get3A_1 = arith.constant 0 : index
    %get3A_2 = vector.load %arg2[%get3A, %get3A_0, %get3A_1] : memref<2x512x1xf32, #tpu.memory_space<vmem>>, vector<1x512x1xf32>
    %get3A_3 = vector.shape_cast %get3A_2 : vector<1x512x1xf32> to vector<512x1xf32>
    %get3A_4 = arith.constant 1 : index
    %get3A_5 = arith.constant 0 : index
    %get3A_6 = arith.constant 0 : index
    %get3A_7 = vector.load %arg2[%get3A_4, %get3A_5, %get3A_6] : memref<2x512x1xf32, #tpu.memory_space<vmem>>, vector<1x512x1xf32>
    %get3A_8 = vector.shape_cast %get3A_7 : vector<1x512x1xf32> to vector<512x1xf32>
    %add3A = arith.addf %get3A_3, %get3A_8 : vector<512x1xf32>
    %max3A = arith.constant 1.000000e+00 : f32
    %max3A_9 = vector.broadcast %max3A : f32 to vector<512x1xf32>
    %max3A_10 = arith.maximumf %add3A, %max3A_9 : vector<512x1xf32>
    %get3A_11 = arith.constant 0 : index
    %get3A_12 = arith.constant 0 : index
    %get3A_13 = arith.constant 0 : index
    %get3A_14 = vector.load %arg1[%get3A_11, %get3A_12, %get3A_13] : memref<2x512x256xf32, #tpu.memory_space<vmem>>, vector<1x512x256xf32>
    %get3A_15 = vector.shape_cast %get3A_14 : vector<1x512x256xf32> to vector<512x256xf32>
    %get3A_16 = arith.constant 1 : index
    %get3A_17 = arith.constant 0 : index
    %get3A_18 = arith.constant 0 : index
    %get3A_19 = vector.load %arg1[%get3A_16, %get3A_17, %get3A_18] : memref<2x512x256xf32, #tpu.memory_space<vmem>>, vector<1x512x256xf32>
    %get3A_20 = vector.shape_cast %get3A_19 : vector<1x512x256xf32> to vector<512x256xf32>
    %add3A_21 = arith.addf %get3A_15, %get3A_20 : vector<512x256xf32>
    %div3A = vector.broadcast %max3A_10 : vector<512x1xf32> to vector<512x256xf32>
    %div3A_22 = arith.divf %add3A_21, %div3A : vector<512x256xf32>
    %get3A_23 = arith.constant 0 : index
    %get3A_24 = arith.constant 0 : index
    %get3A_25 = vector.load %arg4[%get3A_23, %get3A_24] : memref<256x512xf32, #tpu.memory_space<vmem>>, vector<256x512xf32>
    %dot_general3A = arith.constant dense<0.000000e+00> : vector<512x512xf32>
    %dot_general3A_26 = tpu.matmul %div3A_22, %get3A_25, %dot_general3A {dimension_numbers = #tpu.dot_dimension_numbers<[1], [0], [0], [1], [0, 0, 1, 1], [], []>, transpose_lhs_hint = false} : vector<512x256xf32>, vector<256x512xf32>, vector<512x512xf32> -> vector<512x512xf32>
    %get3A_27 = arith.constant 0 : index
    %get3A_28 = arith.constant 0 : index
    %get3A_29 = vector.load %arg3[%get3A_27, %get3A_28] : memref<512x256xf32, #tpu.memory_space<vmem>>, vector<512x256xf32>
    %get3A_30 = arith.constant 0 : index
    %get3A_31 = arith.constant 0 : index
    %get3A_32 = vector.load %arg6[%get3A_30, %get3A_31] : memref<256x512xf32, #tpu.memory_space<vmem>>, vector<256x512xf32>
    %dot_general3A_33 = arith.constant dense<0.000000e+00> : vector<512x512xf32>
    %dot_general3A_34 = tpu.matmul %get3A_29, %get3A_32, %dot_general3A_33 {dimension_numbers = #tpu.dot_dimension_numbers<[1], [0], [0], [1], [0, 0, 1, 1], [], []>, transpose_lhs_hint = false} : vector<512x256xf32>, vector<256x512xf32>, vector<512x512xf32> -> vector<512x512xf32>
    %add3A_35 = arith.addf %dot_general3A_26, %dot_general3A_34 : vector<512x512xf32>
    %get3A_36 = arith.constant 0 : index
    %get3A_37 = arith.constant 0 : index
    %get3A_38 = vector.load %arg5[%get3A_36, %get3A_37] : memref<1x512xf32, #tpu.memory_space<vmem>>, vector<1x512xf32>
    %add3A_39 = vector.broadcast %get3A_38 : vector<1x512xf32> to vector<512x512xf32>
    %add3A_40 = arith.addf %add3A_35, %add3A_39 : vector<512x512xf32>
    %max3A_41 = arith.constant 0.000000e+00 : f32
    %max3A_42 = vector.broadcast %max3A_41 : f32 to vector<512x512xf32>
    %max3A_43 = arith.maximumf %add3A_40, %max3A_42 : vector<512x512xf32>
    %swap3A = arith.constant 0 : index
    %swap3A_44 = arith.constant 0 : index
    %swap3A_45 = vector.load %arg7[%swap3A, %swap3A_44] : memref<512x512xf32, #tpu.memory_space<vmem>>, vector<512x512xf32>
    tpu.vector_store %arg7[%swap3A, %swap3A_44], %max3A_43 {strides = array<i32>} : memref<512x512xf32, #tpu.memory_space<vmem>>, vector<512x512xf32>,
    return
  }
  func.func @transform_0(%arg0: i32) -> (i32, i32, i32) {
    %c0_i32 = arith.constant 0 : i32
    %c0_i32_0 = arith.constant 0 : i32
    %c0_i32_1 = arith.constant 0 : i32
    return %c0_i32, %arg0, %c0_i32_0 : i32, i32, i32
  }
  func.func @transform_1(%arg0: i32) -> (i32, i32, i32) {
    %c0_i32 = arith.constant 0 : i32
    %c0_i32_0 = arith.constant 0 : i32
    %c0_i32_1 = arith.constant 0 : i32
    return %c0_i32, %arg0, %c0_i32_0 : i32, i32, i32
  }
  func.func @transform_2(%arg0: i32) -> (i32, i32) {
    %c0_i32 = arith.constant 0 : i32
    %c0_i32_0 = arith.constant 0 : i32
    return %arg0, %c0_i32 : i32, i32
  }
  func.func @transform_3(%arg0: i32) -> (i32, i32) {
    %c0_i32 = arith.constant 0 : i32
    %c0_i32_0 = arith.constant 0 : i32
    %c0_i32_1 = arith.constant 0 : i32
    return %c0_i32, %c0_i32_0 : i32, i32
  }
  func.func @transform_4(%arg0: i32) -> (i32, i32) {
    %c0_i32 = arith.constant 0 : i32
    %c0_i32_0 = arith.constant 0 : i32
    %c0_i32_1 = arith.constant 0 : i32
    return %c0_i32, %c0_i32_0 : i32, i32
  }
  func.func @transform_5(%arg0: i32) -> (i32, i32) {
    %c0_i32 = arith.constant 0 : i32
    %c0_i32_0 = arith.constant 0 : i32
    %c0_i32_1 = arith.constant 0 : i32
    return %c0_i32, %c0_i32_0 : i32, i32
  }
  func.func @transform_6(%arg0: i32) -> (i32, i32) {
    %c0_i32 = arith.constant 0 : i32
    %c0_i32_0 = arith.constant 0 : i32
    return %arg0, %c0_i32 : i32, i32
  }
}

module attributes {stable_mosaic.version = 14 : i64} {
  func.func @body(%arg0: i32, %arg1: memref<2x512x512xf32, #tpu.memory_space<vmem>>, %arg2: memref<2x512x1xf32, #tpu.memory_space<vmem>>, %arg3: memref<512x512xf32, #tpu.memory_space<vmem>>, %arg4: memref<512x512xf32, #tpu.memory_space<vmem>>, %arg5: memref<1x512xf32, #tpu.memory_space<vmem>>, %arg6: memref<512x512xf32, #tpu.memory_space<vmem>>, %arg7: memref<512x512xf32, #tpu.memory_space<vmem>>) attributes {dimension_semantics = [#tpu.dimension_semantics<arbitrary>], iteration_bounds = array<i64: 20>, scalar_prefetch = 0 : i64, scratch_operands = 0 : i64, tpu.core_type = #tpu.core_type<tc>, window_params = [{transform_indices = @transform_0, window_bounds = array<i64: 2, 512, 512>}, {transform_indices = @transform_1, window_bounds = array<i64: 2, 512, 1>}, {transform_indices = @transform_2, window_bounds = array<i64: 512, 512>}, {pipeline_mode = #tpu.pipeline_mode<synchronous>, transform_indices = @transform_3, window_bounds = array<i64: 512, 512>}, {pipeline_mode = #tpu.pipeline_mode<synchronous>, transform_indices = @transform_4, window_bounds = array<i64: 1, 512>}, {pipeline_mode = #tpu.pipeline_mode<synchronous>, transform_indices = @transform_5, window_bounds = array<i64: 512, 512>}, {transform_indices = @transform_6, window_bounds = array<i64: 512, 512>}]} {
    %get3A = arith.constant 0 : index
    %get3A_0 = arith.constant 0 : index
    %get3A_1 = arith.constant 0 : index
    %get3A_2 = vector.load %arg2[%get3A, %get3A_0, %get3A_1] : memref<2x512x1xf32, #tpu.memory_space<vmem>>, vector<1x512x1xf32>
    %get3A_3 = vector.shape_cast %get3A_2 : vector<1x512x1xf32> to vector<512x1xf32>
    %get3A_4 = arith.constant 1 : index
    %get3A_5 = arith.constant 0 : index
    %get3A_6 = arith.constant 0 : index
    %get3A_7 = vector.load %arg2[%get3A_4, %get3A_5, %get3A_6] : memref<2x512x1xf32, #tpu.memory_space<vmem>>, vector<1x512x1xf32>
    %get3A_8 = vector.shape_cast %get3A_7 : vector<1x512x1xf32> to vector<512x1xf32>
    %add3A = arith.addf %get3A_3, %get3A_8 : vector<512x1xf32>
    %max3A = arith.constant 1.000000e+00 : f32
    %max3A_9 = vector.broadcast %max3A : f32 to vector<512x1xf32>
    %max3A_10 = arith.maximumf %add3A, %max3A_9 : vector<512x1xf32>
    %get3A_11 = arith.constant 0 : index
    %get3A_12 = arith.constant 0 : index
    %get3A_13 = arith.constant 0 : index
    %get3A_14 = vector.load %arg1[%get3A_11, %get3A_12, %get3A_13] : memref<2x512x512xf32, #tpu.memory_space<vmem>>, vector<1x512x512xf32>
    %get3A_15 = vector.shape_cast %get3A_14 : vector<1x512x512xf32> to vector<512x512xf32>
    %get3A_16 = arith.constant 1 : index
    %get3A_17 = arith.constant 0 : index
    %get3A_18 = arith.constant 0 : index
    %get3A_19 = vector.load %arg1[%get3A_16, %get3A_17, %get3A_18] : memref<2x512x512xf32, #tpu.memory_space<vmem>>, vector<1x512x512xf32>
    %get3A_20 = vector.shape_cast %get3A_19 : vector<1x512x512xf32> to vector<512x512xf32>
    %add3A_21 = arith.addf %get3A_15, %get3A_20 : vector<512x512xf32>
    %div3A = vector.broadcast %max3A_10 : vector<512x1xf32> to vector<512x512xf32>
    %div3A_22 = arith.divf %add3A_21, %div3A : vector<512x512xf32>
    %get3A_23 = arith.constant 0 : index
    %get3A_24 = arith.constant 0 : index
    %get3A_25 = vector.load %arg4[%get3A_23, %get3A_24] : memref<512x512xf32, #tpu.memory_space<vmem>>, vector<512x512xf32>
    %dot_general3A = arith.constant dense<0.000000e+00> : vector<512x512xf32>
    %dot_general3A_26 = tpu.matmul %div3A_22, %get3A_25, %dot_general3A {dimension_numbers = #tpu.dot_dimension_numbers<[1], [0], [0], [1], [0, 0, 1, 1], [], []>, transpose_lhs_hint = false} : vector<512x512xf32>, vector<512x512xf32>, vector<512x512xf32> -> vector<512x512xf32>
    %get3A_27 = arith.constant 0 : index
    %get3A_28 = arith.constant 0 : index
    %get3A_29 = vector.load %arg3[%get3A_27, %get3A_28] : memref<512x512xf32, #tpu.memory_space<vmem>>, vector<512x512xf32>
    %get3A_30 = arith.constant 0 : index
    %get3A_31 = arith.constant 0 : index
    %get3A_32 = vector.load %arg6[%get3A_30, %get3A_31] : memref<512x512xf32, #tpu.memory_space<vmem>>, vector<512x512xf32>
    %dot_general3A_33 = arith.constant dense<0.000000e+00> : vector<512x512xf32>
    %dot_general3A_34 = tpu.matmul %get3A_29, %get3A_32, %dot_general3A_33 {dimension_numbers = #tpu.dot_dimension_numbers<[1], [0], [0], [1], [0, 0, 1, 1], [], []>, transpose_lhs_hint = false} : vector<512x512xf32>, vector<512x512xf32>, vector<512x512xf32> -> vector<512x512xf32>
    %add3A_35 = arith.addf %dot_general3A_26, %dot_general3A_34 : vector<512x512xf32>
    %get3A_36 = arith.constant 0 : index
    %get3A_37 = arith.constant 0 : index
    %get3A_38 = vector.load %arg5[%get3A_36, %get3A_37] : memref<1x512xf32, #tpu.memory_space<vmem>>, vector<1x512xf32>
    %add3A_39 = vector.broadcast %get3A_38 : vector<1x512xf32> to vector<512x512xf32>
    %add3A_40 = arith.addf %add3A_35, %add3A_39 : vector<512x512xf32>
    %swap3A = arith.constant 0 : index
    %swap3A_41 = arith.constant 0 : index
    %swap3A_42 = vector.load %arg7[%swap3A, %swap3A_41] : memref<512x512xf32, #tpu.memory_space<vmem>>, vector<512x512xf32>
    tpu.vector_store %arg7[%swap3A, %swap3A_41], %add3A_40 {strides = array<i32>} : memref<512x512xf32, #tpu.memory_space<vmem>>, vector<512x512xf32>,
    return
  }
  func.func @transform_0(%arg0: i32) -> (i32, i32, i32) {
    %c0_i32 = arith.constant 0 : i32
    %c0_i32_0 = arith.constant 0 : i32
    %c0_i32_1 = arith.constant 0 : i32
    return %c0_i32, %arg0, %c0_i32_0 : i32, i32, i32
  }
  func.func @transform_1(%arg0: i32) -> (i32, i32, i32) {
    %c0_i32 = arith.constant 0 : i32
    %c0_i32_0 = arith.constant 0 : i32
    %c0_i32_1 = arith.constant 0 : i32
    return %c0_i32, %arg0, %c0_i32_0 : i32, i32, i32
  }
  func.func @transform_2(%arg0: i32) -> (i32, i32) {
    %c0_i32 = arith.constant 0 : i32
    %c0_i32_0 = arith.constant 0 : i32
    return %arg0, %c0_i32 : i32, i32
  }
  func.func @transform_3(%arg0: i32) -> (i32, i32) {
    %c0_i32 = arith.constant 0 : i32
    %c0_i32_0 = arith.constant 0 : i32
    %c0_i32_1 = arith.constant 0 : i32
    return %c0_i32, %c0_i32_0 : i32, i32
  }
  func.func @transform_4(%arg0: i32) -> (i32, i32) {
    %c0_i32 = arith.constant 0 : i32
    %c0_i32_0 = arith.constant 0 : i32
    %c0_i32_1 = arith.constant 0 : i32
    return %c0_i32, %c0_i32_0 : i32, i32
  }
  func.func @transform_5(%arg0: i32) -> (i32, i32) {
    %c0_i32 = arith.constant 0 : i32
    %c0_i32_0 = arith.constant 0 : i32
    %c0_i32_1 = arith.constant 0 : i32
    return %c0_i32, %c0_i32_0 : i32, i32
  }
  func.func @transform_6(%arg0: i32) -> (i32, i32) {
    %c0_i32 = arith.constant 0 : i32
    %c0_i32_0 = arith.constant 0 : i32
    return %arg0, %c0_i32 : i32, i32
  }
}

</mosaic_0001>

<sc_bundles>
// kernel: kernel.11.cloned.1.call-start
scs
__scs_entry_jumppad:
0x0: {  	(pc) =	sbr.rel $0x88, $3  }
0x1: {  	(tag) =	ssettag $0x0;
	lr =	simm.s32 $0x1  }
0x2: {  	[smem:$0x3F99] =	sst lr;
	_ =	strace $0xD0000000  }
0x3: {  	_ = 	snop  }
0x4: {  	_ = 	snop  }
0x5: {  	_ = 	snop  }
0x6: {  	_ = 	snop  }
0x7: {  	_ = 	snop  }
__scs_overlays_trampoline_lowered:
0x8: {  	[smem:$0x3FA8] =	sst s0  }
0x9: {  	[smem:$0x3FA9] =	sst s1  }
0xa: {  	[smem:$0x3FAA] =	sst s2  }
0xb: {  	[smem:$0x3FAB] =	sst s3  }
0xc: {  	[smem:$0x3FAC] =	sst s4  }
0xd: {  	[smem:$0x3FAD] =	sst s5  }
0xe: {  	[smem:$0x3FAE] =	sst s6  }
0xf: {  	[smem:$0x3FAF] =	sst s7  }
0x10: {  	[smem:$0x3FB0] =	sst s8  }
0x11: {  	[smem:$0x3FB1] =	sst s9;
	s0 =	simm.s32 @!p0 $0x0  }
0x12: {  	s1 =	sld [smem:$0x3F97];
	s0 =	simm.s32 @p0 $0x1  }
0x13: {  	[smem:$0x3FB2] =	sst s0;
	s0 =	simm.s32 @!p1 $0x0  }
0x14: {  	s2 =	sld [smem:$0x3F96];
	s0 =	simm.s32 @p1 $0x1  }
0x15: {  	[smem:$0x3FB3] =	sst s0;
	s0 =	simm.s32 @!p2 $0x0  }
0x16: {  	s3 =	sld [smem:$0x3FDB];
	s0 =	simm.s32 @p2 $0x1  }
0x17: {  	s4 =	simm.s32 $0x1BF5;
	[smem:$0x3FB5] =	sst s0  }
0x18: {  	s0 =	sld [smem:$0x3F98];
	_ =	swait.ge [sflag:s4], $0x0  }
0x19: {  	s7 =	sld [smem:$0x3F99]  }
0x1a: {  	s8 =	sadd.s32 $0xFFFFE003, lr  }
0x1b: {  	s9 =	sadd.s32 $0xFFFFFEF7, lr;
	s5 =	simm.s32 $0xFFFFFFFF;
	p2 =	slt.u32 s8, $0xFFFFF086  }
0x1c: {  	p1 =	slt.u32 s9, $0xF7A;
	s5 =	simm.s32 @!p2 $0x0  }
0x1d: {  	s5 =	simm.s32 @p1 $0x1;
	p0 =	seq.s32 s7, s2  }
0x1e: {  	s7 =	smul.u32 @!p0 $0xF7A, s2;
	p2 =	seq.s32 @!p0 s5, $0x0  }
0x1f: {  	s9 =	smul.u32 $0xF7A, s1;
	s8 =	simm.s32 @!p0 $0x1BF5;
	p2 =	por !p2, p0  }
0x20: {  	[sflag:s8] =	ssyncset.s32 @!p0 $0xFFFFF086;
	s6 =	sadd.s32 @!p0 s3, s7;
	s7 =	simm.s32 @!p0 $0x108  }
0x21: {  	s3 =	sadd.s32 s3, s9;
	s6 =	sadd.s32 @!p0 $0x88, s6;
	s7 =	simm.s32 @p2 $0x1082  }
0x22: {  	[simem:s7], [sflag:s8] =	dma.local @!p0 [hbm:s6], $0xF7A  }
0x23: {  	s9 =	sor.u32 $0xD0000000, s2;
	s6 =	simm.s32 $0x108;
	_ =	swait.ge @!p0 [sflag:s8], $0x0  }
0x24: {  	s3 =	sadd.s32 $0x88, s3;
	s6 =	simm.s32 @!p1 $0x1082;
	[sflag:s4] =	ssyncset.s32 $0xFFFFF086  }
0x25: {  	[simem:s6], [sflag:s4] =	dma.local [hbm:s3], $0xF7A  }
0x26: {  	[smem:$0x3F99] =	sst s1;
	(tag) =	ssettag s2;
	_ =	strace s9  }
0x27: {  	s1 =	sld [smem:$0x3FA9]  }
0x28: {  	s2 =	sld [smem:$0x3FAA]  }
0x29: {  	s4 =	sld [smem:$0x3FAC]  }
0x2a: {  	p0 =	seq.s32 s5, $0x0;
	s5 =	sld [smem:$0x3FAD]  }
0x2b: {  	s6 =	sld [smem:$0x3FAE]  }
0x2c: {  	s7 =	sld [smem:$0x3FAF]  }
0x2d: {  	s3 =	simm.s32 $0x108;
	s8 =	sld [smem:$0x3FB0]  }
0x2e: {  	s3 =	simm.s32 @!p0 $0x1082;
	s9 =	sld [smem:$0x3FB1]  }
0x2f: {  	lr =	sadd.s32 s0, s3;
	s0 =	sld [smem:$0x3FA8]  }
0x30: {  	s3 =	sld [smem:$0x3FAB]  }
0x31: {  	[smem:$0x3FB4] =	sst s10  }
0x32: {  	s10 =	sld [smem:$0x3FB2];
	_ =	sdelay $0x3  }
0x33: {  	p0 =	seq.s32 s10, $0x1;
	s10 =	sld [smem:$0x3FB4];
	_ =	sdelay $0x3  }
0x34: {  	[smem:$0x3FB4] =	sst s10  }
0x35: {  	s10 =	sld [smem:$0x3FB3];
	_ =	sdelay $0x3  }
0x36: {  	p1 =	seq.s32 s10, $0x1;
	s10 =	sld [smem:$0x3FB4];
	_ =	sdelay $0x3  }
0x37: {  	[smem:$0x3FB4] =	sst s10  }
0x38: {  	s10 =	sld [smem:$0x3FB5]  }
0x39: {  	_ = 	snop;
	(pc) =	sbr.ind lr, $3  }
0x3a: {  	_ = 	snop  }
0x3b: {  	_ = 	snop  }
0x3c: {  	p2 =	seq.s32 s10, $0x1;
	s10 =	sld [smem:$0x3FB4]  }
0x3d: {  	_ =	shalt  }
0x3e: {  	_ =	shalt  }
0x3f: {  	_ =	shalt  }
0x40: {  	_ =	shalt  }
0x41: {  	_ =	shalt  }
0x42: {  	_ =	shalt  }
0x43: {  	_ =	shalt  }
0x44: {  	_ =	shalt  }
0x45: {  	_ =	shalt  }
0x46: {  	_ =	shalt  }
0x47: {  	_ =	shalt  }
0x48: {  	_ =	shalt  }
0x49: {  	_ =	shalt  }
0x4a: {  	_ =	shalt  }
0x4b: {  	_ =	shalt  }
0x4c: {  	_ =	shalt  }
0x4d: {  	_ =	shalt  }
0x4e: {  	_ =	shalt  }
0x4f: {  	_ =	shalt  }
0x50: {  	_ =	shalt  }
0x51: {  	_ =	shalt  }
0x52: {  	_ =	shalt  }
0x53: {  	_ =	shalt  }
0x54: {  	_ =	shalt  }
0x55: {  	_ =	shalt  }
0x56: {  	_ =	shalt  }
0x57: {  	_ =	shalt  }
0x58: {  	_ =	shalt  }
0x59: {  	_ =	shalt  }
0x5a: {  	_ =	shalt  }
0x5b: {  	_ =	shalt  }
0x5c: {  	_ =	shalt  }
0x5d: {  	_ =	shalt  }
0x5e: {  	_ =	shalt  }
0x5f: {  	_ =	shalt  }
0x60: {  	_ =	shalt  }
0x61: {  	_ =	shalt  }
0x62: {  	_ =	shalt  }
0x63: {  	_ =	shalt  }
0x64: {  	_ =	shalt  }
0x65: {  	_ =	shalt  }
0x66: {  	_ =	shalt  }
0x67: {  	_ =	shalt  }
0x68: {  	_ =	shalt  }
0x69: {  	_ =	shalt  }
0x6a: {  	_ =	shalt  }
0x6b: {  	_ =	shalt  }
0x6c: {  	_ =	shalt  }
0x6d: {  	_ =	shalt  }
0x6e: {  	_ =	shalt  }
0x6f: {  	_ =	shalt  }
0x70: {  	_ =	shalt  }
0x71: {  	_ =	shalt  }
0x72: {  	_ =	shalt  }
0x73: {  	_ =	shalt  }
0x74: {  	_ =	shalt  }
0x75: {  	_ =	shalt  }
0x76: {  	_ =	shalt  }
0x77: {  	_ =	shalt  }
0x78: {  	_ =	shalt  }
0x79: {  	_ =	shalt  }
0x7a: {  	_ =	shalt  }
0x7b: {  	_ =	shalt  }
0x7c: {  	_ =	shalt  }
0x7d: {  	_ =	shalt  }
0x7e: {  	_ =	shalt  }
0x7f: {  	_ =	shalt  }
0x80: {  	_ =	shalt  }
0x81: {  	_ =	shalt  }
0x82: {  	_ =	shalt  }
0x83: {  	_ =	shalt  }
0x84: {  	_ =	shalt  }
0x85: {  	_ =	shalt  }
0x86: {  	_ =	shalt  }
0x87: {  	_ =	shalt  }
.Lfunc_end0:
.L_simem_size_0:
called_computation_lowered:
.L_overlay_start_0:
0x88: {  	s2 =	sld [smem:$0x3FD9]  }
0x89: {  	s3 =	sld [smem:$0x3FFE];
	_ =	sdelay $0x1  }
0x8a: {  	s1 =	srdreg.scid  }
0x8b: {  	s0 =	sand.u32 $0x1, s1  }
0x8c: {  	s17 =	sshll.u32 s0, $0xA;
	s2 =	sadd.s32 s3, s2  }
0x8d: {  	s2 =	sadd.s32 s2, s17  }
0x8e: {  	[smem:$0x3FC0] =	sst s2  }
0x8f: {  	_ = 	snop  }
0x90: {  	s18 =	sld [smem:$0x3FD0];
	(tm) =	ssettm $0x1  }
0x91: {  	s19 =	sld [smem:$0x3FFB];
	_ =	sdelay $0x3  }
0x92: {  	_ =	strace s19  }
0x93: {  	s2 =	sld [smem:$0x3FFC];
	_ =	sdelay $0x3  }
0x94: {  	_ =	strace s2  }
0x95: {  	s2 =	sld [smem:$0x3FFD];
	_ =	sdelay $0x3  }
0x96: {  	_ =	strace s2  }
0x97: {  	_ =	strace $0x8FFFFFFF  }
0x98: {  	s20 =	sld [smem:$0x3FDB];
	_ =	sdelay $0x1  }
0x99: {  	s4 =	simm.s32 $_scs_section_size  }
0x9a: {  	s5 =	simm.s32 $_size__tile_overlayer_lowered;
	s6 =	simm.s32 $_tile_overlayer_lowered  }
0x9b: {  	s7 =	simm.s32 $0x1BFF;
	s21 =	sshll.u32 s6, $0x1;
	s4 =	sadd.s32 s4, s20  }
0x9c: {  	s22 =	simm.s32 $0x0;
	s5 =	sshll.u32 s5, $0x1;
	s6 =	sadd.s32 s21, s4  }
0x9d: {  	[timem:s22], [sflag:s7] =	dma.local [hbm:s6], s5  }
0x9e: {  	_ =	swait.ge [sflag:s7], s5  }
0x9f: {  	s5 =	ssub.s32 $0x0, s5;
	[sflag:s7] =	ssyncset.done $0x0  }
0xa0: {  	[sflag:s7] =	ssyncadd.s32 s5;
	_ =	sdelay $0x1  }
0xa1: {  	s23 =	simm.s32 $0x1B8B  }
0xa2: {  	_ =	swait.ge [sflag:s23], $0x1  }
0xa3: {  	[sflag:s23] =	ssyncset.done $0x0  }
0xa4: {  	[sflag:s23] =	ssyncadd.s32 $0xFFFFFFFF  }
0xa5: {  	s5 =	sld [smem:$0x0]  }
0xa6: {  	s6 =	sand.u32 $0xFFFFFFFE, s1  }
0xa7: {  	p0 =	sne.s32 s1, s6  }
0xa8: {  	s6 =	sshll.u32 @p0 s6, $0xE  }
0xa9: {  	s6 =	sadd.s32 @p0 $0x11B8D, s6;
	s7 =	sshll.u32 @p0 s5, $0x11  }
0xaa: {  	s6 =	sor.u32 @p0 s7, s6  }
0xab: {  	[sflag:s6] =	ssyncadd.remote.s32 @p0 $0x1;
	_ =	sdelay $0x1  }
0xac: {  	s6 =	simm.s32 @p0 $0x1B8D  }
0xad: {  	_ =	swait.eq @p0 [sflag:s6], $0x1  }
0xae: {  	[sflag:s6] =	ssyncadd.s32 @p0 $0xFFFFFFFF  }
0xaf: {  	s7 =	sshll.u32 @!p0 s1, $0xE  }
0xb0: {  	s7 =	sor.u32 @!p0 $0x4000, s7;
	s6 =	simm.s32 @!p0 $0x1B8D  }
0xb1: {  	s5 =	sshll.u32 @!p0 s5, $0x11;
	s7 =	sadd.s32 @!p0 $0x11B8D, s7;
	_ =	swait.eq @!p0 [sflag:s6], $0x1  }
0xb2: {  	s5 =	sor.u32 @!p0 s5, s7;
	[sflag:s6] =	ssyncadd.s32 @!p0 $0xFFFFFFFF  }
0xb3: {  	s25 =	simm.s32 $0x1B8E;
	s24 =	sld [smem:$0x3FFE];
	[sflag:s5] =	ssyncadd.remote.s32 @!p0 $0x1  }
0xb4: {  	s26 =	simm.s32 $execute0_lowered;
	[smem:$0x3FD2] =	sst s25  }
0xb5: {  	s6 =	sshll.u32 s26, $0x1;
	_ =	strace $0x8000004C;
	[dreg:$0x1] =	wrdreg $0xFFFFFFFF  }
0xb6: {  	s28 =	simm.s32 $_size_execute0_lowered;
	s4 =	sadd.s32 s4, s6;
	[dreg:$0x0] =	wrdreg $0x0  }
0xb7: {  	s6 =	sshll.u32 s28, $0x1;
	[dreg:$0x2] =	wrdreg s4  }
0xb8: {  	[dreg:$0x3] =	wrdreg s6  }
0xb9: {  	[dreg:$0x4] =	wrdreg $0xC0  }
0xba: {  	_ =	task [dreg:s22], $0x5FFFF  }
0xbb: {  	[dreg:$0x1] =	wrdreg $0xFFFFFFFF  }
0xbc: {  	[dreg:$0x0] =	wrdreg $0x60  }
0xbd: {  	[dreg:$0x2] =	wrdreg s24  }
0xbe: {  	[dreg:$0x3] =	wrdreg s18  }
0xbf: {  	[dreg:$0x4] =	wrdreg $0x54000  }
0xc0: {  	[dreg:$0x5] =	wrdreg $0x9  }
0xc1: {  	_ =	task.clear_ibuf [dreg:s22], $0x6FFFF;
	_ =	strace $0x9000004C  }
0xc2: {  	s29 =	simm.s32 $0x9;
	_ =	strace $0x8000004E  }
0xc3: {  	_ =	swait.ge [sflag:s29], $0x1  }
0xc4: {  	[sflag:s29] =	ssyncadd.s32 $0xFFFFFFFF  }
0xc5: {  	_ =	strace $0x9000004E  }
0xc6: {  	_ =	sfence  }
0xc7: {  	s30 =	sld [smem:$0x0];
	_ =	sdelay $0x2  }
0xc8: {  	s31 =	sshll.u32 s1, $0xD;
	s1 =	sshrl.u32 s1, $0x2  }
0xc9: {  	s4 =	sand.u32 $0x4000, s31;
	s1 =	sadd.s32 s1, s30  }
0xca: {  	s0 =	sor.u32 s4, s0;
	s1 =	sshll.u32 s1, $0x11  }
0xcb: {  	s0 =	sor.u32 s1, s0  }
0xcc: {  	s0 =	sadd.s32 $0x8F2B, s0  }
0xcd: {  	[sflag:s0] =	ssyncadd.remote.s32 $0x1  }
0xce: {  	_ =	sfence.sel $0xFFFF  }
0xcf: {  	[dreg:$0x0] =	wrdreg $0xFFFFFFFF;
	(pc) =	sbr.abs _section_cstart, $3  }
0xd0: {  	[dreg:$0x1] =	wrdreg $0xFFFFFFFF  }
0xd1: {  	_ =	task.clear_ibuf [dreg:s22], $0x2FFFF;
	_ =	strace $0x9FFFFFFF  }
0xd2: {  	(tm) =	ssettm $0x7FFFFFFF  }
0xd3: {  	_ =	shalt  }
tec
execute0_lowered:
.L_overlay_start_1:
0x0: {  	(tag) =	ssettag $0x1  }
0x1: {  	s0 =	rddreg [dreg:$0x0];
	s1 =	srdreg.scid  }
0x2: {  	s11 =	stileid.u32;
	s8 =	rddreg [dreg:$0x1]  }
0x3: {  	s2 =	rddreg [dreg:$0x2];
	s12 =	simm.s32 $0x1400;
	s13 =	simm.s32 $0x80  }
0x4: {  	s17 =	simm.s32 $0xC00;
	s18 =	simm.s32 $0xC80;
	s19 =	simm.s32 $0xD00  }
0x5: {  	s20 =	simm.s32 $0xD80;
	s21 =	simm.s32 $0xE00;
	s22 =	simm.s32 $0xE80  }
0x6: {  	s28 =	simm.s32 $0x1100;
	s29 =	simm.s32 $0x1180;
	s30 =	simm.s32 $0x1200  }
0x7: {  	s31 =	simm.s32 $0x1280;
	s14 =	simm.s32 $0x1;
	s15 =	simm.s32 $0x0  }
0x8: {  	s1 =	sand.u32 $0x1, s1;
	s3 =	sshll.u32 s11, $0x1;
	s6 =	smul.u32 $0x50000, s11  }
0x9: {  	s9 =	smul.u32 $0x14000, s11;
	s26 =	sshll.u32 s11, $0x6;
	s11 =	simm.s32 $0x2  }
0xa: {  	s4 =	sor.u32 s1, s3;
	s3 =	simm.s32 $0x0;
	s7 =	smul.u32 $0x140000, s1  }
0xb: {  	s1 =	ssub.s32 $0x2, s1;
	s5 =	smul.u32 $0x280, s4;
	[smem:$0x7FF] =	sst s3  }
0xc: {  	s4 =	sadd.s32 $0xFDE00, s0;
	s23 =	sshrl.u32 s1, $0x1;
	s24 =	sshrl.u32 s6, $0x2  }
0xd: {  	s6 =	sor.u32 $0x1C02, s26;
	s26 =	simm.s32 $0x1080;
	_ =	strace $0x8000004D  }
0xe: {  	s25 =	sadd.s32 s9, s7;
	s10 =	sadd.s32 s5, s0;
	s5 =	sadd.s32 $0x5B600, s0  }
0xf: {  	s0 =	ssub.s32 s1, s23;
	s1 =	sadd.s32 s24, s2;
	s9 =	sshrl.u32 s25, $0x3  }
0x10: {  	s23 =	simm.s32 $0xF00;
	s24 =	simm.s32 $0xF80;
	s25 =	simm.s32 $0x1000  }
0x11: {  	s7 =	sadd.s32 $0x51600, s10;
	s8 =	sadd.s32 s8, s9;
	s9 =	smax.u32 s0, $0x1  }
0x12: {  	s10 =	sshrl.u32 s1, $0x3;
	s1 =	simm.s32 $0x1300;
	s0 =	simm.s32 $0x1380  }
.LBB2_1:
0x13: {  	[spmem:s10], [sflag:s6] =	dma.local [hbm:s5], $0x2800  }
0x14: {  	_ =	swait.ge [sflag:s11], $0x2800  }
0x15: {  	[sflag:s11] =	ssyncset.done $0x0  }
0x16: {  	[sflag:s11] =	ssyncadd.s32 $0xFFFFD800  }
0x17: {  	[tilespmem:s3], [sflag:$0x2] =	stream.linear.gather [hbm4b:s7+s3], $0x1400, $0x38;
	[tilespmem:$0x19400] =	vst v63  }
0x18: {  	_ =	swait.ge [sflag:s11], $0x1400  }
0x19: {  	[sflag:s11] =	ssyncset.done $0x0  }
0x1a: {  	[sflag:s11] =	ssyncadd.s32 $0xFFFFEC00  }
0x1b: {  	[tilespmem:s12], [sflag:$0x2] =	stream.linear.gather [hbm4b:s4+s3], $0x4000, $0x38;
	[tilespmem:$0x19400] =	vst v63  }
0x1c: {  	_ =	swait.ge [sflag:s11], $0x4000  }
0x1d: {  	[sflag:s11] =	ssyncset.done $0x0  }
0x1e: {  	[sflag:s11] =	ssyncadd.s32 $0xFFFFC000  }
0x1f: {  	[bflag:$0x0] =	sbarrier.arrive $0xFFFF  }
0x20: {  	[spmem:s2] =	stream.indirect.scatter.add.f32 [tilespmem:s12], [sflag:$0x1], $0x80, s3, s13, $0xb8;
	[tilespmem:$0x19400] =	vst v63  }
0x21: {  	_ = 	snop  }
0x22: {  	[spmem:s2] =	stream.indirect.scatter.add.f32 [tilespmem:s12], [sflag:$0x1], $0x80, s13, s13, $0xb8;
	[tilespmem:$0x19400] =	vst v63  }
0x23: {  	s16 =	simm.s32 $0x100  }
0x24: {  	[spmem:s2] =	stream.indirect.scatter.add.f32 [tilespmem:s12], [sflag:$0x1], $0x80, s16, s13, $0xb8;
	[tilespmem:$0x19400] =	vst v63  }
0x25: {  	s16 =	simm.s32 $0x180  }
0x26: {  	[spmem:s2] =	stream.indirect.scatter.add.f32 [tilespmem:s12], [sflag:$0x1], $0x80, s16, s13, $0xb8;
	[tilespmem:$0x19400] =	vst v63  }
0x27: {  	s16 =	simm.s32 $0x200  }
0x28: {  	[spmem:s2] =	stream.indirect.scatter.add.f32 [tilespmem:s12], [sflag:$0x1], $0x80, s16, s13, $0xb8;
	[tilespmem:$0x19400] =	vst v63  }
0x29: {  	s16 =	simm.s32 $0x280  }
0x2a: {  	[spmem:s2] =	stream.indirect.scatter.add.f32 [tilespmem:s12], [sflag:$0x1], $0x80, s16, s13, $0xb8;
	[tilespmem:$0x19400] =	vst v63  }
0x2b: {  	s16 =	simm.s32 $0x300  }
0x2c: {  	[spmem:s2] =	stream.indirect.scatter.add.f32 [tilespmem:s12], [sflag:$0x1], $0x80, s16, s13, $0xb8;
	[tilespmem:$0x19400] =	vst v63  }
0x2d: {  	s16 =	simm.s32 $0x380  }
0x2e: {  	[spmem:s2] =	stream.indirect.scatter.add.f32 [tilespmem:s12], [sflag:$0x1], $0x80, s16, s13, $0xb8;
	[tilespmem:$0x19400] =	vst v63  }
0x2f: {  	s16 =	simm.s32 $0x400  }
0x30: {  	[spmem:s2] =	stream.indirect.scatter.add.f32 [tilespmem:s12], [sflag:$0x1], $0x80, s16, s13, $0xb8;
	[tilespmem:$0x19400] =	vst v63  }
0x31: {  	s16 =	simm.s32 $0x480  }
0x32: {  	[spmem:s2] =	stream.indirect.scatter.add.f32 [tilespmem:s12], [sflag:$0x1], $0x80, s16, s13, $0xb8;
	[tilespmem:$0x19400] =	vst v63  }
0x33: {  	s16 =	simm.s32 $0x500  }
0x34: {  	[spmem:s2] =	stream.indirect.scatter.add.f32 [tilespmem:s12], [sflag:$0x1], $0x80, s16, s13, $0xb8;
	[tilespmem:$0x19400] =	vst v63  }
0x35: {  	s16 =	simm.s32 $0x580  }
0x36: {  	[spmem:s2] =	stream.indirect.scatter.add.f32 [tilespmem:s12], [sflag:$0x1], $0x80, s16, s13, $0xb8;
	[tilespmem:$0x19400] =	vst v63  }
0x37: {  	s16 =	simm.s32 $0x600  }
0x38: {  	[spmem:s2] =	stream.indirect.scatter.add.f32 [tilespmem:s12], [sflag:$0x1], $0x80, s16, s13, $0xb8;
	[tilespmem:$0x19400] =	vst v63  }
0x39: {  	s16 =	simm.s32 $0x680  }
0x3a: {  	[spmem:s2] =	stream.indirect.scatter.add.f32 [tilespmem:s12], [sflag:$0x1], $0x80, s16, s13, $0xb8;
	[tilespmem:$0x19400] =	vst v63  }
0x3b: {  	s16 =	simm.s32 $0x700  }
0x3c: {  	[spmem:s2] =	stream.indirect.scatter.add.f32 [tilespmem:s12], [sflag:$0x1], $0x80, s16, s13, $0xb8;
	[tilespmem:$0x19400] =	vst v63  }
0x3d: {  	s16 =	simm.s32 $0x780  }
0x3e: {  	[spmem:s2] =	stream.indirect.scatter.add.f32 [tilespmem:s12], [sflag:$0x1], $0x80, s16, s13, $0xb8;
	[tilespmem:$0x19400] =	vst v63  }
0x3f: {  	s16 =	simm.s32 $0x800  }
0x40: {  	[spmem:s2] =	stream.indirect.scatter.add.f32 [tilespmem:s12], [sflag:$0x1], $0x80, s16, s13, $0xb8;
	[tilespmem:$0x19400] =	vst v63  }
0x41: {  	s16 =	simm.s32 $0x880  }
0x42: {  	[spmem:s2] =	stream.indirect.scatter.add.f32 [tilespmem:s12], [sflag:$0x1], $0x80, s16, s13, $0xb8;
	[tilespmem:$0x19400] =	vst v63  }
0x43: {  	s16 =	simm.s32 $0x900  }
0x44: {  	[spmem:s2] =	stream.indirect.scatter.add.f32 [tilespmem:s12], [sflag:$0x1], $0x80, s16, s13, $0xb8;
	[tilespmem:$0x19400] =	vst v63  }
0x45: {  	s16 =	simm.s32 $0x980  }
0x46: {  	[spmem:s2] =	stream.indirect.scatter.add.f32 [tilespmem:s12], [sflag:$0x1], $0x80, s16, s13, $0xb8;
	[tilespmem:$0x19400] =	vst v63  }
0x47: {  	s16 =	simm.s32 $0xA00  }
0x48: {  	[spmem:s2] =	stream.indirect.scatter.add.f32 [tilespmem:s12], [sflag:$0x1], $0x80, s16, s13, $0xb8;
	[tilespmem:$0x19400] =	vst v63  }
0x49: {  	s16 =	simm.s32 $0xA80  }
0x4a: {  	[spmem:s2] =	stream.indirect.scatter.add.f32 [tilespmem:s12], [sflag:$0x1], $0x80, s16, s13, $0xb8;
	[tilespmem:$0x19400] =	vst v63  }
0x4b: {  	s16 =	simm.s32 $0xB00  }
0x4c: {  	[spmem:s2] =	stream.indirect.scatter.add.f32 [tilespmem:s12], [sflag:$0x1], $0x80, s16, s13, $0xb8;
	[tilespmem:$0x19400] =	vst v63  }
0x4d: {  	s16 =	simm.s32 $0xB80  }
0x4e: {  	[spmem:s2] =	stream.indirect.scatter.add.f32 [tilespmem:s12], [sflag:$0x1], $0x80, s16, s13, $0xb8;
	[tilespmem:$0x19400] =	vst v63  }
0x4f: {  	_ = 	snop  }
0x50: {  	[spmem:s2] =	stream.indirect.scatter.add.f32 [tilespmem:s12], [sflag:$0x1], $0x80, s17, s13, $0xb8;
	[tilespmem:$0x19400] =	vst v63  }
0x51: {  	_ = 	snop  }
0x52: {  	[spmem:s2] =	stream.indirect.scatter.add.f32 [tilespmem:s12], [sflag:$0x1], $0x80, s18, s13, $0xb8;
	[tilespmem:$0x19400] =	vst v63  }
0x53: {  	_ = 	snop  }
0x54: {  	[spmem:s2] =	stream.indirect.scatter.add.f32 [tilespmem:s12], [sflag:$0x1], $0x80, s19, s13, $0xb8;
	[tilespmem:$0x19400] =	vst v63  }
0x55: {  	_ = 	snop  }
0x56: {  	[spmem:s2] =	stream.indirect.scatter.add.f32 [tilespmem:s12], [sflag:$0x1], $0x80, s20, s13, $0xb8;
	[tilespmem:$0x19400] =	vst v63  }
0x57: {  	_ = 	snop  }
0x58: {  	[spmem:s2] =	stream.indirect.scatter.add.f32 [tilespmem:s12], [sflag:$0x1], $0x80, s21, s13, $0xb8;
	[tilespmem:$0x19400] =	vst v63  }
0x59: {  	_ = 	snop  }
0x5a: {  	[spmem:s2] =	stream.indirect.scatter.add.f32 [tilespmem:s12], [sflag:$0x1], $0x80, s22, s13, $0xb8;
	[tilespmem:$0x19400] =	vst v63  }
0x5b: {  	_ = 	snop  }
0x5c: {  	[spmem:s2] =	stream.indirect.scatter.add.f32 [tilespmem:s12], [sflag:$0x1], $0x80, s23, s13, $0xb8;
	[tilespmem:$0x19400] =	vst v63  }
0x5d: {  	_ = 	snop  }
0x5e: {  	[spmem:s2] =	stream.indirect.scatter.add.f32 [tilespmem:s12], [sflag:$0x1], $0x80, s24, s13, $0xb8;
	[tilespmem:$0x19400] =	vst v63  }
0x5f: {  	_ = 	snop  }
0x60: {  	[spmem:s2] =	stream.indirect.scatter.add.f32 [tilespmem:s12], [sflag:$0x1], $0x80, s25, s13, $0xb8;
	[tilespmem:$0x19400] =	vst v63  }
0x61: {  	_ = 	snop  }
0x62: {  	[spmem:s2] =	stream.indirect.scatter.add.f32 [tilespmem:s12], [sflag:$0x1], $0x80, s26, s13, $0xb8;
	[tilespmem:$0x19400] =	vst v63  }
0x63: {  	_ = 	snop  }
0x64: {  	[spmem:s2] =	stream.indirect.scatter.add.f32 [tilespmem:s12], [sflag:$0x1], $0x80, s28, s13, $0xb8;
	[tilespmem:$0x19400] =	vst v63  }
0x65: {  	_ = 	snop  }
0x66: {  	[spmem:s2] =	stream.indirect.scatter.add.f32 [tilespmem:s12], [sflag:$0x1], $0x80, s29, s13, $0xb8;
	[tilespmem:$0x19400] =	vst v63  }
0x67: {  	_ = 	snop  }
0x68: {  	[spmem:s2] =	stream.indirect.scatter.add.f32 [tilespmem:s12], [sflag:$0x1], $0x80, s30, s13, $0xb8;
	[tilespmem:$0x19400] =	vst v63  }
0x69: {  	_ = 	snop  }
0x6a: {  	[spmem:s2] =	stream.indirect.scatter.add.f32 [tilespmem:s12], [sflag:$0x1], $0x80, s31, s13, $0xb8;
	[tilespmem:$0x19400] =	vst v63  }
0x6b: {  	_ = 	snop  }
0x6c: {  	[spmem:s2] =	stream.indirect.scatter.add.f32 [tilespmem:s12], [sflag:$0x1], $0x80, s1, s13, $0xb8;
	[tilespmem:$0x19400] =	vst v63  }
0x6d: {  	_ = 	snop  }
0x6e: {  	[spmem:s2] =	stream.indirect.scatter.add.f32 [tilespmem:s12], [sflag:$0x1], $0x80, s0, s13, $0xb8;
	[tilespmem:$0x19400] =	vst v63  }
0x6f: {  	_ =	swait.ge [sflag:s14], $0x4000  }
0x70: {  	s16 =	simm.s32 $0x27;
	[sflag:s14] =	ssyncset.done $0x0  }
.LBB2_2:
0x71: {  	p0 =	sne.s32 s16, $0x1;
	s16 =	sadd.s32 $0xFFFFFFFF, s16;
	[sflag:s14] =	ssyncadd.s32 $0xFFFFC000  }
.Ltmp0:
0x72: {  	(pc) =	sbr.rel @p0 .LBB2_2-.Ltmp0, $3  }
0x73: {  	_ =	sdelay $0x1  }
0x74: {  	_ =	swait.ge [sflag:s14], $0x4000  }
0x75: {  	[sflag:s14] =	ssyncset.done $0x0  }
0x76: {  	s15 =	sadd.s32 $0x1, s15  }
0x77: {  	[sflag:s14] =	ssyncadd.s32 $0xFFFFC000;
	p0 =	sne.s32 s15, s9  }
.Ltmp1:
0x78: {  	[bflag:$0x0] =	sbarrier.arrive $0xFFFF;
	(pc) =	sbr.rel @p0 .LBB2_1-.Ltmp1, $4  }
0x79: {  	[hbm:s8], [sflag:s6] =	dma.local [spmem:s10], $0x2800  }
0x7a: {  	_ =	swait.ge [sflag:s11], $0x2800  }
0x7b: {  	[sflag:s11] =	ssyncset.done $0x0  }
0x7c: {  	[sflag:s11] =	ssyncadd.s32 $0xFFFFD800  }
0x7d: {  	_ =	sfence.sel $0x180000  }
0x7e: {  	[bflag:$0x0] =	sbarrier.arrive $0xFFFF  }
0x7f: {  	_ =	strace $0x9000004D  }
0x80: {  	s0 =	stileid.u32;
	[bflag:$0x2] =	sbarrier.arrive $0xFFFF  }
0x81: {  	p0 =	sne.s32 s0, $0x0;
	s0 =	rddreg [dreg:$0x3]  }
0x82: {  	s0 =	sadd.s32 @!p0 $0x100000, s0  }
0x83: {  	[sflag:s0] =	ssyncadd.tile.s32 @!p0 $0x1;
	_ =	shalt  }
.Lfunc_end2:
_tile_overlayer_lowered:
.L_overlay_start_2:
0x84: {  	(tag) =	ssettag $0x2  }
0x85: {  	s0 =	rddreg [dreg:$0x0];
	s2 =	stileid.u32  }
0x86: {  	s1 =	rddreg [dreg:$0x1];
	p0 =	sne.s32 s2, $0x0  }
0x87: {  	s3 =	rddreg [dreg:$0x2];
	[bflag:$0x3] =	sbarrier.arrive $0xFFFF;
	s2 =	simm.s32 @!p0 $0x1C02  }
0x88: {  	[timem:s3], [sflag:s2] =	dma.local @!p0 [hbm:s0], s1  }
0x89: {  	s0 =	simm.s32 @!p0 $0x2  }
0x8a: {  	_ =	swait.ge @!p0 [sflag:s0], s1  }
0x8b: {  	s1 =	ssub.s32 @!p0 $0x0, s1;
	[sflag:s0] =	ssyncset.done @!p0 $0x0  }
0x8c: {  	[sflag:s0] =	ssyncadd.s32 @!p0 s1  }
0x8d: {  	[bflag:$0x3] =	sbarrier.arrive $0xFFFF  }
0x8e: {  	_ =	shalt  }

// kernel: kernel.14.cloned.1.call-start
scs
__scs_entry_jumppad:
0x0: {  	(pc) =	sbr.rel $0x88, $3  }
0x1: {  	(tag) =	ssettag $0x0;
	lr =	simm.s32 $0x1  }
0x2: {  	[smem:$0x3F99] =	sst lr;
	_ =	strace $0xD0000000  }
0x3: {  	_ = 	snop  }
0x4: {  	_ = 	snop  }
0x5: {  	_ = 	snop  }
0x6: {  	_ = 	snop  }
0x7: {  	_ = 	snop  }
__scs_overlays_trampoline_lowered:
0x8: {  	[smem:$0x3FA8] =	sst s0  }
0x9: {  	[smem:$0x3FA9] =	sst s1  }
0xa: {  	[smem:$0x3FAA] =	sst s2  }
0xb: {  	[smem:$0x3FAB] =	sst s3  }
0xc: {  	[smem:$0x3FAC] =	sst s4  }
0xd: {  	[smem:$0x3FAD] =	sst s5  }
0xe: {  	[smem:$0x3FAE] =	sst s6  }
0xf: {  	[smem:$0x3FAF] =	sst s7  }
0x10: {  	[smem:$0x3FB0] =	sst s8  }
0x11: {  	[smem:$0x3FB1] =	sst s9;
	s0 =	simm.s32 @!p0 $0x0  }
0x12: {  	s1 =	sld [smem:$0x3F97];
	s0 =	simm.s32 @p0 $0x1  }
0x13: {  	[smem:$0x3FB2] =	sst s0;
	s0 =	simm.s32 @!p1 $0x0  }
0x14: {  	s2 =	sld [smem:$0x3F96];
	s0 =	simm.s32 @p1 $0x1  }
0x15: {  	[smem:$0x3FB3] =	sst s0;
	s0 =	simm.s32 @!p2 $0x0  }
0x16: {  	s3 =	sld [smem:$0x3FDB];
	s0 =	simm.s32 @p2 $0x1  }
0x17: {  	s4 =	simm.s32 $0x1BF5;
	[smem:$0x3FB5] =	sst s0  }
0x18: {  	s0 =	sld [smem:$0x3F98];
	_ =	swait.ge [sflag:s4], $0x0  }
0x19: {  	s7 =	sld [smem:$0x3F99]  }
0x1a: {  	s8 =	sadd.s32 $0xFFFFE003, lr  }
0x1b: {  	s9 =	sadd.s32 $0xFFFFFEF7, lr;
	s5 =	simm.s32 $0xFFFFFFFF;
	p2 =	slt.u32 s8, $0xFFFFF086  }
0x1c: {  	p1 =	slt.u32 s9, $0xF7A;
	s5 =	simm.s32 @!p2 $0x0  }
0x1d: {  	s5 =	simm.s32 @p1 $0x1;
	p0 =	seq.s32 s7, s2  }
0x1e: {  	s7 =	smul.u32 @!p0 $0xF7A, s2;
	p2 =	seq.s32 @!p0 s5, $0x0  }
0x1f: {  	s9 =	smul.u32 $0xF7A, s1;
	s8 =	simm.s32 @!p0 $0x1BF5;
	p2 =	por !p2, p0  }
0x20: {  	[sflag:s8] =	ssyncset.s32 @!p0 $0xFFFFF086;
	s6 =	sadd.s32 @!p0 s3, s7;
	s7 =	simm.s32 @!p0 $0x108  }
0x21: {  	s3 =	sadd.s32 s3, s9;
	s6 =	sadd.s32 @!p0 $0x88, s6;
	s7 =	simm.s32 @p2 $0x1082  }
0x22: {  	[simem:s7], [sflag:s8] =	dma.local @!p0 [hbm:s6], $0xF7A  }
0x23: {  	s9 =	sor.u32 $0xD0000000, s2;
	s6 =	simm.s32 $0x108;
	_ =	swait.ge @!p0 [sflag:s8], $0x0  }
0x24: {  	s3 =	sadd.s32 $0x88, s3;
	s6 =	simm.s32 @!p1 $0x1082;
	[sflag:s4] =	ssyncset.s32 $0xFFFFF086  }
0x25: {  	[simem:s6], [sflag:s4] =	dma.local [hbm:s3], $0xF7A  }
0x26: {  	[smem:$0x3F99] =	sst s1;
	(tag) =	ssettag s2;
	_ =	strace s9  }
0x27: {  	s1 =	sld [smem:$0x3FA9]  }
0x28: {  	s2 =	sld [smem:$0x3FAA]  }
0x29: {  	s4 =	sld [smem:$0x3FAC]  }
0x2a: {  	p0 =	seq.s32 s5, $0x0;
	s5 =	sld [smem:$0x3FAD]  }
0x2b: {  	s6 =	sld [smem:$0x3FAE]  }
0x2c: {  	s7 =	sld [smem:$0x3FAF]  }
0x2d: {  	s3 =	simm.s32 $0x108;
	s8 =	sld [smem:$0x3FB0]  }
0x2e: {  	s3 =	simm.s32 @!p0 $0x1082;
	s9 =	sld [smem:$0x3FB1]  }
0x2f: {  	lr =	sadd.s32 s0, s3;
	s0 =	sld [smem:$0x3FA8]  }
0x30: {  	s3 =	sld [smem:$0x3FAB]  }
0x31: {  	[smem:$0x3FB4] =	sst s10  }
0x32: {  	s10 =	sld [smem:$0x3FB2];
	_ =	sdelay $0x3  }
0x33: {  	p0 =	seq.s32 s10, $0x1;
	s10 =	sld [smem:$0x3FB4];
	_ =	sdelay $0x3  }
0x34: {  	[smem:$0x3FB4] =	sst s10  }
0x35: {  	s10 =	sld [smem:$0x3FB3];
	_ =	sdelay $0x3  }
0x36: {  	p1 =	seq.s32 s10, $0x1;
	s10 =	sld [smem:$0x3FB4];
	_ =	sdelay $0x3  }
0x37: {  	[smem:$0x3FB4] =	sst s10  }
0x38: {  	s10 =	sld [smem:$0x3FB5]  }
0x39: {  	_ = 	snop;
	(pc) =	sbr.ind lr, $3  }
0x3a: {  	_ = 	snop  }
0x3b: {  	_ = 	snop  }
0x3c: {  	p2 =	seq.s32 s10, $0x1;
	s10 =	sld [smem:$0x3FB4]  }
0x3d: {  	_ =	shalt  }
0x3e: {  	_ =	shalt  }
0x3f: {  	_ =	shalt  }
0x40: {  	_ =	shalt  }
0x41: {  	_ =	shalt  }
0x42: {  	_ =	shalt  }
0x43: {  	_ =	shalt  }
0x44: {  	_ =	shalt  }
0x45: {  	_ =	shalt  }
0x46: {  	_ =	shalt  }
0x47: {  	_ =	shalt  }
0x48: {  	_ =	shalt  }
0x49: {  	_ =	shalt  }
0x4a: {  	_ =	shalt  }
0x4b: {  	_ =	shalt  }
0x4c: {  	_ =	shalt  }
0x4d: {  	_ =	shalt  }
0x4e: {  	_ =	shalt  }
0x4f: {  	_ =	shalt  }
0x50: {  	_ =	shalt  }
0x51: {  	_ =	shalt  }
0x52: {  	_ =	shalt  }
0x53: {  	_ =	shalt  }
0x54: {  	_ =	shalt  }
0x55: {  	_ =	shalt  }
0x56: {  	_ =	shalt  }
0x57: {  	_ =	shalt  }
0x58: {  	_ =	shalt  }
0x59: {  	_ =	shalt  }
0x5a: {  	_ =	shalt  }
0x5b: {  	_ =	shalt  }
0x5c: {  	_ =	shalt  }
0x5d: {  	_ =	shalt  }
0x5e: {  	_ =	shalt  }
0x5f: {  	_ =	shalt  }
0x60: {  	_ =	shalt  }
0x61: {  	_ =	shalt  }
0x62: {  	_ =	shalt  }
0x63: {  	_ =	shalt  }
0x64: {  	_ =	shalt  }
0x65: {  	_ =	shalt  }
0x66: {  	_ =	shalt  }
0x67: {  	_ =	shalt  }
0x68: {  	_ =	shalt  }
0x69: {  	_ =	shalt  }
0x6a: {  	_ =	shalt  }
0x6b: {  	_ =	shalt  }
0x6c: {  	_ =	shalt  }
0x6d: {  	_ =	shalt  }
0x6e: {  	_ =	shalt  }
0x6f: {  	_ =	shalt  }
0x70: {  	_ =	shalt  }
0x71: {  	_ =	shalt  }
0x72: {  	_ =	shalt  }
0x73: {  	_ =	shalt  }
0x74: {  	_ =	shalt  }
0x75: {  	_ =	shalt  }
0x76: {  	_ =	shalt  }
0x77: {  	_ =	shalt  }
0x78: {  	_ =	shalt  }
0x79: {  	_ =	shalt  }
0x7a: {  	_ =	shalt  }
0x7b: {  	_ =	shalt  }
0x7c: {  	_ =	shalt  }
0x7d: {  	_ =	shalt  }
0x7e: {  	_ =	shalt  }
0x7f: {  	_ =	shalt  }
0x80: {  	_ =	shalt  }
0x81: {  	_ =	shalt  }
0x82: {  	_ =	shalt  }
0x83: {  	_ =	shalt  }
0x84: {  	_ =	shalt  }
0x85: {  	_ =	shalt  }
0x86: {  	_ =	shalt  }
0x87: {  	_ =	shalt  }
.Lfunc_end0:
.L_simem_size_0:
called_computation.1_lowered:
.L_overlay_start_0:
0x88: {  	s2 =	sld [smem:$0x3FD9]  }
0x89: {  	s3 =	sld [smem:$0x3FFE];
	_ =	sdelay $0x1  }
0x8a: {  	s1 =	srdreg.scid  }
0x8b: {  	s0 =	sand.u32 $0x1, s1  }
0x8c: {  	s16 =	sshll.u32 s0, $0xA;
	s2 =	sadd.s32 s3, s2  }
0x8d: {  	s2 =	sadd.s32 s2, s16  }
0x8e: {  	[smem:$0x3FC0] =	sst s2  }
0x8f: {  	_ = 	snop  }
0x90: {  	(tm) =	ssettm $0x1  }
0x91: {  	s17 =	sld [smem:$0x3FFB];
	_ =	sdelay $0x3  }
0x92: {  	_ =	strace s17  }
0x93: {  	s2 =	sld [smem:$0x3FFC];
	_ =	sdelay $0x3  }
0x94: {  	_ =	strace s2  }
0x95: {  	s2 =	sld [smem:$0x3FFD];
	_ =	sdelay $0x3  }
0x96: {  	_ =	strace s2  }
0x97: {  	_ =	strace $0x8FFFFFFF  }
0x98: {  	s18 =	sld [smem:$0x3FDB];
	_ =	sdelay $0x1  }
0x99: {  	s19 =	simm.s32 $_scs_section_size  }
0x9a: {  	s4 =	simm.s32 $_size__tile_overlayer_lowered;
	s5 =	simm.s32 $_tile_overlayer_lowered  }
0x9b: {  	s22 =	simm.s32 $0x1BFF;
	s21 =	sshll.u32 s5, $0x1;
	s2 =	sadd.s32 s19, s18  }
0x9c: {  	s6 =	simm.s32 $0x0;
	s20 =	sshll.u32 s4, $0x1;
	s4 =	sadd.s32 s21, s2  }
0x9d: {  	[timem:s6], [sflag:s22] =	dma.local [hbm:s4], s20  }
0x9e: {  	_ =	swait.ge [sflag:s22], s20  }
0x9f: {  	s3 =	ssub.s32 $0x0, s20;
	[sflag:s22] =	ssyncset.done $0x0  }
0xa0: {  	[sflag:s22] =	ssyncadd.s32 s3;
	_ =	sdelay $0x1  }
0xa1: {  	s23 =	simm.s32 $0x1B8B  }
0xa2: {  	_ =	swait.ge [sflag:s23], $0x1  }
0xa3: {  	[sflag:s23] =	ssyncset.done $0x0  }
0xa4: {  	s25 =	simm.s32 $0x1B8E;
	s24 =	sld [smem:$0x3FFE];
	[sflag:s23] =	ssyncadd.s32 $0xFFFFFFFF  }
0xa5: {  	s26 =	simm.s32 $execute0_lowered;
	[smem:$0x3FD2] =	sst s25  }
0xa6: {  	s4 =	sshll.u32 s26, $0x1;
	_ =	strace $0x80000046;
	[dreg:$0x1] =	wrdreg $0xFFFFFFFF  }
0xa7: {  	s28 =	simm.s32 $_size_execute0_lowered;
	s2 =	sadd.s32 s2, s4;
	[dreg:$0x0] =	wrdreg $0x0  }
0xa8: {  	s4 =	sshll.u32 s28, $0x1;
	[dreg:$0x2] =	wrdreg s2  }
0xa9: {  	[dreg:$0x3] =	wrdreg s4  }
0xaa: {  	[dreg:$0x4] =	wrdreg $0xC0  }
0xab: {  	_ =	task [dreg:s6], $0x5FFFF  }
0xac: {  	[dreg:$0x1] =	wrdreg $0xFFFFFFFF  }
0xad: {  	[dreg:$0x0] =	wrdreg $0x60  }
0xae: {  	[dreg:$0x2] =	wrdreg s24  }
0xaf: {  	[dreg:$0x3] =	wrdreg $0xA8000  }
0xb0: {  	[dreg:$0x4] =	wrdreg $0xA  }
0xb1: {  	_ =	task.clear_ibuf [dreg:s6], $0x5FFFF;
	_ =	strace $0x90000046  }
0xb2: {  	s29 =	simm.s32 $0xA;
	_ =	strace $0x80000048  }
0xb3: {  	_ =	swait.ge [sflag:s29], $0x1  }
0xb4: {  	[sflag:s29] =	ssyncadd.s32 $0xFFFFFFFF  }
0xb5: {  	_ =	strace $0x90000048  }
0xb6: {  	_ =	sfence  }
0xb7: {  	s30 =	sld [smem:$0x0];
	_ =	sdelay $0x2  }
0xb8: {  	s31 =	sshll.u32 s1, $0xD;
	s1 =	sshrl.u32 s1, $0x2  }
0xb9: {  	s3 =	sand.u32 $0x4000, s31;
	s1 =	sadd.s32 s1, s30  }
0xba: {  	s0 =	sor.u32 s3, s0;
	s1 =	sshll.u32 s1, $0x11  }
0xbb: {  	s0 =	sor.u32 s1, s0  }
0xbc: {  	s0 =	sadd.s32 $0x8F2B, s0  }
0xbd: {  	[sflag:s0] =	ssyncadd.remote.s32 $0x1  }
0xbe: {  	_ =	sfence.sel $0xFFFF  }
0xbf: {  	[dreg:$0x0] =	wrdreg $0xFFFFFFFF;
	(pc) =	sbr.abs _section_cstart, $3  }
0xc0: {  	[dreg:$0x1] =	wrdreg $0xFFFFFFFF  }
0xc1: {  	_ =	task.clear_ibuf [dreg:s6], $0x2FFFF;
	_ =	strace $0x9FFFFFFF  }
0xc2: {  	(tm) =	ssettm $0x7FFFFFFF  }
0xc3: {  	_ =	shalt  }
tec
execute0_lowered:
.L_overlay_start_1:
0x0: {  	(tag) =	ssettag $0x1  }
0x1: {  	s1 =	srdreg.scid;
	s6 =	rddreg [dreg:$0x0]  }
0x2: {  	s0 =	stileid.u32;
	s2 =	rddreg [dreg:$0x1];
	s3 =	simm.s32 $0x0  }
0x3: {  	s14 =	simm.s32 $0x80;
	s15 =	simm.s32 $0x2800;
	s16 =	simm.s32 $0x6800  }
0x4: {  	s17 =	simm.s32 $0x1;
	s18 =	simm.s32 $0x2;
	s19 =	simm.s32 $0x1380  }
0x5: {  	s20 =	simm.s32 $0x2700;
	s21 =	simm.s32 $0x2780;
	s22 =	simm.s32 $0x0  }
0x6: {  	s5 =	sand.u32 $0x1, s1;
	s24 =	sshll.u32 s0, $0x1;
	s9 =	smul.u32 $0x14000, s0  }
0x7: {  	[smem:$0x7FF] =	sst s3;
	s4 =	sadd.s32 $0x3200, s6;
	s28 =	smul.u32 $0x50000, s0  }
0x8: {  	s31 =	sshll.u32 s0, $0x6;
	s1 =	sor.u32 s5, s24;
	s8 =	smul.u32 $0x140000, s5  }
0x9: {  	s26 =	ssub.s32 $0x2, s5;
	s5 =	sadd.s32 $0x5B600, s6;
	s7 =	smul.u32 $0x280, s1  }
0xa: {  	s1 =	rddreg [dreg:$0x2];
	_ =	strace $0x80000047;
	s29 =	sshrl.u32 s26, $0x1  }
0xb: {  	s30 =	sshrl.u32 s28, $0x2;
	s25 =	sadd.s32 s9, s8;
	s12 =	ssub.s32 s26, s29  }
0xc: {  	s13 =	sadd.s32 s30, s2;
	s10 =	sadd.s32 s7, s6;
	s7 =	sshrl.u32 s25, $0x3  }
0xd: {  	s11 =	sadd.s32 s7, s6;
	s6 =	sor.u32 $0x1C03, s31;
	s7 =	sadd.s32 $0x56600, s10  }
0xe: {  	s8 =	sadd.s32 $0x51600, s10;
	s10 =	smax.u32 s12, $0x1;
	s12 =	simm.s32 $0x3  }
0xf: {  	s9 =	sadd.s32 $0x5DE00, s11;
	s11 =	sshrl.u32 s13, $0x3;
	s13 =	simm.s32 $0x1400  }
.LBB2_1:
0x10: {  	[spmem:s11], [sflag:s6] =	dma.local [hbm:s5], $0x2800  }
0x11: {  	_ =	swait.ge [sflag:s12], $0x2800  }
0x12: {  	[sflag:s12] =	ssyncset.done $0x0  }
0x13: {  	[sflag:s12] =	ssyncadd.s32 $0xFFFFD800  }
0x14: {  	[tilespmem:s3], [sflag:$0x3] =	stream.linear.gather [hbm4b:s7+s3], $0x1400, $0x38;
	[tilespmem:$0x1E800] =	vst v63  }
0x15: {  	_ =	swait.ge [sflag:s12], $0x1400  }
0x16: {  	[sflag:s12] =	ssyncset.done $0x0  }
0x17: {  	[sflag:s12] =	ssyncadd.s32 $0xFFFFEC00  }
0x18: {  	[tilespmem:s13], [sflag:$0x3] =	stream.linear.gather [hbm4b:s8+s3], $0x1400, $0x38;
	[tilespmem:$0x1E800] =	vst v63  }
0x19: {  	_ =	swait.ge [sflag:s12], $0x1400  }
0x1a: {  	[sflag:s12] =	ssyncset.done $0x0  }
0x1b: {  	[sflag:s12] =	ssyncadd.s32 $0xFFFFEC00  }
0x1c: {  	[bflag:$0x0] =	sbarrier.arrive $0xFFFF  }
0x1d: {  	[tilespmem:s15], [sflag:$0x1] =	stream.indirect.gather [hbm4b:s4+s14], $0x80, s3, s14, $0xb8;
	[tilespmem:$0x1E800] =	vst v63  }
0x1e: {  	s23 =	simm.s32 $0x80  }
0x1f: {  	[tilespmem:s16], [sflag:$0x2] =	stream.indirect.gather [hbm4b:s4+s14], $0x80, s23, s14, $0xb8;
	[tilespmem:$0x1E800] =	vst v63  }
0x20: {  	_ =	swait.ge [sflag:s17], $0x4000  }
0x21: {  	[sflag:s17] =	ssyncset.done $0x0  }
0x22: {  	s29 =	simm.s32 $0x1400;
	[sflag:s17] =	ssyncadd.s32 $0xFFFFC000  }
0x23: {  	[spmem:s2] =	stream.indirect.scatter.add.f32 [tilespmem:s15], [sflag:$0x3], $0x80, s29, s14, $0xb8;
	[tilespmem:$0x1E800] =	vst v63  }
0x24: {  	_ =	swait.ge [sflag:s12], $0x4000  }
0x25: {  	[sflag:s12] =	ssyncset.done $0x0  }
0x26: {  	s30 =	simm.s32 $0x100;
	[sflag:s12] =	ssyncadd.s32 $0xFFFFC000  }
0x27: {  	[tilespmem:s15], [sflag:$0x1] =	stream.indirect.gather [hbm4b:s4+s14], $0x80, s30, s14, $0xb8;
	[tilespmem:$0x1E800] =	vst v63  }
0x28: {  	_ =	swait.ge [sflag:s18], $0x4000  }
0x29: {  	[sflag:s18] =	ssyncset.done $0x0  }
0x2a: {  	s31 =	simm.s32 $0x1480;
	[sflag:s18] =	ssyncadd.s32 $0xFFFFC000  }
0x2b: {  	[spmem:s2] =	stream.indirect.scatter.add.f32 [tilespmem:s16], [sflag:$0x3], $0x80, s31, s14, $0xb8;
	[tilespmem:$0x1E800] =	vst v63  }
0x2c: {  	_ =	swait.ge [sflag:s12], $0x4000  }
0x2d: {  	s24 =	simm.s32 $0x800;
	s23 =	simm.s32 $0x100;
	[sflag:s12] =	ssyncset.done $0x0  }
.LBB2_2:
0x2e: {  	s25 =	sadd.s32 $0x80, s23  }
0x2f: {  	[sflag:s12] =	ssyncadd.s32 $0xFFFFC000;
	s26 =	smov.u32 s24;
	s28 =	sadd.s32 $0x400, s24  }
0x30: {  	[tilespmem:s16], [sflag:$0x2] =	stream.indirect.gather [hbm4b:s4+s14], $0x80, s25, s14, $0xb8;
	[tilespmem:$0x1E800] =	vst v63  }
0x31: {  	p0 =	sne.s32 s24, $0x4800;
	_ =	swait.ge [sflag:s17], $0x4000  }
0x32: {  	[sflag:s17] =	ssyncset.done $0x0  }
0x33: {  	s24 =	sadd.s32 $0x1400, s23;
	[sflag:s17] =	ssyncadd.s32 $0xFFFFC000  }
0x34: {  	[spmem:s2] =	stream.indirect.scatter.add.f32 [tilespmem:s15], [sflag:$0x3], $0x80, s24, s14, $0xb8;
	[tilespmem:$0x1E800] =	vst v63  }
0x35: {  	_ =	swait.ge [sflag:s12], $0x4000  }
0x36: {  	[sflag:s12] =	ssyncset.done $0x0  }
0x37: {  	s24 =	sadd.s32 $0x100, s23;
	[sflag:s12] =	ssyncadd.s32 $0xFFFFC000  }
0x38: {  	[tilespmem:s15], [sflag:$0x1] =	stream.indirect.gather [hbm4b:s4+s14], $0x80, s24, s14, $0xb8;
	[tilespmem:$0x1E800] =	vst v63  }
0x39: {  	_ =	swait.ge [sflag:s18], $0x4000  }
.Ltmp0:
0x3a: {  	[sflag:s18] =	ssyncset.done $0x0;
	(pc) =	sbr.rel @p0 .LBB2_2-.Ltmp0, $4  }
0x3b: {  	s23 =	sadd.s32 $0x1480, s23;
	[sflag:s18] =	ssyncadd.s32 $0xFFFFC000  }
0x3c: {  	[spmem:s2] =	stream.indirect.scatter.add.f32 [tilespmem:s16], [sflag:$0x3], $0x80, s23, s14, $0xb8;
	[tilespmem:$0x1E800] =	vst v63  }
0x3d: {  	_ =	swait.ge [sflag:s12], $0x4000  }
0x3e: {  	s24 =	smov.u32 s28;
	s23 =	sshra.s32 s26, $0x2;
	[sflag:s12] =	ssyncset.done $0x0  }
0x3f: {  	s24 =	sadd.s32 $0x80, s23;
	[sflag:s12] =	ssyncadd.s32 $0xFFFFC000  }
0x40: {  	[tilespmem:s16], [sflag:$0x2] =	stream.indirect.gather [hbm4b:s4+s14], $0x80, s24, s14, $0xb8;
	[tilespmem:$0x1E800] =	vst v63  }
0x41: {  	_ =	swait.ge [sflag:s17], $0x4000  }
0x42: {  	[sflag:s17] =	ssyncset.done $0x0  }
0x43: {  	s29 =	sadd.s32 $0x1400, s23;
	[sflag:s17] =	ssyncadd.s32 $0xFFFFC000  }
0x44: {  	[spmem:s2] =	stream.indirect.scatter.add.f32 [tilespmem:s15], [sflag:$0x3], $0x80, s29, s14, $0xb8;
	[tilespmem:$0x1E800] =	vst v63  }
0x45: {  	_ =	swait.ge [sflag:s12], $0x4000  }
0x46: {  	[sflag:s12] =	ssyncset.done $0x0  }
0x47: {  	s30 =	sadd.s32 $0x100, s23;
	[sflag:s12] =	ssyncadd.s32 $0xFFFFC000  }
0x48: {  	[tilespmem:s15], [sflag:$0x1] =	stream.indirect.gather [hbm4b:s4+s14], $0x80, s30, s14, $0xb8;
	[tilespmem:$0x1E800] =	vst v63  }
0x49: {  	_ =	swait.ge [sflag:s18], $0x4000  }
0x4a: {  	[sflag:s18] =	ssyncset.done $0x0  }
0x4b: {  	s31 =	sadd.s32 $0x1480, s23;
	[sflag:s18] =	ssyncadd.s32 $0xFFFFC000  }
0x4c: {  	[spmem:s2] =	stream.indirect.scatter.add.f32 [tilespmem:s16], [sflag:$0x3], $0x80, s31, s14, $0xb8;
	[tilespmem:$0x1E800] =	vst v63  }
0x4d: {  	_ =	swait.ge [sflag:s12], $0x4000  }
0x4e: {  	[sflag:s12] =	ssyncset.done $0x0  }
0x4f: {  	[sflag:s12] =	ssyncadd.s32 $0xFFFFC000  }
0x50: {  	[tilespmem:s16], [sflag:$0x2] =	stream.indirect.gather [hbm4b:s4+s14], $0x80, s19, s14, $0xb8;
	[tilespmem:$0x1E800] =	vst v63  }
0x51: {  	_ =	swait.ge [sflag:s17], $0x4000  }
0x52: {  	[sflag:s17] =	ssyncset.done $0x0  }
0x53: {  	[sflag:s17] =	ssyncadd.s32 $0xFFFFC000  }
0x54: {  	[spmem:s2] =	stream.indirect.scatter.add.f32 [tilespmem:s15], [sflag:$0x3], $0x80, s20, s14, $0xb8;
	[tilespmem:$0x1E800] =	vst v63  }
0x55: {  	_ =	swait.ge [sflag:s12], $0x4000  }
0x56: {  	[sflag:s12] =	ssyncset.done $0x0  }
0x57: {  	[sflag:s12] =	ssyncadd.s32 $0xFFFFC000  }
0x58: {  	_ =	swait.ge [sflag:s18], $0x4000  }
0x59: {  	[sflag:s18] =	ssyncset.done $0x0  }
0x5a: {  	[sflag:s18] =	ssyncadd.s32 $0xFFFFC000  }
0x5b: {  	[spmem:s2] =	stream.indirect.scatter.add.f32 [tilespmem:s16], [sflag:$0x3], $0x80, s21, s14, $0xb8;
	[tilespmem:$0x1E800] =	vst v63  }
0x5c: {  	_ =	swait.ge [sflag:s12], $0x4000  }
0x5d: {  	s22 =	sadd.s32 $0x1, s22;
	[sflag:s12] =	ssyncset.done $0x0  }
0x5e: {  	p0 =	sne.s32 s22, s10;
	[sflag:s12] =	ssyncadd.s32 $0xFFFFC000  }
.Ltmp1:
0x5f: {  	[bflag:$0x0] =	sbarrier.arrive $0xFFFF;
	(pc) =	sbr.rel @p0 .LBB2_1-.Ltmp1, $4  }
0x60: {  	[hbm:s9], [sflag:s6] =	dma.local [spmem:s11], $0x2800  }
0x61: {  	_ =	swait.ge [sflag:s12], $0x2800  }
0x62: {  	[sflag:s12] =	ssyncset.done $0x0  }
0x63: {  	[sflag:s12] =	ssyncadd.s32 $0xFFFFD800  }
0x64: {  	_ =	sfence.sel $0x180000  }
0x65: {  	[bflag:$0x0] =	sbarrier.arrive $0xFFFF  }
0x66: {  	p0 =	sne.s32 s0, $0x0;
	_ =	strace $0x90000047  }
0x67: {  	s0 =	sadd.s32 @!p0 $0x100000, s1;
	[bflag:$0x2] =	sbarrier.arrive $0xFFFF  }
0x68: {  	[sflag:s0] =	ssyncadd.tile.s32 @!p0 $0x1;
	_ =	shalt  }
.Lfunc_end2:
_tile_overlayer_lowered:
.L_overlay_start_2:
0x69: {  	(tag) =	ssettag $0x2  }
0x6a: {  	s0 =	rddreg [dreg:$0x0];
	s2 =	stileid.u32  }
0x6b: {  	s1 =	rddreg [dreg:$0x1];
	p0 =	sne.s32 s2, $0x0  }
0x6c: {  	s3 =	rddreg [dreg:$0x2];
	[bflag:$0x3] =	sbarrier.arrive $0xFFFF;
	s2 =	simm.s32 @!p0 $0x1C03  }
0x6d: {  	[timem:s3], [sflag:s2] =	dma.local @!p0 [hbm:s0], s1  }
0x6e: {  	s0 =	simm.s32 @!p0 $0x3  }
0x6f: {  	_ =	swait.ge @!p0 [sflag:s0], s1  }
0x70: {  	s1 =	ssub.s32 @!p0 $0x0, s1;
	[sflag:s0] =	ssyncset.done @!p0 $0x0  }
0x71: {  	[sflag:s0] =	ssyncadd.s32 @!p0 s1  }
0x72: {  	[bflag:$0x3] =	sbarrier.arrive $0xFFFF  }
0x73: {  	_ =	shalt  }

// kernel: kernel.17.cloned.1.call-start
scs
__scs_entry_jumppad:
0x0: {  	(pc) =	sbr.rel $0x88, $3  }
0x1: {  	(tag) =	ssettag $0x0;
	lr =	simm.s32 $0x1  }
0x2: {  	[smem:$0x3F99] =	sst lr;
	_ =	strace $0xD0000000  }
0x3: {  	_ = 	snop  }
0x4: {  	_ = 	snop  }
0x5: {  	_ = 	snop  }
0x6: {  	_ = 	snop  }
0x7: {  	_ = 	snop  }
__scs_overlays_trampoline_lowered:
0x8: {  	[smem:$0x3FA8] =	sst s0  }
0x9: {  	[smem:$0x3FA9] =	sst s1  }
0xa: {  	[smem:$0x3FAA] =	sst s2  }
0xb: {  	[smem:$0x3FAB] =	sst s3  }
0xc: {  	[smem:$0x3FAC] =	sst s4  }
0xd: {  	[smem:$0x3FAD] =	sst s5  }
0xe: {  	[smem:$0x3FAE] =	sst s6  }
0xf: {  	[smem:$0x3FAF] =	sst s7  }
0x10: {  	[smem:$0x3FB0] =	sst s8  }
0x11: {  	[smem:$0x3FB1] =	sst s9;
	s0 =	simm.s32 @!p0 $0x0  }
0x12: {  	s1 =	sld [smem:$0x3F97];
	s0 =	simm.s32 @p0 $0x1  }
0x13: {  	[smem:$0x3FB2] =	sst s0;
	s0 =	simm.s32 @!p1 $0x0  }
0x14: {  	s2 =	sld [smem:$0x3F96];
	s0 =	simm.s32 @p1 $0x1  }
0x15: {  	[smem:$0x3FB3] =	sst s0;
	s0 =	simm.s32 @!p2 $0x0  }
0x16: {  	s3 =	sld [smem:$0x3FDB];
	s0 =	simm.s32 @p2 $0x1  }
0x17: {  	s4 =	simm.s32 $0x1BF5;
	[smem:$0x3FB5] =	sst s0  }
0x18: {  	s0 =	sld [smem:$0x3F98];
	_ =	swait.ge [sflag:s4], $0x0  }
0x19: {  	s7 =	sld [smem:$0x3F99]  }
0x1a: {  	s8 =	sadd.s32 $0xFFFFE003, lr  }
0x1b: {  	s9 =	sadd.s32 $0xFFFFFEF7, lr;
	s5 =	simm.s32 $0xFFFFFFFF;
	p2 =	slt.u32 s8, $0xFFFFF086  }
0x1c: {  	p1 =	slt.u32 s9, $0xF7A;
	s5 =	simm.s32 @!p2 $0x0  }
0x1d: {  	s5 =	simm.s32 @p1 $0x1;
	p0 =	seq.s32 s7, s2  }
0x1e: {  	s7 =	smul.u32 @!p0 $0xF7A, s2;
	p2 =	seq.s32 @!p0 s5, $0x0  }
0x1f: {  	s9 =	smul.u32 $0xF7A, s1;
	s8 =	simm.s32 @!p0 $0x1BF5;
	p2 =	por !p2, p0  }
0x20: {  	[sflag:s8] =	ssyncset.s32 @!p0 $0xFFFFF086;
	s6 =	sadd.s32 @!p0 s3, s7;
	s7 =	simm.s32 @!p0 $0x108  }
0x21: {  	s3 =	sadd.s32 s3, s9;
	s6 =	sadd.s32 @!p0 $0x88, s6;
	s7 =	simm.s32 @p2 $0x1082  }
0x22: {  	[simem:s7], [sflag:s8] =	dma.local @!p0 [hbm:s6], $0xF7A  }
0x23: {  	s9 =	sor.u32 $0xD0000000, s2;
	s6 =	simm.s32 $0x108;
	_ =	swait.ge @!p0 [sflag:s8], $0x0  }
0x24: {  	s3 =	sadd.s32 $0x88, s3;
	s6 =	simm.s32 @!p1 $0x1082;
	[sflag:s4] =	ssyncset.s32 $0xFFFFF086  }
0x25: {  	[simem:s6], [sflag:s4] =	dma.local [hbm:s3], $0xF7A  }
0x26: {  	[smem:$0x3F99] =	sst s1;
	(tag) =	ssettag s2;
	_ =	strace s9  }
0x27: {  	s1 =	sld [smem:$0x3FA9]  }
0x28: {  	s2 =	sld [smem:$0x3FAA]  }
0x29: {  	s4 =	sld [smem:$0x3FAC]  }
0x2a: {  	p0 =	seq.s32 s5, $0x0;
	s5 =	sld [smem:$0x3FAD]  }
0x2b: {  	s6 =	sld [smem:$0x3FAE]  }
0x2c: {  	s7 =	sld [smem:$0x3FAF]  }
0x2d: {  	s3 =	simm.s32 $0x108;
	s8 =	sld [smem:$0x3FB0]  }
0x2e: {  	s3 =	simm.s32 @!p0 $0x1082;
	s9 =	sld [smem:$0x3FB1]  }
0x2f: {  	lr =	sadd.s32 s0, s3;
	s0 =	sld [smem:$0x3FA8]  }
0x30: {  	s3 =	sld [smem:$0x3FAB]  }
0x31: {  	[smem:$0x3FB4] =	sst s10  }
0x32: {  	s10 =	sld [smem:$0x3FB2];
	_ =	sdelay $0x3  }
0x33: {  	p0 =	seq.s32 s10, $0x1;
	s10 =	sld [smem:$0x3FB4];
	_ =	sdelay $0x3  }
0x34: {  	[smem:$0x3FB4] =	sst s10  }
0x35: {  	s10 =	sld [smem:$0x3FB3];
	_ =	sdelay $0x3  }
0x36: {  	p1 =	seq.s32 s10, $0x1;
	s10 =	sld [smem:$0x3FB4];
	_ =	sdelay $0x3  }
0x37: {  	[smem:$0x3FB4] =	sst s10  }
0x38: {  	s10 =	sld [smem:$0x3FB5]  }
0x39: {  	_ = 	snop;
	(pc) =	sbr.ind lr, $3  }
0x3a: {  	_ = 	snop  }
0x3b: {  	_ = 	snop  }
0x3c: {  	p2 =	seq.s32 s10, $0x1;
	s10 =	sld [smem:$0x3FB4]  }
0x3d: {  	_ =	shalt  }
0x3e: {  	_ =	shalt  }
0x3f: {  	_ =	shalt  }
0x40: {  	_ =	shalt  }
0x41: {  	_ =	shalt  }
0x42: {  	_ =	shalt  }
0x43: {  	_ =	shalt  }
0x44: {  	_ =	shalt  }
0x45: {  	_ =	shalt  }
0x46: {  	_ =	shalt  }
0x47: {  	_ =	shalt  }
0x48: {  	_ =	shalt  }
0x49: {  	_ =	shalt  }
0x4a: {  	_ =	shalt  }
0x4b: {  	_ =	shalt  }
0x4c: {  	_ =	shalt  }
0x4d: {  	_ =	shalt  }
0x4e: {  	_ =	shalt  }
0x4f: {  	_ =	shalt  }
0x50: {  	_ =	shalt  }
0x51: {  	_ =	shalt  }
0x52: {  	_ =	shalt  }
0x53: {  	_ =	shalt  }
0x54: {  	_ =	shalt  }
0x55: {  	_ =	shalt  }
0x56: {  	_ =	shalt  }
0x57: {  	_ =	shalt  }
0x58: {  	_ =	shalt  }
0x59: {  	_ =	shalt  }
0x5a: {  	_ =	shalt  }
0x5b: {  	_ =	shalt  }
0x5c: {  	_ =	shalt  }
0x5d: {  	_ =	shalt  }
0x5e: {  	_ =	shalt  }
0x5f: {  	_ =	shalt  }
0x60: {  	_ =	shalt  }
0x61: {  	_ =	shalt  }
0x62: {  	_ =	shalt  }
0x63: {  	_ =	shalt  }
0x64: {  	_ =	shalt  }
0x65: {  	_ =	shalt  }
0x66: {  	_ =	shalt  }
0x67: {  	_ =	shalt  }
0x68: {  	_ =	shalt  }
0x69: {  	_ =	shalt  }
0x6a: {  	_ =	shalt  }
0x6b: {  	_ =	shalt  }
0x6c: {  	_ =	shalt  }
0x6d: {  	_ =	shalt  }
0x6e: {  	_ =	shalt  }
0x6f: {  	_ =	shalt  }
0x70: {  	_ =	shalt  }
0x71: {  	_ =	shalt  }
0x72: {  	_ =	shalt  }
0x73: {  	_ =	shalt  }
0x74: {  	_ =	shalt  }
0x75: {  	_ =	shalt  }
0x76: {  	_ =	shalt  }
0x77: {  	_ =	shalt  }
0x78: {  	_ =	shalt  }
0x79: {  	_ =	shalt  }
0x7a: {  	_ =	shalt  }
0x7b: {  	_ =	shalt  }
0x7c: {  	_ =	shalt  }
0x7d: {  	_ =	shalt  }
0x7e: {  	_ =	shalt  }
0x7f: {  	_ =	shalt  }
0x80: {  	_ =	shalt  }
0x81: {  	_ =	shalt  }
0x82: {  	_ =	shalt  }
0x83: {  	_ =	shalt  }
0x84: {  	_ =	shalt  }
0x85: {  	_ =	shalt  }
0x86: {  	_ =	shalt  }
0x87: {  	_ =	shalt  }
.Lfunc_end0:
.L_simem_size_0:
called_computation.2_lowered:
.L_overlay_start_0:
0x88: {  	s2 =	sld [smem:$0x3FD9]  }
0x89: {  	s3 =	sld [smem:$0x3FFE];
	_ =	sdelay $0x1  }
0x8a: {  	s1 =	srdreg.scid  }
0x8b: {  	s0 =	sand.u32 $0x1, s1  }
0x8c: {  	s17 =	sshll.u32 s0, $0xA;
	s2 =	sadd.s32 s3, s2  }
0x8d: {  	s2 =	sadd.s32 s2, s17  }
0x8e: {  	[smem:$0x3FC0] =	sst s2  }
0x8f: {  	_ = 	snop  }
0x90: {  	(tm) =	ssettm $0x1  }
0x91: {  	s18 =	sld [smem:$0x3FFB];
	_ =	sdelay $0x3  }
0x92: {  	_ =	strace s18  }
0x93: {  	s2 =	sld [smem:$0x3FFC];
	_ =	sdelay $0x3  }
0x94: {  	_ =	strace s2  }
0x95: {  	s2 =	sld [smem:$0x3FFD];
	_ =	sdelay $0x3  }
0x96: {  	_ =	strace s2  }
0x97: {  	_ =	strace $0x8FFFFFFF  }
0x98: {  	s19 =	sld [smem:$0x3FDB];
	_ =	sdelay $0x1  }
0x99: {  	s20 =	simm.s32 $_scs_section_size  }
0x9a: {  	s4 =	simm.s32 $_size__tile_overlayer_lowered;
	s5 =	simm.s32 $_tile_overlayer_lowered  }
0x9b: {  	s6 =	simm.s32 $0x1BFF;
	s21 =	sshll.u32 s5, $0x1;
	s3 =	sadd.s32 s20, s19  }
0x9c: {  	s22 =	simm.s32 $0x0;
	s4 =	sshll.u32 s4, $0x1;
	s5 =	sadd.s32 s21, s3  }
0x9d: {  	[timem:s22], [sflag:s6] =	dma.local [hbm:s5], s4  }
0x9e: {  	_ =	swait.ge [sflag:s6], s4  }
0x9f: {  	s4 =	ssub.s32 $0x0, s4;
	[sflag:s6] =	ssyncset.done $0x0  }
0xa0: {  	[sflag:s6] =	ssyncadd.s32 s4;
	_ =	sdelay $0x1  }
0xa1: {  	s23 =	simm.s32 $0x1B8B  }
0xa2: {  	_ =	swait.ge [sflag:s23], $0x1  }
0xa3: {  	[sflag:s23] =	ssyncset.done $0x0  }
0xa4: {  	[sflag:s23] =	ssyncadd.s32 $0xFFFFFFFF  }
0xa5: {  	s4 =	sld [smem:$0x0]  }
0xa6: {  	s5 =	sand.u32 $0xFFFFFFFE, s1  }
0xa7: {  	p0 =	sne.s32 s1, s5  }
0xa8: {  	s5 =	sshll.u32 @p0 s5, $0xE  }
0xa9: {  	s5 =	sadd.s32 @p0 $0x11B8D, s5;
	s6 =	sshll.u32 @p0 s4, $0x11  }
0xaa: {  	s5 =	sor.u32 @p0 s6, s5  }
0xab: {  	[sflag:s5] =	ssyncadd.remote.s32 @p0 $0x1;
	_ =	sdelay $0x1  }
0xac: {  	s5 =	simm.s32 @p0 $0x1B8D  }
0xad: {  	_ =	swait.eq @p0 [sflag:s5], $0x1  }
0xae: {  	[sflag:s5] =	ssyncadd.s32 @p0 $0xFFFFFFFF  }
0xaf: {  	s6 =	sshll.u32 @!p0 s1, $0xE  }
0xb0: {  	s6 =	sor.u32 @!p0 $0x4000, s6;
	s5 =	simm.s32 @!p0 $0x1B8D  }
0xb1: {  	s4 =	sshll.u32 @!p0 s4, $0x11;
	s6 =	sadd.s32 @!p0 $0x11B8D, s6;
	_ =	swait.eq @!p0 [sflag:s5], $0x1  }
0xb2: {  	s4 =	sor.u32 @!p0 s4, s6;
	[sflag:s5] =	ssyncadd.s32 @!p0 $0xFFFFFFFF  }
0xb3: {  	s25 =	simm.s32 $0x1B8E;
	s24 =	sld [smem:$0x3FFE];
	[sflag:s4] =	ssyncadd.remote.s32 @!p0 $0x1  }
0xb4: {  	s26 =	simm.s32 $execute0_lowered;
	[smem:$0x3FD2] =	sst s25  }
0xb5: {  	s5 =	sshll.u32 s26, $0x1;
	_ =	strace $0x80000049;
	[dreg:$0x1] =	wrdreg $0xFFFFFFFF  }
0xb6: {  	s28 =	simm.s32 $_size_execute0_lowered;
	s3 =	sadd.s32 s3, s5;
	[dreg:$0x0] =	wrdreg $0x0  }
0xb7: {  	s5 =	sshll.u32 s28, $0x1;
	[dreg:$0x2] =	wrdreg s3  }
0xb8: {  	[dreg:$0x3] =	wrdreg s5  }
0xb9: {  	[dreg:$0x4] =	wrdreg $0xC0  }
0xba: {  	_ =	task [dreg:s22], $0x5FFFF  }
0xbb: {  	[dreg:$0x1] =	wrdreg $0xFFFFFFFF  }
0xbc: {  	[dreg:$0x0] =	wrdreg $0x60  }
0xbd: {  	[dreg:$0x2] =	wrdreg s24  }
0xbe: {  	[dreg:$0x3] =	wrdreg $0xA8000  }
0xbf: {  	[dreg:$0x4] =	wrdreg $0xB  }
0xc0: {  	_ =	task.clear_ibuf [dreg:s22], $0x5FFFF;
	_ =	strace $0x90000049  }
0xc1: {  	s29 =	simm.s32 $0xB;
	_ =	strace $0x8000004B  }
0xc2: {  	_ =	swait.ge [sflag:s29], $0x1  }
0xc3: {  	[sflag:s29] =	ssyncadd.s32 $0xFFFFFFFF  }
0xc4: {  	_ =	strace $0x9000004B  }
0xc5: {  	_ =	sfence  }
0xc6: {  	s30 =	sld [smem:$0x0];
	_ =	sdelay $0x2  }
0xc7: {  	s31 =	sshll.u32 s1, $0xD;
	s1 =	sshrl.u32 s1, $0x2  }
0xc8: {  	s4 =	sand.u32 $0x4000, s31;
	s1 =	sadd.s32 s1, s30  }
0xc9: {  	s0 =	sor.u32 s4, s0;
	s1 =	sshll.u32 s1, $0x11  }
0xca: {  	s0 =	sor.u32 s1, s0  }
0xcb: {  	s0 =	sadd.s32 $0x8F2B, s0  }
0xcc: {  	[sflag:s0] =	ssyncadd.remote.s32 $0x1  }
0xcd: {  	_ =	sfence.sel $0xFFFF  }
0xce: {  	[dreg:$0x0] =	wrdreg $0xFFFFFFFF;
	(pc) =	sbr.abs _section_cstart, $3  }
0xcf: {  	[dreg:$0x1] =	wrdreg $0xFFFFFFFF  }
0xd0: {  	_ =	task.clear_ibuf [dreg:s22], $0x2FFFF;
	_ =	strace $0x9FFFFFFF  }
0xd1: {  	(tm) =	ssettm $0x7FFFFFFF  }
tec
execute0_lowered:
.L_overlay_start_1:
0x0: {  	(tag) =	ssettag $0x1  }
0x1: {  	s1 =	srdreg.scid;
	s6 =	rddreg [dreg:$0x0]  }
0x2: {  	s0 =	stileid.u32;
	s2 =	rddreg [dreg:$0x1];
	s3 =	simm.s32 $0x0  }
0x3: {  	s14 =	simm.s32 $0x80;
	s15 =	simm.s32 $0x2800;
	s16 =	simm.s32 $0x6800  }
0x4: {  	s17 =	simm.s32 $0x1;
	s18 =	simm.s32 $0x2;
	s19 =	simm.s32 $0x1380  }
0x5: {  	s20 =	simm.s32 $0x2700;
	s21 =	simm.s32 $0x2780;
	s22 =	simm.s32 $0x0  }
0x6: {  	s5 =	sand.u32 $0x1, s1;
	s24 =	sshll.u32 s0, $0x1;
	s9 =	smul.u32 $0x14000, s0  }
0x7: {  	[smem:$0x7FF] =	sst s3;
	s4 =	sadd.s32 $0x2A400, s6;
	s28 =	smul.u32 $0x50000, s0  }
0x8: {  	s31 =	sshll.u32 s0, $0x6;
	s1 =	sor.u32 s5, s24;
	s8 =	smul.u32 $0x140000, s5  }
0x9: {  	s26 =	ssub.s32 $0x2, s5;
	s5 =	sadd.s32 $0x5B600, s6;
	s7 =	smul.u32 $0x280, s1  }
0xa: {  	s1 =	rddreg [dreg:$0x2];
	_ =	strace $0x8000004A;
	s29 =	sshrl.u32 s26, $0x1  }
0xb: {  	s30 =	sshrl.u32 s28, $0x2;
	s25 =	sadd.s32 s9, s8;
	s12 =	ssub.s32 s26, s29  }
0xc: {  	s13 =	sadd.s32 s30, s2;
	s10 =	sadd.s32 s7, s6;
	s7 =	sshrl.u32 s25, $0x3  }
0xd: {  	s11 =	sadd.s32 s7, s6;
	s6 =	sor.u32 $0x1C03, s31;
	s7 =	sadd.s32 $0x56600, s10  }
0xe: {  	s8 =	sadd.s32 $0x51600, s10;
	s10 =	smax.u32 s12, $0x1;
	s12 =	simm.s32 $0x3  }
0xf: {  	s9 =	sadd.s32 $0xADE00, s11;
	s11 =	sshrl.u32 s13, $0x3;
	s13 =	simm.s32 $0x1400  }
.LBB2_1:
0x10: {  	[spmem:s11], [sflag:s6] =	dma.local [hbm:s5], $0x2800  }
0x11: {  	_ =	swait.ge [sflag:s12], $0x2800  }
0x12: {  	[sflag:s12] =	ssyncset.done $0x0  }
0x13: {  	[sflag:s12] =	ssyncadd.s32 $0xFFFFD800  }
0x14: {  	[tilespmem:s3], [sflag:$0x3] =	stream.linear.gather [hbm4b:s7+s3], $0x1400, $0x38;
	[tilespmem:$0x1E800] =	vst v63  }
0x15: {  	_ =	swait.ge [sflag:s12], $0x1400  }
0x16: {  	[sflag:s12] =	ssyncset.done $0x0  }
0x17: {  	[sflag:s12] =	ssyncadd.s32 $0xFFFFEC00  }
0x18: {  	[tilespmem:s13], [sflag:$0x3] =	stream.linear.gather [hbm4b:s8+s3], $0x1400, $0x38;
	[tilespmem:$0x1E800] =	vst v63  }
0x19: {  	_ =	swait.ge [sflag:s12], $0x1400  }
0x1a: {  	[sflag:s12] =	ssyncset.done $0x0  }
0x1b: {  	[sflag:s12] =	ssyncadd.s32 $0xFFFFEC00  }
0x1c: {  	[bflag:$0x0] =	sbarrier.arrive $0xFFFF  }
0x1d: {  	[tilespmem:s15], [sflag:$0x1] =	stream.indirect.gather [hbm4b:s4+s14], $0x80, s3, s14, $0xb8;
	[tilespmem:$0x1E800] =	vst v63  }
0x1e: {  	s23 =	simm.s32 $0x80  }
0x1f: {  	[tilespmem:s16], [sflag:$0x2] =	stream.indirect.gather [hbm4b:s4+s14], $0x80, s23, s14, $0xb8;
	[tilespmem:$0x1E800] =	vst v63  }
0x20: {  	_ =	swait.ge [sflag:s17], $0x4000  }
0x21: {  	[sflag:s17] =	ssyncset.done $0x0  }
0x22: {  	s29 =	simm.s32 $0x1400;
	[sflag:s17] =	ssyncadd.s32 $0xFFFFC000  }
0x23: {  	[spmem:s2] =	stream.indirect.scatter.add.f32 [tilespmem:s15], [sflag:$0x3], $0x80, s29, s14, $0xb8;
	[tilespmem:$0x1E800] =	vst v63  }
0x24: {  	_ =	swait.ge [sflag:s12], $0x4000  }
0x25: {  	[sflag:s12] =	ssyncset.done $0x0  }
0x26: {  	s30 =	simm.s32 $0x100;
	[sflag:s12] =	ssyncadd.s32 $0xFFFFC000  }
0x27: {  	[tilespmem:s15], [sflag:$0x1] =	stream.indirect.gather [hbm4b:s4+s14], $0x80, s30, s14, $0xb8;
	[tilespmem:$0x1E800] =	vst v63  }
0x28: {  	_ =	swait.ge [sflag:s18], $0x4000  }
0x29: {  	[sflag:s18] =	ssyncset.done $0x0  }
0x2a: {  	s31 =	simm.s32 $0x1480;
	[sflag:s18] =	ssyncadd.s32 $0xFFFFC000  }
0x2b: {  	[spmem:s2] =	stream.indirect.scatter.add.f32 [tilespmem:s16], [sflag:$0x3], $0x80, s31, s14, $0xb8;
	[tilespmem:$0x1E800] =	vst v63  }
0x2c: {  	_ =	swait.ge [sflag:s12], $0x4000  }
0x2d: {  	s24 =	simm.s32 $0x800;
	s23 =	simm.s32 $0x100;
	[sflag:s12] =	ssyncset.done $0x0  }
.LBB2_2:
0x2e: {  	s25 =	sadd.s32 $0x80, s23  }
0x2f: {  	[sflag:s12] =	ssyncadd.s32 $0xFFFFC000;
	s26 =	smov.u32 s24;
	s28 =	sadd.s32 $0x400, s24  }
0x30: {  	[tilespmem:s16], [sflag:$0x2] =	stream.indirect.gather [hbm4b:s4+s14], $0x80, s25, s14, $0xb8;
	[tilespmem:$0x1E800] =	vst v63  }
0x31: {  	p0 =	sne.s32 s24, $0x4800;
	_ =	swait.ge [sflag:s17], $0x4000  }
0x32: {  	[sflag:s17] =	ssyncset.done $0x0  }
0x33: {  	s24 =	sadd.s32 $0x1400, s23;
	[sflag:s17] =	ssyncadd.s32 $0xFFFFC000  }
0x34: {  	[spmem:s2] =	stream.indirect.scatter.add.f32 [tilespmem:s15], [sflag:$0x3], $0x80, s24, s14, $0xb8;
	[tilespmem:$0x1E800] =	vst v63  }
0x35: {  	_ =	swait.ge [sflag:s12], $0x4000  }
0x36: {  	[sflag:s12] =	ssyncset.done $0x0  }
0x37: {  	s24 =	sadd.s32 $0x100, s23;
	[sflag:s12] =	ssyncadd.s32 $0xFFFFC000  }
0x38: {  	[tilespmem:s15], [sflag:$0x1] =	stream.indirect.gather [hbm4b:s4+s14], $0x80, s24, s14, $0xb8;
	[tilespmem:$0x1E800] =	vst v63  }
0x39: {  	_ =	swait.ge [sflag:s18], $0x4000  }
.Ltmp0:
0x3a: {  	[sflag:s18] =	ssyncset.done $0x0;
	(pc) =	sbr.rel @p0 .LBB2_2-.Ltmp0, $4  }
0x3b: {  	s23 =	sadd.s32 $0x1480, s23;
	[sflag:s18] =	ssyncadd.s32 $0xFFFFC000  }
0x3c: {  	[spmem:s2] =	stream.indirect.scatter.add.f32 [tilespmem:s16], [sflag:$0x3], $0x80, s23, s14, $0xb8;
	[tilespmem:$0x1E800] =	vst v63  }
0x3d: {  	_ =	swait.ge [sflag:s12], $0x4000  }
0x3e: {  	s24 =	smov.u32 s28;
	s23 =	sshra.s32 s26, $0x2;
	[sflag:s12] =	ssyncset.done $0x0  }
0x3f: {  	s24 =	sadd.s32 $0x80, s23;
	[sflag:s12] =	ssyncadd.s32 $0xFFFFC000  }
0x40: {  	[tilespmem:s16], [sflag:$0x2] =	stream.indirect.gather [hbm4b:s4+s14], $0x80, s24, s14, $0xb8;
	[tilespmem:$0x1E800] =	vst v63  }
0x41: {  	_ =	swait.ge [sflag:s17], $0x4000  }
0x42: {  	[sflag:s17] =	ssyncset.done $0x0  }
0x43: {  	s29 =	sadd.s32 $0x1400, s23;
	[sflag:s17] =	ssyncadd.s32 $0xFFFFC000  }
0x44: {  	[spmem:s2] =	stream.indirect.scatter.add.f32 [tilespmem:s15], [sflag:$0x3], $0x80, s29, s14, $0xb8;
	[tilespmem:$0x1E800] =	vst v63  }
0x45: {  	_ =	swait.ge [sflag:s12], $0x4000  }
0x46: {  	[sflag:s12] =	ssyncset.done $0x0  }
0x47: {  	s30 =	sadd.s32 $0x100, s23;
	[sflag:s12] =	ssyncadd.s32 $0xFFFFC000  }
0x48: {  	[tilespmem:s15], [sflag:$0x1] =	stream.indirect.gather [hbm4b:s4+s14], $0x80, s30, s14, $0xb8;
	[tilespmem:$0x1E800] =	vst v63  }
0x49: {  	_ =	swait.ge [sflag:s18], $0x4000  }
0x4a: {  	[sflag:s18] =	ssyncset.done $0x0  }
0x4b: {  	s31 =	sadd.s32 $0x1480, s23;
	[sflag:s18] =	ssyncadd.s32 $0xFFFFC000  }
0x4c: {  	[spmem:s2] =	stream.indirect.scatter.add.f32 [tilespmem:s16], [sflag:$0x3], $0x80, s31, s14, $0xb8;
	[tilespmem:$0x1E800] =	vst v63  }
0x4d: {  	_ =	swait.ge [sflag:s12], $0x4000  }
0x4e: {  	[sflag:s12] =	ssyncset.done $0x0  }
0x4f: {  	[sflag:s12] =	ssyncadd.s32 $0xFFFFC000  }
0x50: {  	[tilespmem:s16], [sflag:$0x2] =	stream.indirect.gather [hbm4b:s4+s14], $0x80, s19, s14, $0xb8;
	[tilespmem:$0x1E800] =	vst v63  }
0x51: {  	_ =	swait.ge [sflag:s17], $0x4000  }
0x52: {  	[sflag:s17] =	ssyncset.done $0x0  }
0x53: {  	[sflag:s17] =	ssyncadd.s32 $0xFFFFC000  }
0x54: {  	[spmem:s2] =	stream.indirect.scatter.add.f32 [tilespmem:s15], [sflag:$0x3], $0x80, s20, s14, $0xb8;
	[tilespmem:$0x1E800] =	vst v63  }
0x55: {  	_ =	swait.ge [sflag:s12], $0x4000  }
0x56: {  	[sflag:s12] =	ssyncset.done $0x0  }
0x57: {  	[sflag:s12] =	ssyncadd.s32 $0xFFFFC000  }
0x58: {  	_ =	swait.ge [sflag:s18], $0x4000  }
0x59: {  	[sflag:s18] =	ssyncset.done $0x0  }
0x5a: {  	[sflag:s18] =	ssyncadd.s32 $0xFFFFC000  }
0x5b: {  	[spmem:s2] =	stream.indirect.scatter.add.f32 [tilespmem:s16], [sflag:$0x3], $0x80, s21, s14, $0xb8;
	[tilespmem:$0x1E800] =	vst v63  }
0x5c: {  	_ =	swait.ge [sflag:s12], $0x4000  }
0x5d: {  	s22 =	sadd.s32 $0x1, s22;
	[sflag:s12] =	ssyncset.done $0x0  }
0x5e: {  	p0 =	sne.s32 s22, s10;
	[sflag:s12] =	ssyncadd.s32 $0xFFFFC000  }
.Ltmp1:
0x5f: {  	[bflag:$0x0] =	sbarrier.arrive $0xFFFF;
	(pc) =	sbr.rel @p0 .LBB2_1-.Ltmp1, $4  }
0x60: {  	[hbm:s9], [sflag:s6] =	dma.local [spmem:s11], $0x2800  }
0x61: {  	_ =	swait.ge [sflag:s12], $0x2800  }
0x62: {  	[sflag:s12] =	ssyncset.done $0x0  }
0x63: {  	[sflag:s12] =	ssyncadd.s32 $0xFFFFD800  }
0x64: {  	_ =	sfence.sel $0x180000  }
0x65: {  	[bflag:$0x0] =	sbarrier.arrive $0xFFFF  }
0x66: {  	p0 =	sne.s32 s0, $0x0;
	_ =	strace $0x9000004A  }
0x67: {  	s0 =	sadd.s32 @!p0 $0x100000, s1;
	[bflag:$0x2] =	sbarrier.arrive $0xFFFF  }
0x68: {  	[sflag:s0] =	ssyncadd.tile.s32 @!p0 $0x1;
	_ =	shalt  }
.Lfunc_end2:
_tile_overlayer_lowered:
.L_overlay_start_2:
0x69: {  	(tag) =	ssettag $0x2  }
0x6a: {  	s0 =	rddreg [dreg:$0x0];
	s2 =	stileid.u32  }
0x6b: {  	s1 =	rddreg [dreg:$0x1];
	p0 =	sne.s32 s2, $0x0  }
0x6c: {  	s3 =	rddreg [dreg:$0x2];
	[bflag:$0x3] =	sbarrier.arrive $0xFFFF;
	s2 =	simm.s32 @!p0 $0x1C03  }
0x6d: {  	[timem:s3], [sflag:s2] =	dma.local @!p0 [hbm:s0], s1  }
0x6e: {  	s0 =	simm.s32 @!p0 $0x3  }
0x6f: {  	_ =	swait.ge @!p0 [sflag:s0], s1  }
0x70: {  	s1 =	ssub.s32 @!p0 $0x0, s1;
	[sflag:s0] =	ssyncset.done @!p0 $0x0  }
0x71: {  	[sflag:s0] =	ssyncadd.s32 @!p0 s1  }
0x72: {  	[bflag:$0x3] =	sbarrier.arrive $0xFFFF  }
0x73: {  	_ =	shalt  }

// kernel: kernel.20.cloned.1.call-start
scs
__scs_entry_jumppad:
0x0: {  	(pc) =	sbr.rel $0x88, $3  }
0x1: {  	(tag) =	ssettag $0x0;
	lr =	simm.s32 $0x1  }
0x2: {  	[smem:$0x3F99] =	sst lr;
	_ =	strace $0xD0000000  }
0x3: {  	_ = 	snop  }
0x4: {  	_ = 	snop  }
0x5: {  	_ = 	snop  }
0x6: {  	_ = 	snop  }
0x7: {  	_ = 	snop  }
__scs_overlays_trampoline_lowered:
0x8: {  	[smem:$0x3FA8] =	sst s0  }
0x9: {  	[smem:$0x3FA9] =	sst s1  }
0xa: {  	[smem:$0x3FAA] =	sst s2  }
0xb: {  	[smem:$0x3FAB] =	sst s3  }
0xc: {  	[smem:$0x3FAC] =	sst s4  }
0xd: {  	[smem:$0x3FAD] =	sst s5  }
0xe: {  	[smem:$0x3FAE] =	sst s6  }
0xf: {  	[smem:$0x3FAF] =	sst s7  }
0x10: {  	[smem:$0x3FB0] =	sst s8  }
0x11: {  	[smem:$0x3FB1] =	sst s9;
	s0 =	simm.s32 @!p0 $0x0  }
0x12: {  	s1 =	sld [smem:$0x3F97];
	s0 =	simm.s32 @p0 $0x1  }
0x13: {  	[smem:$0x3FB2] =	sst s0;
	s0 =	simm.s32 @!p1 $0x0  }
0x14: {  	s2 =	sld [smem:$0x3F96];
	s0 =	simm.s32 @p1 $0x1  }
0x15: {  	[smem:$0x3FB3] =	sst s0;
	s0 =	simm.s32 @!p2 $0x0  }
0x16: {  	s3 =	sld [smem:$0x3FDB];
	s0 =	simm.s32 @p2 $0x1  }
0x17: {  	s4 =	simm.s32 $0x1BF5;
	[smem:$0x3FB5] =	sst s0  }
0x18: {  	s0 =	sld [smem:$0x3F98];
	_ =	swait.ge [sflag:s4], $0x0  }
0x19: {  	s7 =	sld [smem:$0x3F99]  }
0x1a: {  	s8 =	sadd.s32 $0xFFFFE003, lr  }
0x1b: {  	s9 =	sadd.s32 $0xFFFFFEF7, lr;
	s5 =	simm.s32 $0xFFFFFFFF;
	p2 =	slt.u32 s8, $0xFFFFF086  }
0x1c: {  	p1 =	slt.u32 s9, $0xF7A;
	s5 =	simm.s32 @!p2 $0x0  }
0x1d: {  	s5 =	simm.s32 @p1 $0x1;
	p0 =	seq.s32 s7, s2  }
0x1e: {  	s7 =	smul.u32 @!p0 $0xF7A, s2;
	p2 =	seq.s32 @!p0 s5, $0x0  }
0x1f: {  	s9 =	smul.u32 $0xF7A, s1;
	s8 =	simm.s32 @!p0 $0x1BF5;
	p2 =	por !p2, p0  }
0x20: {  	[sflag:s8] =	ssyncset.s32 @!p0 $0xFFFFF086;
	s6 =	sadd.s32 @!p0 s3, s7;
	s7 =	simm.s32 @!p0 $0x108  }
0x21: {  	s3 =	sadd.s32 s3, s9;
	s6 =	sadd.s32 @!p0 $0x88, s6;
	s7 =	simm.s32 @p2 $0x1082  }
0x22: {  	[simem:s7], [sflag:s8] =	dma.local @!p0 [hbm:s6], $0xF7A  }
0x23: {  	s9 =	sor.u32 $0xD0000000, s2;
	s6 =	simm.s32 $0x108;
	_ =	swait.ge @!p0 [sflag:s8], $0x0  }
0x24: {  	s3 =	sadd.s32 $0x88, s3;
	s6 =	simm.s32 @!p1 $0x1082;
	[sflag:s4] =	ssyncset.s32 $0xFFFFF086  }
0x25: {  	[simem:s6], [sflag:s4] =	dma.local [hbm:s3], $0xF7A  }
0x26: {  	[smem:$0x3F99] =	sst s1;
	(tag) =	ssettag s2;
	_ =	strace s9  }
0x27: {  	s1 =	sld [smem:$0x3FA9]  }
0x28: {  	s2 =	sld [smem:$0x3FAA]  }
0x29: {  	s4 =	sld [smem:$0x3FAC]  }
0x2a: {  	p0 =	seq.s32 s5, $0x0;
	s5 =	sld [smem:$0x3FAD]  }
0x2b: {  	s6 =	sld [smem:$0x3FAE]  }
0x2c: {  	s7 =	sld [smem:$0x3FAF]  }
0x2d: {  	s3 =	simm.s32 $0x108;
	s8 =	sld [smem:$0x3FB0]  }
0x2e: {  	s3 =	simm.s32 @!p0 $0x1082;
	s9 =	sld [smem:$0x3FB1]  }
0x2f: {  	lr =	sadd.s32 s0, s3;
	s0 =	sld [smem:$0x3FA8]  }
0x30: {  	s3 =	sld [smem:$0x3FAB]  }
0x31: {  	[smem:$0x3FB4] =	sst s10  }
0x32: {  	s10 =	sld [smem:$0x3FB2];
	_ =	sdelay $0x3  }
0x33: {  	p0 =	seq.s32 s10, $0x1;
	s10 =	sld [smem:$0x3FB4];
	_ =	sdelay $0x3  }
0x34: {  	[smem:$0x3FB4] =	sst s10  }
0x35: {  	s10 =	sld [smem:$0x3FB3];
	_ =	sdelay $0x3  }
0x36: {  	p1 =	seq.s32 s10, $0x1;
	s10 =	sld [smem:$0x3FB4];
	_ =	sdelay $0x3  }
0x37: {  	[smem:$0x3FB4] =	sst s10  }
0x38: {  	s10 =	sld [smem:$0x3FB5]  }
0x39: {  	_ = 	snop;
	(pc) =	sbr.ind lr, $3  }
0x3a: {  	_ = 	snop  }
0x3b: {  	_ = 	snop  }
0x3c: {  	p2 =	seq.s32 s10, $0x1;
	s10 =	sld [smem:$0x3FB4]  }
0x3d: {  	_ =	shalt  }
0x3e: {  	_ =	shalt  }
0x3f: {  	_ =	shalt  }
0x40: {  	_ =	shalt  }
0x41: {  	_ =	shalt  }
0x42: {  	_ =	shalt  }
0x43: {  	_ =	shalt  }
0x44: {  	_ =	shalt  }
0x45: {  	_ =	shalt  }
0x46: {  	_ =	shalt  }
0x47: {  	_ =	shalt  }
0x48: {  	_ =	shalt  }
0x49: {  	_ =	shalt  }
0x4a: {  	_ =	shalt  }
0x4b: {  	_ =	shalt  }
0x4c: {  	_ =	shalt  }
0x4d: {  	_ =	shalt  }
0x4e: {  	_ =	shalt  }
0x4f: {  	_ =	shalt  }
0x50: {  	_ =	shalt  }
0x51: {  	_ =	shalt  }
0x52: {  	_ =	shalt  }
0x53: {  	_ =	shalt  }
0x54: {  	_ =	shalt  }
0x55: {  	_ =	shalt  }
0x56: {  	_ =	shalt  }
0x57: {  	_ =	shalt  }
0x58: {  	_ =	shalt  }
0x59: {  	_ =	shalt  }
0x5a: {  	_ =	shalt  }
0x5b: {  	_ =	shalt  }
0x5c: {  	_ =	shalt  }
0x5d: {  	_ =	shalt  }
0x5e: {  	_ =	shalt  }
0x5f: {  	_ =	shalt  }
0x60: {  	_ =	shalt  }
0x61: {  	_ =	shalt  }
0x62: {  	_ =	shalt  }
0x63: {  	_ =	shalt  }
0x64: {  	_ =	shalt  }
0x65: {  	_ =	shalt  }
0x66: {  	_ =	shalt  }
0x67: {  	_ =	shalt  }
0x68: {  	_ =	shalt  }
0x69: {  	_ =	shalt  }
0x6a: {  	_ =	shalt  }
0x6b: {  	_ =	shalt  }
0x6c: {  	_ =	shalt  }
0x6d: {  	_ =	shalt  }
0x6e: {  	_ =	shalt  }
0x6f: {  	_ =	shalt  }
0x70: {  	_ =	shalt  }
0x71: {  	_ =	shalt  }
0x72: {  	_ =	shalt  }
0x73: {  	_ =	shalt  }
0x74: {  	_ =	shalt  }
0x75: {  	_ =	shalt  }
0x76: {  	_ =	shalt  }
0x77: {  	_ =	shalt  }
0x78: {  	_ =	shalt  }
0x79: {  	_ =	shalt  }
0x7a: {  	_ =	shalt  }
0x7b: {  	_ =	shalt  }
0x7c: {  	_ =	shalt  }
0x7d: {  	_ =	shalt  }
0x7e: {  	_ =	shalt  }
0x7f: {  	_ =	shalt  }
0x80: {  	_ =	shalt  }
0x81: {  	_ =	shalt  }
0x82: {  	_ =	shalt  }
0x83: {  	_ =	shalt  }
0x84: {  	_ =	shalt  }
0x85: {  	_ =	shalt  }
0x86: {  	_ =	shalt  }
0x87: {  	_ =	shalt  }
.Lfunc_end0:
.L_simem_size_0:
called_computation.3_lowered:
.L_overlay_start_0:
0x88: {  	s2 =	sld [smem:$0x3FD9]  }
0x89: {  	s3 =	sld [smem:$0x3FFE];
	_ =	sdelay $0x1  }
0x8a: {  	s1 =	srdreg.scid  }
0x8b: {  	s0 =	sand.u32 $0x1, s1  }
0x8c: {  	s16 =	sshll.u32 s0, $0xA;
	s2 =	sadd.s32 s3, s2  }
0x8d: {  	s2 =	sadd.s32 s2, s16  }
0x8e: {  	[smem:$0x3FC0] =	sst s2  }
0x8f: {  	_ = 	snop  }
0x90: {  	(tm) =	ssettm $0x1  }
0x91: {  	s17 =	sld [smem:$0x3FFB];
	_ =	sdelay $0x3  }
0x92: {  	_ =	strace s17  }
0x93: {  	s2 =	sld [smem:$0x3FFC];
	_ =	sdelay $0x3  }
0x94: {  	_ =	strace s2  }
0x95: {  	s2 =	sld [smem:$0x3FFD];
	_ =	sdelay $0x3  }
0x96: {  	_ =	strace s2  }
0x97: {  	_ =	strace $0x8FFFFFFF  }
0x98: {  	s18 =	sld [smem:$0x3FDB];
	_ =	sdelay $0x1  }
0x99: {  	s19 =	simm.s32 $_scs_section_size  }
0x9a: {  	s4 =	simm.s32 $_size__tile_overlayer_lowered;
	s5 =	simm.s32 $_tile_overlayer_lowered  }
0x9b: {  	s22 =	simm.s32 $0x1BFF;
	s21 =	sshll.u32 s5, $0x1;
	s2 =	sadd.s32 s19, s18  }
0x9c: {  	s6 =	simm.s32 $0x0;
	s20 =	sshll.u32 s4, $0x1;
	s4 =	sadd.s32 s21, s2  }
0x9d: {  	[timem:s6], [sflag:s22] =	dma.local [hbm:s4], s20  }
0x9e: {  	_ =	swait.ge [sflag:s22], s20  }
0x9f: {  	s3 =	ssub.s32 $0x0, s20;
	[sflag:s22] =	ssyncset.done $0x0  }
0xa0: {  	[sflag:s22] =	ssyncadd.s32 s3;
	_ =	sdelay $0x1  }
0xa1: {  	s23 =	simm.s32 $0x1B8B  }
0xa2: {  	_ =	swait.ge [sflag:s23], $0x1  }
0xa3: {  	[sflag:s23] =	ssyncset.done $0x0  }
0xa4: {  	s25 =	simm.s32 $0x1B8E;
	s24 =	sld [smem:$0x3FFE];
	[sflag:s23] =	ssyncadd.s32 $0xFFFFFFFF  }
0xa5: {  	s26 =	simm.s32 $execute0_lowered;
	[smem:$0x3FD2] =	sst s25  }
0xa6: {  	s4 =	sshll.u32 s26, $0x1;
	_ =	strace $0x8000004F;
	[dreg:$0x1] =	wrdreg $0xFFFFFFFF  }
0xa7: {  	s28 =	simm.s32 $_size_execute0_lowered;
	s2 =	sadd.s32 s2, s4;
	[dreg:$0x0] =	wrdreg $0x0  }
0xa8: {  	s4 =	sshll.u32 s28, $0x1;
	[dreg:$0x2] =	wrdreg s2  }
0xa9: {  	[dreg:$0x3] =	wrdreg s4  }
0xaa: {  	[dreg:$0x4] =	wrdreg $0xC0  }
0xab: {  	_ =	task [dreg:s6], $0x5FFFF  }
0xac: {  	[dreg:$0x1] =	wrdreg $0xFFFFFFFF  }
0xad: {  	[dreg:$0x0] =	wrdreg $0x60  }
0xae: {  	[dreg:$0x2] =	wrdreg s24  }
0xaf: {  	[dreg:$0x3] =	wrdreg $0xA8000  }
0xb0: {  	[dreg:$0x4] =	wrdreg $0x9  }
0xb1: {  	_ =	task.clear_ibuf [dreg:s6], $0x5FFFF;
	_ =	strace $0x9000004F  }
0xb2: {  	s29 =	simm.s32 $0x9;
	_ =	strace $0x80000051  }
0xb3: {  	_ =	swait.ge [sflag:s29], $0x1  }
0xb4: {  	[sflag:s29] =	ssyncadd.s32 $0xFFFFFFFF  }
0xb5: {  	_ =	strace $0x90000051  }
0xb6: {  	_ =	sfence  }
0xb7: {  	s30 =	sld [smem:$0x0];
	_ =	sdelay $0x2  }
0xb8: {  	s31 =	sshll.u32 s1, $0xD;
	s1 =	sshrl.u32 s1, $0x2  }
0xb9: {  	s3 =	sand.u32 $0x4000, s31;
	s1 =	sadd.s32 s1, s30  }
0xba: {  	s0 =	sor.u32 s3, s0;
	s1 =	sshll.u32 s1, $0x11  }
0xbb: {  	s0 =	sor.u32 s1, s0  }
0xbc: {  	s0 =	sadd.s32 $0x8F2B, s0  }
0xbd: {  	[sflag:s0] =	ssyncadd.remote.s32 $0x1  }
0xbe: {  	_ =	sfence.sel $0xFFFF  }
0xbf: {  	[dreg:$0x0] =	wrdreg $0xFFFFFFFF;
	(pc) =	sbr.abs _section_cstart, $3  }
0xc0: {  	[dreg:$0x1] =	wrdreg $0xFFFFFFFF  }
0xc1: {  	_ =	task.clear_ibuf [dreg:s6], $0x2FFFF;
	_ =	strace $0x9FFFFFFF  }
0xc2: {  	(tm) =	ssettm $0x7FFFFFFF  }
0xc3: {  	_ =	shalt  }
tec
execute0_lowered:
.L_overlay_start_1:
0x0: {  	(tag) =	ssettag $0x1  }
0x1: {  	s1 =	srdreg.scid;
	s6 =	rddreg [dreg:$0x0]  }
0x2: {  	s0 =	stileid.u32;
	s2 =	rddreg [dreg:$0x1];
	s3 =	simm.s32 $0x0  }
0x3: {  	s14 =	simm.s32 $0x80;
	s15 =	simm.s32 $0x2800;
	s16 =	simm.s32 $0x6800  }
0x4: {  	s17 =	simm.s32 $0x1;
	s18 =	simm.s32 $0x2;
	s19 =	simm.s32 $0x1380  }
0x5: {  	s20 =	simm.s32 $0x2700;
	s21 =	simm.s32 $0x2780;
	s22 =	simm.s32 $0x0  }
0x6: {  	s5 =	sand.u32 $0x1, s1;
	s24 =	sshll.u32 s0, $0x1;
	s9 =	smul.u32 $0x14000, s0  }
0x7: {  	[smem:$0x7FF] =	sst s3;
	s4 =	sadd.s32 $0x3200, s6;
	s28 =	smul.u32 $0x50000, s0  }
0x8: {  	s31 =	sshll.u32 s0, $0x6;
	s1 =	sor.u32 s5, s24;
	s8 =	smul.u32 $0x140000, s5  }
0x9: {  	s26 =	ssub.s32 $0x2, s5;
	s5 =	sadd.s32 $0x5B600, s6;
	s7 =	smul.u32 $0x280, s1  }
0xa: {  	s1 =	rddreg [dreg:$0x2];
	_ =	strace $0x80000050;
	s29 =	sshrl.u32 s26, $0x1  }
0xb: {  	s30 =	sshrl.u32 s28, $0x2;
	s25 =	sadd.s32 s9, s8;
	s12 =	ssub.s32 s26, s29  }
0xc: {  	s13 =	sadd.s32 s30, s2;
	s10 =	sadd.s32 s7, s6;
	s7 =	sshrl.u32 s25, $0x3  }
0xd: {  	s11 =	sadd.s32 s7, s6;
	s6 =	sor.u32 $0x1C03, s31;
	s7 =	sadd.s32 $0x56600, s10  }
0xe: {  	s8 =	sadd.s32 $0x51600, s10;
	s10 =	smax.u32 s12, $0x1;
	s12 =	simm.s32 $0x3  }
0xf: {  	s9 =	sadd.s32 $0x175E00, s11;
	s11 =	sshrl.u32 s13, $0x3;
	s13 =	simm.s32 $0x1400  }
.LBB2_1:
0x10: {  	[spmem:s11], [sflag:s6] =	dma.local [hbm:s5], $0x2800  }
0x11: {  	_ =	swait.ge [sflag:s12], $0x2800  }
0x12: {  	[sflag:s12] =	ssyncset.done $0x0  }
0x13: {  	[sflag:s12] =	ssyncadd.s32 $0xFFFFD800  }
0x14: {  	[tilespmem:s3], [sflag:$0x3] =	stream.linear.gather [hbm4b:s7+s3], $0x1400, $0x38;
	[tilespmem:$0x1E800] =	vst v63  }
0x15: {  	_ =	swait.ge [sflag:s12], $0x1400  }
0x16: {  	[sflag:s12] =	ssyncset.done $0x0  }
0x17: {  	[sflag:s12] =	ssyncadd.s32 $0xFFFFEC00  }
0x18: {  	[tilespmem:s13], [sflag:$0x3] =	stream.linear.gather [hbm4b:s8+s3], $0x1400, $0x38;
	[tilespmem:$0x1E800] =	vst v63  }
0x19: {  	_ =	swait.ge [sflag:s12], $0x1400  }
0x1a: {  	[sflag:s12] =	ssyncset.done $0x0  }
0x1b: {  	[sflag:s12] =	ssyncadd.s32 $0xFFFFEC00  }
0x1c: {  	[bflag:$0x0] =	sbarrier.arrive $0xFFFF  }
0x1d: {  	[tilespmem:s15], [sflag:$0x1] =	stream.indirect.gather [hbm4b:s4+s14], $0x80, s3, s14, $0xb8;
	[tilespmem:$0x1E800] =	vst v63  }
0x1e: {  	s23 =	simm.s32 $0x80  }
0x1f: {  	[tilespmem:s16], [sflag:$0x2] =	stream.indirect.gather [hbm4b:s4+s14], $0x80, s23, s14, $0xb8;
	[tilespmem:$0x1E800] =	vst v63  }
0x20: {  	_ =	swait.ge [sflag:s17], $0x4000  }
0x21: {  	[sflag:s17] =	ssyncset.done $0x0  }
0x22: {  	s29 =	simm.s32 $0x1400;
	[sflag:s17] =	ssyncadd.s32 $0xFFFFC000  }
0x23: {  	[spmem:s2] =	stream.indirect.scatter.add.f32 [tilespmem:s15], [sflag:$0x3], $0x80, s29, s14, $0xb8;
	[tilespmem:$0x1E800] =	vst v63  }
0x24: {  	_ =	swait.ge [sflag:s12], $0x4000  }
0x25: {  	[sflag:s12] =	ssyncset.done $0x0  }
0x26: {  	s30 =	simm.s32 $0x100;
	[sflag:s12] =	ssyncadd.s32 $0xFFFFC000  }
0x27: {  	[tilespmem:s15], [sflag:$0x1] =	stream.indirect.gather [hbm4b:s4+s14], $0x80, s30, s14, $0xb8;
	[tilespmem:$0x1E800] =	vst v63  }
0x28: {  	_ =	swait.ge [sflag:s18], $0x4000  }
0x29: {  	[sflag:s18] =	ssyncset.done $0x0  }
0x2a: {  	s31 =	simm.s32 $0x1480;
	[sflag:s18] =	ssyncadd.s32 $0xFFFFC000  }
0x2b: {  	[spmem:s2] =	stream.indirect.scatter.add.f32 [tilespmem:s16], [sflag:$0x3], $0x80, s31, s14, $0xb8;
	[tilespmem:$0x1E800] =	vst v63  }
0x2c: {  	_ =	swait.ge [sflag:s12], $0x4000  }
0x2d: {  	s24 =	simm.s32 $0x800;
	s23 =	simm.s32 $0x100;
	[sflag:s12] =	ssyncset.done $0x0  }
.LBB2_2:
0x2e: {  	s25 =	sadd.s32 $0x80, s23  }
0x2f: {  	[sflag:s12] =	ssyncadd.s32 $0xFFFFC000;
	s26 =	smov.u32 s24;
	s28 =	sadd.s32 $0x400, s24  }
0x30: {  	[tilespmem:s16], [sflag:$0x2] =	stream.indirect.gather [hbm4b:s4+s14], $0x80, s25, s14, $0xb8;
	[tilespmem:$0x1E800] =	vst v63  }
0x31: {  	p0 =	sne.s32 s24, $0x4800;
	_ =	swait.ge [sflag:s17], $0x4000  }
0x32: {  	[sflag:s17] =	ssyncset.done $0x0  }
0x33: {  	s24 =	sadd.s32 $0x1400, s23;
	[sflag:s17] =	ssyncadd.s32 $0xFFFFC000  }
0x34: {  	[spmem:s2] =	stream.indirect.scatter.add.f32 [tilespmem:s15], [sflag:$0x3], $0x80, s24, s14, $0xb8;
	[tilespmem:$0x1E800] =	vst v63  }
0x35: {  	_ =	swait.ge [sflag:s12], $0x4000  }
0x36: {  	[sflag:s12] =	ssyncset.done $0x0  }
0x37: {  	s24 =	sadd.s32 $0x100, s23;
	[sflag:s12] =	ssyncadd.s32 $0xFFFFC000  }
0x38: {  	[tilespmem:s15], [sflag:$0x1] =	stream.indirect.gather [hbm4b:s4+s14], $0x80, s24, s14, $0xb8;
	[tilespmem:$0x1E800] =	vst v63  }
0x39: {  	_ =	swait.ge [sflag:s18], $0x4000  }
.Ltmp0:
0x3a: {  	[sflag:s18] =	ssyncset.done $0x0;
	(pc) =	sbr.rel @p0 .LBB2_2-.Ltmp0, $4  }
0x3b: {  	s23 =	sadd.s32 $0x1480, s23;
	[sflag:s18] =	ssyncadd.s32 $0xFFFFC000  }
0x3c: {  	[spmem:s2] =	stream.indirect.scatter.add.f32 [tilespmem:s16], [sflag:$0x3], $0x80, s23, s14, $0xb8;
	[tilespmem:$0x1E800] =	vst v63  }
0x3d: {  	_ =	swait.ge [sflag:s12], $0x4000  }
0x3e: {  	s24 =	smov.u32 s28;
	s23 =	sshra.s32 s26, $0x2;
	[sflag:s12] =	ssyncset.done $0x0  }
0x3f: {  	s24 =	sadd.s32 $0x80, s23;
	[sflag:s12] =	ssyncadd.s32 $0xFFFFC000  }
0x40: {  	[tilespmem:s16], [sflag:$0x2] =	stream.indirect.gather [hbm4b:s4+s14], $0x80, s24, s14, $0xb8;
	[tilespmem:$0x1E800] =	vst v63  }
0x41: {  	_ =	swait.ge [sflag:s17], $0x4000  }
0x42: {  	[sflag:s17] =	ssyncset.done $0x0  }
0x43: {  	s29 =	sadd.s32 $0x1400, s23;
	[sflag:s17] =	ssyncadd.s32 $0xFFFFC000  }
0x44: {  	[spmem:s2] =	stream.indirect.scatter.add.f32 [tilespmem:s15], [sflag:$0x3], $0x80, s29, s14, $0xb8;
	[tilespmem:$0x1E800] =	vst v63  }
0x45: {  	_ =	swait.ge [sflag:s12], $0x4000  }
0x46: {  	[sflag:s12] =	ssyncset.done $0x0  }
0x47: {  	s30 =	sadd.s32 $0x100, s23;
	[sflag:s12] =	ssyncadd.s32 $0xFFFFC000  }
0x48: {  	[tilespmem:s15], [sflag:$0x1] =	stream.indirect.gather [hbm4b:s4+s14], $0x80, s30, s14, $0xb8;
	[tilespmem:$0x1E800] =	vst v63  }
0x49: {  	_ =	swait.ge [sflag:s18], $0x4000  }
0x4a: {  	[sflag:s18] =	ssyncset.done $0x0  }
0x4b: {  	s31 =	sadd.s32 $0x1480, s23;
	[sflag:s18] =	ssyncadd.s32 $0xFFFFC000  }
0x4c: {  	[spmem:s2] =	stream.indirect.scatter.add.f32 [tilespmem:s16], [sflag:$0x3], $0x80, s31, s14, $0xb8;
	[tilespmem:$0x1E800] =	vst v63  }
0x4d: {  	_ =	swait.ge [sflag:s12], $0x4000  }
0x4e: {  	[sflag:s12] =	ssyncset.done $0x0  }
0x4f: {  	[sflag:s12] =	ssyncadd.s32 $0xFFFFC000  }
0x50: {  	[tilespmem:s16], [sflag:$0x2] =	stream.indirect.gather [hbm4b:s4+s14], $0x80, s19, s14, $0xb8;
	[tilespmem:$0x1E800] =	vst v63  }
0x51: {  	_ =	swait.ge [sflag:s17], $0x4000  }
0x52: {  	[sflag:s17] =	ssyncset.done $0x0  }
0x53: {  	[sflag:s17] =	ssyncadd.s32 $0xFFFFC000  }
0x54: {  	[spmem:s2] =	stream.indirect.scatter.add.f32 [tilespmem:s15], [sflag:$0x3], $0x80, s20, s14, $0xb8;
	[tilespmem:$0x1E800] =	vst v63  }
0x55: {  	_ =	swait.ge [sflag:s12], $0x4000  }
0x56: {  	[sflag:s12] =	ssyncset.done $0x0  }
0x57: {  	[sflag:s12] =	ssyncadd.s32 $0xFFFFC000  }
0x58: {  	_ =	swait.ge [sflag:s18], $0x4000  }
0x59: {  	[sflag:s18] =	ssyncset.done $0x0  }
0x5a: {  	[sflag:s18] =	ssyncadd.s32 $0xFFFFC000  }
0x5b: {  	[spmem:s2] =	stream.indirect.scatter.add.f32 [tilespmem:s16], [sflag:$0x3], $0x80, s21, s14, $0xb8;
	[tilespmem:$0x1E800] =	vst v63  }
0x5c: {  	_ =	swait.ge [sflag:s12], $0x4000  }
0x5d: {  	s22 =	sadd.s32 $0x1, s22;
	[sflag:s12] =	ssyncset.done $0x0  }
0x5e: {  	p0 =	sne.s32 s22, s10;
	[sflag:s12] =	ssyncadd.s32 $0xFFFFC000  }
.Ltmp1:
0x5f: {  	[bflag:$0x0] =	sbarrier.arrive $0xFFFF;
	(pc) =	sbr.rel @p0 .LBB2_1-.Ltmp1, $4  }
0x60: {  	[hbm:s9], [sflag:s6] =	dma.local [spmem:s11], $0x2800  }
0x61: {  	_ =	swait.ge [sflag:s12], $0x2800  }
0x62: {  	[sflag:s12] =	ssyncset.done $0x0  }
0x63: {  	[sflag:s12] =	ssyncadd.s32 $0xFFFFD800  }
0x64: {  	_ =	sfence.sel $0x180000  }
0x65: {  	[bflag:$0x0] =	sbarrier.arrive $0xFFFF  }
0x66: {  	p0 =	sne.s32 s0, $0x0;
	_ =	strace $0x90000050  }
0x67: {  	s0 =	sadd.s32 @!p0 $0x100000, s1;
	[bflag:$0x2] =	sbarrier.arrive $0xFFFF  }
0x68: {  	[sflag:s0] =	ssyncadd.tile.s32 @!p0 $0x1;
	_ =	shalt  }
.Lfunc_end2:
_tile_overlayer_lowered:
.L_overlay_start_2:
0x69: {  	(tag) =	ssettag $0x2  }
0x6a: {  	s0 =	rddreg [dreg:$0x0];
	s2 =	stileid.u32  }
0x6b: {  	s1 =	rddreg [dreg:$0x1];
	p0 =	sne.s32 s2, $0x0  }
0x6c: {  	s3 =	rddreg [dreg:$0x2];
	[bflag:$0x3] =	sbarrier.arrive $0xFFFF;
	s2 =	simm.s32 @!p0 $0x1C03  }
0x6d: {  	[timem:s3], [sflag:s2] =	dma.local @!p0 [hbm:s0], s1  }
0x6e: {  	s0 =	simm.s32 @!p0 $0x3  }
0x6f: {  	_ =	swait.ge @!p0 [sflag:s0], s1  }
0x70: {  	s1 =	ssub.s32 @!p0 $0x0, s1;
	[sflag:s0] =	ssyncset.done @!p0 $0x0  }
0x71: {  	[sflag:s0] =	ssyncadd.s32 @!p0 s1  }
0x72: {  	[bflag:$0x3] =	sbarrier.arrive $0xFFFF  }
0x73: {  	_ =	shalt  }

// kernel: kernel.23.cloned.1.call-start
scs
__scs_entry_jumppad:
0x0: {  	(pc) =	sbr.rel $0x88, $3  }
0x1: {  	(tag) =	ssettag $0x0;
	lr =	simm.s32 $0x1  }
0x2: {  	[smem:$0x3F99] =	sst lr;
	_ =	strace $0xD0000000  }
0x3: {  	_ = 	snop  }
0x4: {  	_ = 	snop  }
0x5: {  	_ = 	snop  }
0x6: {  	_ = 	snop  }
0x7: {  	_ = 	snop  }
__scs_overlays_trampoline_lowered:
0x8: {  	[smem:$0x3FA8] =	sst s0  }
0x9: {  	[smem:$0x3FA9] =	sst s1  }
0xa: {  	[smem:$0x3FAA] =	sst s2  }
0xb: {  	[smem:$0x3FAB] =	sst s3  }
0xc: {  	[smem:$0x3FAC] =	sst s4  }
0xd: {  	[smem:$0x3FAD] =	sst s5  }
0xe: {  	[smem:$0x3FAE] =	sst s6  }
0xf: {  	[smem:$0x3FAF] =	sst s7  }
0x10: {  	[smem:$0x3FB0] =	sst s8  }
0x11: {  	[smem:$0x3FB1] =	sst s9;
	s0 =	simm.s32 @!p0 $0x0  }
0x12: {  	s1 =	sld [smem:$0x3F97];
	s0 =	simm.s32 @p0 $0x1  }
0x13: {  	[smem:$0x3FB2] =	sst s0;
	s0 =	simm.s32 @!p1 $0x0  }
0x14: {  	s2 =	sld [smem:$0x3F96];
	s0 =	simm.s32 @p1 $0x1  }
0x15: {  	[smem:$0x3FB3] =	sst s0;
	s0 =	simm.s32 @!p2 $0x0  }
0x16: {  	s3 =	sld [smem:$0x3FDB];
	s0 =	simm.s32 @p2 $0x1  }
0x17: {  	s4 =	simm.s32 $0x1BF5;
	[smem:$0x3FB5] =	sst s0  }
0x18: {  	s0 =	sld [smem:$0x3F98];
	_ =	swait.ge [sflag:s4], $0x0  }
0x19: {  	s7 =	sld [smem:$0x3F99]  }
0x1a: {  	s8 =	sadd.s32 $0xFFFFE003, lr  }
0x1b: {  	s9 =	sadd.s32 $0xFFFFFEF7, lr;
	s5 =	simm.s32 $0xFFFFFFFF;
	p2 =	slt.u32 s8, $0xFFFFF086  }
0x1c: {  	p1 =	slt.u32 s9, $0xF7A;
	s5 =	simm.s32 @!p2 $0x0  }
0x1d: {  	s5 =	simm.s32 @p1 $0x1;
	p0 =	seq.s32 s7, s2  }
0x1e: {  	s7 =	smul.u32 @!p0 $0xF7A, s2;
	p2 =	seq.s32 @!p0 s5, $0x0  }
0x1f: {  	s9 =	smul.u32 $0xF7A, s1;
	s8 =	simm.s32 @!p0 $0x1BF5;
	p2 =	por !p2, p0  }
0x20: {  	[sflag:s8] =	ssyncset.s32 @!p0 $0xFFFFF086;
	s6 =	sadd.s32 @!p0 s3, s7;
	s7 =	simm.s32 @!p0 $0x108  }
0x21: {  	s3 =	sadd.s32 s3, s9;
	s6 =	sadd.s32 @!p0 $0x88, s6;
	s7 =	simm.s32 @p2 $0x1082  }
0x22: {  	[simem:s7], [sflag:s8] =	dma.local @!p0 [hbm:s6], $0xF7A  }
0x23: {  	s9 =	sor.u32 $0xD0000000, s2;
	s6 =	simm.s32 $0x108;
	_ =	swait.ge @!p0 [sflag:s8], $0x0  }
0x24: {  	s3 =	sadd.s32 $0x88, s3;
	s6 =	simm.s32 @!p1 $0x1082;
	[sflag:s4] =	ssyncset.s32 $0xFFFFF086  }
0x25: {  	[simem:s6], [sflag:s4] =	dma.local [hbm:s3], $0xF7A  }
0x26: {  	[smem:$0x3F99] =	sst s1;
	(tag) =	ssettag s2;
	_ =	strace s9  }
0x27: {  	s1 =	sld [smem:$0x3FA9]  }
0x28: {  	s2 =	sld [smem:$0x3FAA]  }
0x29: {  	s4 =	sld [smem:$0x3FAC]  }
0x2a: {  	p0 =	seq.s32 s5, $0x0;
	s5 =	sld [smem:$0x3FAD]  }
0x2b: {  	s6 =	sld [smem:$0x3FAE]  }
0x2c: {  	s7 =	sld [smem:$0x3FAF]  }
0x2d: {  	s3 =	simm.s32 $0x108;
	s8 =	sld [smem:$0x3FB0]  }
0x2e: {  	s3 =	simm.s32 @!p0 $0x1082;
	s9 =	sld [smem:$0x3FB1]  }
0x2f: {  	lr =	sadd.s32 s0, s3;
	s0 =	sld [smem:$0x3FA8]  }
0x30: {  	s3 =	sld [smem:$0x3FAB]  }
0x31: {  	[smem:$0x3FB4] =	sst s10  }
0x32: {  	s10 =	sld [smem:$0x3FB2];
	_ =	sdelay $0x3  }
0x33: {  	p0 =	seq.s32 s10, $0x1;
	s10 =	sld [smem:$0x3FB4];
	_ =	sdelay $0x3  }
0x34: {  	[smem:$0x3FB4] =	sst s10  }
0x35: {  	s10 =	sld [smem:$0x3FB3];
	_ =	sdelay $0x3  }
0x36: {  	p1 =	seq.s32 s10, $0x1;
	s10 =	sld [smem:$0x3FB4];
	_ =	sdelay $0x3  }
0x37: {  	[smem:$0x3FB4] =	sst s10  }
0x38: {  	s10 =	sld [smem:$0x3FB5]  }
0x39: {  	_ = 	snop;
	(pc) =	sbr.ind lr, $3  }
0x3a: {  	_ = 	snop  }
0x3b: {  	_ = 	snop  }
0x3c: {  	p2 =	seq.s32 s10, $0x1;
	s10 =	sld [smem:$0x3FB4]  }
0x3d: {  	_ =	shalt  }
0x3e: {  	_ =	shalt  }
0x3f: {  	_ =	shalt  }
0x40: {  	_ =	shalt  }
0x41: {  	_ =	shalt  }
0x42: {  	_ =	shalt  }
0x43: {  	_ =	shalt  }
0x44: {  	_ =	shalt  }
0x45: {  	_ =	shalt  }
0x46: {  	_ =	shalt  }
0x47: {  	_ =	shalt  }
0x48: {  	_ =	shalt  }
0x49: {  	_ =	shalt  }
0x4a: {  	_ =	shalt  }
0x4b: {  	_ =	shalt  }
0x4c: {  	_ =	shalt  }
0x4d: {  	_ =	shalt  }
0x4e: {  	_ =	shalt  }
0x4f: {  	_ =	shalt  }
0x50: {  	_ =	shalt  }
0x51: {  	_ =	shalt  }
0x52: {  	_ =	shalt  }
0x53: {  	_ =	shalt  }
0x54: {  	_ =	shalt  }
0x55: {  	_ =	shalt  }
0x56: {  	_ =	shalt  }
0x57: {  	_ =	shalt  }
0x58: {  	_ =	shalt  }
0x59: {  	_ =	shalt  }
0x5a: {  	_ =	shalt  }
0x5b: {  	_ =	shalt  }
0x5c: {  	_ =	shalt  }
0x5d: {  	_ =	shalt  }
0x5e: {  	_ =	shalt  }
0x5f: {  	_ =	shalt  }
0x60: {  	_ =	shalt  }
0x61: {  	_ =	shalt  }
0x62: {  	_ =	shalt  }
0x63: {  	_ =	shalt  }
0x64: {  	_ =	shalt  }
0x65: {  	_ =	shalt  }
0x66: {  	_ =	shalt  }
0x67: {  	_ =	shalt  }
0x68: {  	_ =	shalt  }
0x69: {  	_ =	shalt  }
0x6a: {  	_ =	shalt  }
0x6b: {  	_ =	shalt  }
0x6c: {  	_ =	shalt  }
0x6d: {  	_ =	shalt  }
0x6e: {  	_ =	shalt  }
0x6f: {  	_ =	shalt  }
0x70: {  	_ =	shalt  }
0x71: {  	_ =	shalt  }
0x72: {  	_ =	shalt  }
0x73: {  	_ =	shalt  }
0x74: {  	_ =	shalt  }
0x75: {  	_ =	shalt  }
0x76: {  	_ =	shalt  }
0x77: {  	_ =	shalt  }
0x78: {  	_ =	shalt  }
0x79: {  	_ =	shalt  }
0x7a: {  	_ =	shalt  }
0x7b: {  	_ =	shalt  }
0x7c: {  	_ =	shalt  }
0x7d: {  	_ =	shalt  }
0x7e: {  	_ =	shalt  }
0x7f: {  	_ =	shalt  }
0x80: {  	_ =	shalt  }
0x81: {  	_ =	shalt  }
0x82: {  	_ =	shalt  }
0x83: {  	_ =	shalt  }
0x84: {  	_ =	shalt  }
0x85: {  	_ =	shalt  }
0x86: {  	_ =	shalt  }
0x87: {  	_ =	shalt  }
.Lfunc_end0:
.L_simem_size_0:
called_computation.4_lowered:
.L_overlay_start_0:
0x88: {  	s2 =	sld [smem:$0x3FD9]  }
0x89: {  	s3 =	sld [smem:$0x3FFE];
	_ =	sdelay $0x1  }
0x8a: {  	s1 =	srdreg.scid  }
0x8b: {  	s0 =	sand.u32 $0x1, s1  }
0x8c: {  	s17 =	sshll.u32 s0, $0xA;
	s2 =	sadd.s32 s3, s2  }
0x8d: {  	s2 =	sadd.s32 s2, s17  }
0x8e: {  	[smem:$0x3FC0] =	sst s2  }
0x8f: {  	_ = 	snop  }
0x90: {  	s18 =	sld [smem:$0x3FD0];
	(tm) =	ssettm $0x1  }
0x91: {  	s19 =	sld [smem:$0x3FFB];
	_ =	sdelay $0x3  }
0x92: {  	_ =	strace s19  }
0x93: {  	s2 =	sld [smem:$0x3FFC];
	_ =	sdelay $0x3  }
0x94: {  	_ =	strace s2  }
0x95: {  	s2 =	sld [smem:$0x3FFD];
	_ =	sdelay $0x3  }
0x96: {  	_ =	strace s2  }
0x97: {  	_ =	strace $0x8FFFFFFF  }
0x98: {  	s20 =	sld [smem:$0x3FDB];
	_ =	sdelay $0x1  }
0x99: {  	s4 =	simm.s32 $_scs_section_size  }
0x9a: {  	s5 =	simm.s32 $_size__tile_overlayer_lowered;
	s6 =	simm.s32 $_tile_overlayer_lowered  }
0x9b: {  	s7 =	simm.s32 $0x1BFF;
	s21 =	sshll.u32 s6, $0x1;
	s4 =	sadd.s32 s4, s20  }
0x9c: {  	s22 =	simm.s32 $0x0;
	s5 =	sshll.u32 s5, $0x1;
	s6 =	sadd.s32 s21, s4  }
0x9d: {  	[timem:s22], [sflag:s7] =	dma.local [hbm:s6], s5  }
0x9e: {  	_ =	swait.ge [sflag:s7], s5  }
0x9f: {  	s5 =	ssub.s32 $0x0, s5;
	[sflag:s7] =	ssyncset.done $0x0  }
0xa0: {  	[sflag:s7] =	ssyncadd.s32 s5;
	_ =	sdelay $0x1  }
0xa1: {  	s23 =	simm.s32 $0x1B8B  }
0xa2: {  	_ =	swait.ge [sflag:s23], $0x1  }
0xa3: {  	[sflag:s23] =	ssyncset.done $0x0  }
0xa4: {  	[sflag:s23] =	ssyncadd.s32 $0xFFFFFFFF  }
0xa5: {  	s5 =	sld [smem:$0x0]  }
0xa6: {  	s6 =	sand.u32 $0xFFFFFFFE, s1  }
0xa7: {  	p0 =	sne.s32 s1, s6  }
0xa8: {  	s6 =	sshll.u32 @p0 s6, $0xE  }
0xa9: {  	s6 =	sadd.s32 @p0 $0x11B8D, s6;
	s7 =	sshll.u32 @p0 s5, $0x11  }
0xaa: {  	s6 =	sor.u32 @p0 s7, s6  }
0xab: {  	[sflag:s6] =	ssyncadd.remote.s32 @p0 $0x1;
	_ =	sdelay $0x1  }
0xac: {  	s6 =	simm.s32 @p0 $0x1B8D  }
0xad: {  	_ =	swait.eq @p0 [sflag:s6], $0x1  }
0xae: {  	[sflag:s6] =	ssyncadd.s32 @p0 $0xFFFFFFFF  }
0xaf: {  	s7 =	sshll.u32 @!p0 s1, $0xE  }
0xb0: {  	s7 =	sor.u32 @!p0 $0x4000, s7;
	s6 =	simm.s32 @!p0 $0x1B8D  }
0xb1: {  	s5 =	sshll.u32 @!p0 s5, $0x11;
	s7 =	sadd.s32 @!p0 $0x11B8D, s7;
	_ =	swait.eq @!p0 [sflag:s6], $0x1  }
0xb2: {  	s5 =	sor.u32 @!p0 s5, s7;
	[sflag:s6] =	ssyncadd.s32 @!p0 $0xFFFFFFFF  }
0xb3: {  	s25 =	simm.s32 $0x1B8E;
	s24 =	sld [smem:$0x3FFE];
	[sflag:s5] =	ssyncadd.remote.s32 @!p0 $0x1  }
0xb4: {  	s26 =	simm.s32 $execute0_lowered;
	[smem:$0x3FD2] =	sst s25  }
0xb5: {  	s6 =	sshll.u32 s26, $0x1;
	_ =	strace $0x80000058;
	[dreg:$0x1] =	wrdreg $0xFFFFFFFF  }
0xb6: {  	s28 =	simm.s32 $_size_execute0_lowered;
	s4 =	sadd.s32 s4, s6;
	[dreg:$0x0] =	wrdreg $0x0  }
0xb7: {  	s6 =	sshll.u32 s28, $0x1;
	[dreg:$0x2] =	wrdreg s4  }
0xb8: {  	[dreg:$0x3] =	wrdreg s6  }
0xb9: {  	[dreg:$0x4] =	wrdreg $0xC0  }
0xba: {  	_ =	task [dreg:s22], $0x5FFFF  }
0xbb: {  	[dreg:$0x1] =	wrdreg $0xFFFFFFFF  }
0xbc: {  	[dreg:$0x0] =	wrdreg $0x60  }
0xbd: {  	[dreg:$0x2] =	wrdreg s24  }
0xbe: {  	[dreg:$0x3] =	wrdreg s18  }
0xbf: {  	[dreg:$0x4] =	wrdreg $0xA8000  }
0xc0: {  	[dreg:$0x5] =	wrdreg $0xA  }
0xc1: {  	_ =	task.clear_ibuf [dreg:s22], $0x6FFFF;
	_ =	strace $0x90000058  }
0xc2: {  	s29 =	simm.s32 $0xA;
	_ =	strace $0x8000005A  }
0xc3: {  	_ =	swait.ge [sflag:s29], $0x1  }
0xc4: {  	[sflag:s29] =	ssyncadd.s32 $0xFFFFFFFF  }
0xc5: {  	_ =	strace $0x9000005A  }
0xc6: {  	_ =	sfence  }
0xc7: {  	s30 =	sld [smem:$0x0];
	_ =	sdelay $0x2  }
0xc8: {  	s31 =	sshll.u32 s1, $0xD;
	s1 =	sshrl.u32 s1, $0x2  }
0xc9: {  	s4 =	sand.u32 $0x4000, s31;
	s1 =	sadd.s32 s1, s30  }
0xca: {  	s0 =	sor.u32 s4, s0;
	s1 =	sshll.u32 s1, $0x11  }
0xcb: {  	s0 =	sor.u32 s1, s0  }
0xcc: {  	s0 =	sadd.s32 $0x8F2B, s0  }
0xcd: {  	[sflag:s0] =	ssyncadd.remote.s32 $0x1  }
0xce: {  	_ =	sfence.sel $0xFFFF  }
0xcf: {  	[dreg:$0x0] =	wrdreg $0xFFFFFFFF;
	(pc) =	sbr.abs _section_cstart, $3  }
0xd0: {  	[dreg:$0x1] =	wrdreg $0xFFFFFFFF  }
0xd1: {  	_ =	task.clear_ibuf [dreg:s22], $0x2FFFF;
	_ =	strace $0x9FFFFFFF  }
0xd2: {  	(tm) =	ssettm $0x7FFFFFFF  }
0xd3: {  	_ =	shalt  }
tec
execute0_lowered:
.L_overlay_start_1:
0x0: {  	(tag) =	ssettag $0x1  }
0x1: {  	s5 =	rddreg [dreg:$0x0]  }
0x2: {  	s9 =	rddreg [dreg:$0x1];
	s1 =	srdreg.scid  }
0x3: {  	s0 =	stileid.u32;
	s2 =	rddreg [dreg:$0x2]  }
0x4: {  	s3 =	simm.s32 $0x0;
	s14 =	simm.s32 $0x80;
	s15 =	simm.s32 $0x2800  }
0x5: {  	s16 =	simm.s32 $0x6800;
	s17 =	simm.s32 $0x1;
	s18 =	simm.s32 $0x2  }
0x6: {  	s19 =	simm.s32 $0x1380;
	s20 =	simm.s32 $0x2700;
	s21 =	simm.s32 $0x2780  }
0x7: {  	s22 =	simm.s32 $0x0;
	s6 =	sand.u32 $0x1, s1;
	s1 =	rddreg [dreg:$0x3]  }
0x8: {  	s4 =	sshll.u32 s0, $0x1;
	[smem:$0x7FF] =	sst s3;
	s8 =	smul.u32 $0x50000, s0  }
0x9: {  	s12 =	smul.u32 $0x14000, s0;
	s30 =	sshll.u32 s0, $0x6;
	s4 =	sor.u32 s6, s4  }
0xa: {  	_ =	strace $0x80000059;
	s10 =	ssub.s32 $0x2, s6;
	s6 =	smul.u32 $0x140000, s6  }
0xb: {  	s7 =	smul.u32 $0x280, s4;
	s28 =	sshrl.u32 s10, $0x1;
	s29 =	sshrl.u32 s8, $0x2  }
0xc: {  	s4 =	sadd.s32 $0x14DE00, s5;
	s10 =	ssub.s32 s10, s28;
	s13 =	sadd.s32 s29, s2  }
0xd: {  	s31 =	sadd.s32 s12, s6;
	s6 =	sor.u32 $0x1C03, s30;
	s11 =	sadd.s32 s7, s5  }
0xe: {  	s5 =	sadd.s32 $0x5B600, s5;
	s12 =	sshrl.u32 s31, $0x3;
	s10 =	smax.u32 s10, $0x1  }
0xf: {  	s7 =	sadd.s32 $0x56600, s11;
	s8 =	sadd.s32 $0x51600, s11;
	s9 =	sadd.s32 s9, s12  }
0x10: {  	s11 =	sshrl.u32 s13, $0x3;
	s12 =	simm.s32 $0x3;
	s13 =	simm.s32 $0x1400  }
.LBB2_1:
0x11: {  	[spmem:s11], [sflag:s6] =	dma.local [hbm:s5], $0x2800  }
0x12: {  	_ =	swait.ge [sflag:s12], $0x2800  }
0x13: {  	[sflag:s12] =	ssyncset.done $0x0  }
0x14: {  	[sflag:s12] =	ssyncadd.s32 $0xFFFFD800  }
0x15: {  	[tilespmem:s3], [sflag:$0x3] =	stream.linear.gather [hbm4b:s7+s3], $0x1400, $0x38;
	[tilespmem:$0x1E800] =	vst v63  }
0x16: {  	_ =	swait.ge [sflag:s12], $0x1400  }
0x17: {  	[sflag:s12] =	ssyncset.done $0x0  }
0x18: {  	[sflag:s12] =	ssyncadd.s32 $0xFFFFEC00  }
0x19: {  	[tilespmem:s13], [sflag:$0x3] =	stream.linear.gather [hbm4b:s8+s3], $0x1400, $0x38;
	[tilespmem:$0x1E800] =	vst v63  }
0x1a: {  	_ =	swait.ge [sflag:s12], $0x1400  }
0x1b: {  	[sflag:s12] =	ssyncset.done $0x0  }
0x1c: {  	[sflag:s12] =	ssyncadd.s32 $0xFFFFEC00  }
0x1d: {  	[bflag:$0x0] =	sbarrier.arrive $0xFFFF  }
0x1e: {  	[tilespmem:s15], [sflag:$0x1] =	stream.indirect.gather [hbm4b:s4+s14], $0x80, s3, s14, $0xb8;
	[tilespmem:$0x1E800] =	vst v63  }
0x1f: {  	s23 =	simm.s32 $0x80  }
0x20: {  	[tilespmem:s16], [sflag:$0x2] =	stream.indirect.gather [hbm4b:s4+s14], $0x80, s23, s14, $0xb8;
	[tilespmem:$0x1E800] =	vst v63  }
0x21: {  	_ =	swait.ge [sflag:s17], $0x4000  }
0x22: {  	[sflag:s17] =	ssyncset.done $0x0  }
0x23: {  	s29 =	simm.s32 $0x1400;
	[sflag:s17] =	ssyncadd.s32 $0xFFFFC000  }
0x24: {  	[spmem:s2] =	stream.indirect.scatter.add.f32 [tilespmem:s15], [sflag:$0x3], $0x80, s29, s14, $0xb8;
	[tilespmem:$0x1E800] =	vst v63  }
0x25: {  	_ =	swait.ge [sflag:s12], $0x4000  }
0x26: {  	[sflag:s12] =	ssyncset.done $0x0  }
0x27: {  	s30 =	simm.s32 $0x100;
	[sflag:s12] =	ssyncadd.s32 $0xFFFFC000  }
0x28: {  	[tilespmem:s15], [sflag:$0x1] =	stream.indirect.gather [hbm4b:s4+s14], $0x80, s30, s14, $0xb8;
	[tilespmem:$0x1E800] =	vst v63  }
0x29: {  	_ =	swait.ge [sflag:s18], $0x4000  }
0x2a: {  	[sflag:s18] =	ssyncset.done $0x0  }
0x2b: {  	s31 =	simm.s32 $0x1480;
	[sflag:s18] =	ssyncadd.s32 $0xFFFFC000  }
0x2c: {  	[spmem:s2] =	stream.indirect.scatter.add.f32 [tilespmem:s16], [sflag:$0x3], $0x80, s31, s14, $0xb8;
	[tilespmem:$0x1E800] =	vst v63  }
0x2d: {  	_ =	swait.ge [sflag:s12], $0x4000  }
0x2e: {  	s24 =	simm.s32 $0x800;
	s23 =	simm.s32 $0x100;
	[sflag:s12] =	ssyncset.done $0x0  }
.LBB2_2:
0x2f: {  	s25 =	sadd.s32 $0x80, s23  }
0x30: {  	[sflag:s12] =	ssyncadd.s32 $0xFFFFC000;
	s26 =	smov.u32 s24;
	s28 =	sadd.s32 $0x400, s24  }
0x31: {  	[tilespmem:s16], [sflag:$0x2] =	stream.indirect.gather [hbm4b:s4+s14], $0x80, s25, s14, $0xb8;
	[tilespmem:$0x1E800] =	vst v63  }
0x32: {  	p0 =	sne.s32 s24, $0x4800;
	_ =	swait.ge [sflag:s17], $0x4000  }
0x33: {  	[sflag:s17] =	ssyncset.done $0x0  }
0x34: {  	s24 =	sadd.s32 $0x1400, s23;
	[sflag:s17] =	ssyncadd.s32 $0xFFFFC000  }
0x35: {  	[spmem:s2] =	stream.indirect.scatter.add.f32 [tilespmem:s15], [sflag:$0x3], $0x80, s24, s14, $0xb8;
	[tilespmem:$0x1E800] =	vst v63  }
0x36: {  	_ =	swait.ge [sflag:s12], $0x4000  }
0x37: {  	[sflag:s12] =	ssyncset.done $0x0  }
0x38: {  	s24 =	sadd.s32 $0x100, s23;
	[sflag:s12] =	ssyncadd.s32 $0xFFFFC000  }
0x39: {  	[tilespmem:s15], [sflag:$0x1] =	stream.indirect.gather [hbm4b:s4+s14], $0x80, s24, s14, $0xb8;
	[tilespmem:$0x1E800] =	vst v63  }
0x3a: {  	_ =	swait.ge [sflag:s18], $0x4000  }
.Ltmp0:
0x3b: {  	[sflag:s18] =	ssyncset.done $0x0;
	(pc) =	sbr.rel @p0 .LBB2_2-.Ltmp0, $4  }
0x3c: {  	s23 =	sadd.s32 $0x1480, s23;
	[sflag:s18] =	ssyncadd.s32 $0xFFFFC000  }
0x3d: {  	[spmem:s2] =	stream.indirect.scatter.add.f32 [tilespmem:s16], [sflag:$0x3], $0x80, s23, s14, $0xb8;
	[tilespmem:$0x1E800] =	vst v63  }
0x3e: {  	_ =	swait.ge [sflag:s12], $0x4000  }
0x3f: {  	s24 =	smov.u32 s28;
	s23 =	sshra.s32 s26, $0x2;
	[sflag:s12] =	ssyncset.done $0x0  }
0x40: {  	s24 =	sadd.s32 $0x80, s23;
	[sflag:s12] =	ssyncadd.s32 $0xFFFFC000  }
0x41: {  	[tilespmem:s16], [sflag:$0x2] =	stream.indirect.gather [hbm4b:s4+s14], $0x80, s24, s14, $0xb8;
	[tilespmem:$0x1E800] =	vst v63  }
0x42: {  	_ =	swait.ge [sflag:s17], $0x4000  }
0x43: {  	[sflag:s17] =	ssyncset.done $0x0  }
0x44: {  	s29 =	sadd.s32 $0x1400, s23;
	[sflag:s17] =	ssyncadd.s32 $0xFFFFC000  }
0x45: {  	[spmem:s2] =	stream.indirect.scatter.add.f32 [tilespmem:s15], [sflag:$0x3], $0x80, s29, s14, $0xb8;
	[tilespmem:$0x1E800] =	vst v63  }
0x46: {  	_ =	swait.ge [sflag:s12], $0x4000  }
0x47: {  	[sflag:s12] =	ssyncset.done $0x0  }
0x48: {  	s30 =	sadd.s32 $0x100, s23;
	[sflag:s12] =	ssyncadd.s32 $0xFFFFC000  }
0x49: {  	[tilespmem:s15], [sflag:$0x1] =	stream.indirect.gather [hbm4b:s4+s14], $0x80, s30, s14, $0xb8;
	[tilespmem:$0x1E800] =	vst v63  }
0x4a: {  	_ =	swait.ge [sflag:s18], $0x4000  }
0x4b: {  	[sflag:s18] =	ssyncset.done $0x0  }
0x4c: {  	s31 =	sadd.s32 $0x1480, s23;
	[sflag:s18] =	ssyncadd.s32 $0xFFFFC000  }
0x4d: {  	[spmem:s2] =	stream.indirect.scatter.add.f32 [tilespmem:s16], [sflag:$0x3], $0x80, s31, s14, $0xb8;
	[tilespmem:$0x1E800] =	vst v63  }
0x4e: {  	_ =	swait.ge [sflag:s12], $0x4000  }
0x4f: {  	[sflag:s12] =	ssyncset.done $0x0  }
0x50: {  	[sflag:s12] =	ssyncadd.s32 $0xFFFFC000  }
0x51: {  	[tilespmem:s16], [sflag:$0x2] =	stream.indirect.gather [hbm4b:s4+s14], $0x80, s19, s14, $0xb8;
	[tilespmem:$0x1E800] =	vst v63  }
0x52: {  	_ =	swait.ge [sflag:s17], $0x4000  }
0x53: {  	[sflag:s17] =	ssyncset.done $0x0  }
0x54: {  	[sflag:s17] =	ssyncadd.s32 $0xFFFFC000  }
0x55: {  	[spmem:s2] =	stream.indirect.scatter.add.f32 [tilespmem:s15], [sflag:$0x3], $0x80, s20, s14, $0xb8;
	[tilespmem:$0x1E800] =	vst v63  }
0x56: {  	_ =	swait.ge [sflag:s12], $0x4000  }
0x57: {  	[sflag:s12] =	ssyncset.done $0x0  }
0x58: {  	[sflag:s12] =	ssyncadd.s32 $0xFFFFC000  }
0x59: {  	_ =	swait.ge [sflag:s18], $0x4000  }
0x5a: {  	[sflag:s18] =	ssyncset.done $0x0  }
0x5b: {  	[sflag:s18] =	ssyncadd.s32 $0xFFFFC000  }
0x5c: {  	[spmem:s2] =	stream.indirect.scatter.add.f32 [tilespmem:s16], [sflag:$0x3], $0x80, s21, s14, $0xb8;
	[tilespmem:$0x1E800] =	vst v63  }
0x5d: {  	_ =	swait.ge [sflag:s12], $0x4000  }
0x5e: {  	s22 =	sadd.s32 $0x1, s22;
	[sflag:s12] =	ssyncset.done $0x0  }
0x5f: {  	p0 =	sne.s32 s22, s10;
	[sflag:s12] =	ssyncadd.s32 $0xFFFFC000  }
.Ltmp1:
0x60: {  	[bflag:$0x0] =	sbarrier.arrive $0xFFFF;
	(pc) =	sbr.rel @p0 .LBB2_1-.Ltmp1, $4  }
0x61: {  	[hbm:s9], [sflag:s6] =	dma.local [spmem:s11], $0x2800  }
0x62: {  	_ =	swait.ge [sflag:s12], $0x2800  }
0x63: {  	[sflag:s12] =	ssyncset.done $0x0  }
0x64: {  	[sflag:s12] =	ssyncadd.s32 $0xFFFFD800  }
0x65: {  	_ =	sfence.sel $0x180000  }
0x66: {  	[bflag:$0x0] =	sbarrier.arrive $0xFFFF  }
0x67: {  	p0 =	sne.s32 s0, $0x0;
	_ =	strace $0x90000059  }
0x68: {  	s0 =	sadd.s32 @!p0 $0x100000, s1;
	[bflag:$0x2] =	sbarrier.arrive $0xFFFF  }
0x69: {  	[sflag:s0] =	ssyncadd.tile.s32 @!p0 $0x1;
	_ =	shalt  }
.Lfunc_end2:
_tile_overlayer_lowered:
.L_overlay_start_2:
0x6a: {  	(tag) =	ssettag $0x2  }
0x6b: {  	s0 =	rddreg [dreg:$0x0];
	s2 =	stileid.u32  }
0x6c: {  	s1 =	rddreg [dreg:$0x1];
	p0 =	sne.s32 s2, $0x0  }
0x6d: {  	s3 =	rddreg [dreg:$0x2];
	[bflag:$0x3] =	sbarrier.arrive $0xFFFF;
	s2 =	simm.s32 @!p0 $0x1C03  }
0x6e: {  	[timem:s3], [sflag:s2] =	dma.local @!p0 [hbm:s0], s1  }
0x6f: {  	s0 =	simm.s32 @!p0 $0x3  }
0x70: {  	_ =	swait.ge @!p0 [sflag:s0], s1  }
0x71: {  	s1 =	ssub.s32 @!p0 $0x0, s1;
	[sflag:s0] =	ssyncset.done @!p0 $0x0  }
0x72: {  	[sflag:s0] =	ssyncadd.s32 @!p0 s1  }
0x73: {  	[bflag:$0x3] =	sbarrier.arrive $0xFFFF  }
0x74: {  	_ =	shalt  }

// kernel: kernel.26.cloned.1.call-start
scs
__scs_entry_jumppad:
0x0: {  	(pc) =	sbr.rel $0x88, $3  }
0x1: {  	(tag) =	ssettag $0x0;
	lr =	simm.s32 $0x1  }
0x2: {  	[smem:$0x3F99] =	sst lr;
	_ =	strace $0xD0000000  }
0x3: {  	_ = 	snop  }
0x4: {  	_ = 	snop  }
0x5: {  	_ = 	snop  }
0x6: {  	_ = 	snop  }
0x7: {  	_ = 	snop  }
__scs_overlays_trampoline_lowered:
0x8: {  	[smem:$0x3FA8] =	sst s0  }
0x9: {  	[smem:$0x3FA9] =	sst s1  }
0xa: {  	[smem:$0x3FAA] =	sst s2  }
0xb: {  	[smem:$0x3FAB] =	sst s3  }
0xc: {  	[smem:$0x3FAC] =	sst s4  }
0xd: {  	[smem:$0x3FAD] =	sst s5  }
0xe: {  	[smem:$0x3FAE] =	sst s6  }
0xf: {  	[smem:$0x3FAF] =	sst s7  }
0x10: {  	[smem:$0x3FB0] =	sst s8  }
0x11: {  	[smem:$0x3FB1] =	sst s9;
	s0 =	simm.s32 @!p0 $0x0  }
0x12: {  	s1 =	sld [smem:$0x3F97];
	s0 =	simm.s32 @p0 $0x1  }
0x13: {  	[smem:$0x3FB2] =	sst s0;
	s0 =	simm.s32 @!p1 $0x0  }
0x14: {  	s2 =	sld [smem:$0x3F96];
	s0 =	simm.s32 @p1 $0x1  }
0x15: {  	[smem:$0x3FB3] =	sst s0;
	s0 =	simm.s32 @!p2 $0x0  }
0x16: {  	s3 =	sld [smem:$0x3FDB];
	s0 =	simm.s32 @p2 $0x1  }
0x17: {  	s4 =	simm.s32 $0x1BF5;
	[smem:$0x3FB5] =	sst s0  }
0x18: {  	s0 =	sld [smem:$0x3F98];
	_ =	swait.ge [sflag:s4], $0x0  }
0x19: {  	s7 =	sld [smem:$0x3F99]  }
0x1a: {  	s8 =	sadd.s32 $0xFFFFE003, lr  }
0x1b: {  	s9 =	sadd.s32 $0xFFFFFEF7, lr;
	s5 =	simm.s32 $0xFFFFFFFF;
	p2 =	slt.u32 s8, $0xFFFFF086  }
0x1c: {  	p1 =	slt.u32 s9, $0xF7A;
	s5 =	simm.s32 @!p2 $0x0  }
0x1d: {  	s5 =	simm.s32 @p1 $0x1;
	p0 =	seq.s32 s7, s2  }
0x1e: {  	s7 =	smul.u32 @!p0 $0xF7A, s2;
	p2 =	seq.s32 @!p0 s5, $0x0  }
0x1f: {  	s9 =	smul.u32 $0xF7A, s1;
	s8 =	simm.s32 @!p0 $0x1BF5;
	p2 =	por !p2, p0  }
0x20: {  	[sflag:s8] =	ssyncset.s32 @!p0 $0xFFFFF086;
	s6 =	sadd.s32 @!p0 s3, s7;
	s7 =	simm.s32 @!p0 $0x108  }
0x21: {  	s3 =	sadd.s32 s3, s9;
	s6 =	sadd.s32 @!p0 $0x88, s6;
	s7 =	simm.s32 @p2 $0x1082  }
0x22: {  	[simem:s7], [sflag:s8] =	dma.local @!p0 [hbm:s6], $0xF7A  }
0x23: {  	s9 =	sor.u32 $0xD0000000, s2;
	s6 =	simm.s32 $0x108;
	_ =	swait.ge @!p0 [sflag:s8], $0x0  }
0x24: {  	s3 =	sadd.s32 $0x88, s3;
	s6 =	simm.s32 @!p1 $0x1082;
	[sflag:s4] =	ssyncset.s32 $0xFFFFF086  }
0x25: {  	[simem:s6], [sflag:s4] =	dma.local [hbm:s3], $0xF7A  }
0x26: {  	[smem:$0x3F99] =	sst s1;
	(tag) =	ssettag s2;
	_ =	strace s9  }
0x27: {  	s1 =	sld [smem:$0x3FA9]  }
0x28: {  	s2 =	sld [smem:$0x3FAA]  }
0x29: {  	s4 =	sld [smem:$0x3FAC]  }
0x2a: {  	p0 =	seq.s32 s5, $0x0;
	s5 =	sld [smem:$0x3FAD]  }
0x2b: {  	s6 =	sld [smem:$0x3FAE]  }
0x2c: {  	s7 =	sld [smem:$0x3FAF]  }
0x2d: {  	s3 =	simm.s32 $0x108;
	s8 =	sld [smem:$0x3FB0]  }
0x2e: {  	s3 =	simm.s32 @!p0 $0x1082;
	s9 =	sld [smem:$0x3FB1]  }
0x2f: {  	lr =	sadd.s32 s0, s3;
	s0 =	sld [smem:$0x3FA8]  }
0x30: {  	s3 =	sld [smem:$0x3FAB]  }
0x31: {  	[smem:$0x3FB4] =	sst s10  }
0x32: {  	s10 =	sld [smem:$0x3FB2];
	_ =	sdelay $0x3  }
0x33: {  	p0 =	seq.s32 s10, $0x1;
	s10 =	sld [smem:$0x3FB4];
	_ =	sdelay $0x3  }
0x34: {  	[smem:$0x3FB4] =	sst s10  }
0x35: {  	s10 =	sld [smem:$0x3FB3];
	_ =	sdelay $0x3  }
0x36: {  	p1 =	seq.s32 s10, $0x1;
	s10 =	sld [smem:$0x3FB4];
	_ =	sdelay $0x3  }
0x37: {  	[smem:$0x3FB4] =	sst s10  }
0x38: {  	s10 =	sld [smem:$0x3FB5]  }
0x39: {  	_ = 	snop;
	(pc) =	sbr.ind lr, $3  }
0x3a: {  	_ = 	snop  }
0x3b: {  	_ = 	snop  }
0x3c: {  	p2 =	seq.s32 s10, $0x1;
	s10 =	sld [smem:$0x3FB4]  }
0x3d: {  	_ =	shalt  }
0x3e: {  	_ =	shalt  }
0x3f: {  	_ =	shalt  }
0x40: {  	_ =	shalt  }
0x41: {  	_ =	shalt  }
0x42: {  	_ =	shalt  }
0x43: {  	_ =	shalt  }
0x44: {  	_ =	shalt  }
0x45: {  	_ =	shalt  }
0x46: {  	_ =	shalt  }
0x47: {  	_ =	shalt  }
0x48: {  	_ =	shalt  }
0x49: {  	_ =	shalt  }
0x4a: {  	_ =	shalt  }
0x4b: {  	_ =	shalt  }
0x4c: {  	_ =	shalt  }
0x4d: {  	_ =	shalt  }
0x4e: {  	_ =	shalt  }
0x4f: {  	_ =	shalt  }
0x50: {  	_ =	shalt  }
0x51: {  	_ =	shalt  }
0x52: {  	_ =	shalt  }
0x53: {  	_ =	shalt  }
0x54: {  	_ =	shalt  }
0x55: {  	_ =	shalt  }
0x56: {  	_ =	shalt  }
0x57: {  	_ =	shalt  }
0x58: {  	_ =	shalt  }
0x59: {  	_ =	shalt  }
0x5a: {  	_ =	shalt  }
0x5b: {  	_ =	shalt  }
0x5c: {  	_ =	shalt  }
0x5d: {  	_ =	shalt  }
0x5e: {  	_ =	shalt  }
0x5f: {  	_ =	shalt  }
0x60: {  	_ =	shalt  }
0x61: {  	_ =	shalt  }
0x62: {  	_ =	shalt  }
0x63: {  	_ =	shalt  }
0x64: {  	_ =	shalt  }
0x65: {  	_ =	shalt  }
0x66: {  	_ =	shalt  }
0x67: {  	_ =	shalt  }
0x68: {  	_ =	shalt  }
0x69: {  	_ =	shalt  }
0x6a: {  	_ =	shalt  }
0x6b: {  	_ =	shalt  }
0x6c: {  	_ =	shalt  }
0x6d: {  	_ =	shalt  }
0x6e: {  	_ =	shalt  }
0x6f: {  	_ =	shalt  }
0x70: {  	_ =	shalt  }
0x71: {  	_ =	shalt  }
0x72: {  	_ =	shalt  }
0x73: {  	_ =	shalt  }
0x74: {  	_ =	shalt  }
0x75: {  	_ =	shalt  }
0x76: {  	_ =	shalt  }
0x77: {  	_ =	shalt  }
0x78: {  	_ =	shalt  }
0x79: {  	_ =	shalt  }
0x7a: {  	_ =	shalt  }
0x7b: {  	_ =	shalt  }
0x7c: {  	_ =	shalt  }
0x7d: {  	_ =	shalt  }
0x7e: {  	_ =	shalt  }
0x7f: {  	_ =	shalt  }
0x80: {  	_ =	shalt  }
0x81: {  	_ =	shalt  }
0x82: {  	_ =	shalt  }
0x83: {  	_ =	shalt  }
0x84: {  	_ =	shalt  }
0x85: {  	_ =	shalt  }
0x86: {  	_ =	shalt  }
0x87: {  	_ =	shalt  }
.Lfunc_end0:
.L_simem_size_0:
called_computation.5_lowered:
.L_overlay_start_0:
0x88: {  	s2 =	sld [smem:$0x3FD9]  }
0x89: {  	s3 =	sld [smem:$0x3FFE];
	_ =	sdelay $0x1  }
0x8a: {  	s1 =	srdreg.scid  }
0x8b: {  	s0 =	sand.u32 $0x1, s1  }
0x8c: {  	s17 =	sshll.u32 s0, $0xA;
	s2 =	sadd.s32 s3, s2  }
0x8d: {  	s2 =	sadd.s32 s2, s17  }
0x8e: {  	[smem:$0x3FC0] =	sst s2  }
0x8f: {  	_ = 	snop  }
0x90: {  	(tm) =	ssettm $0x1  }
0x91: {  	s18 =	sld [smem:$0x3FFB];
	_ =	sdelay $0x3  }
0x92: {  	_ =	strace s18  }
0x93: {  	s2 =	sld [smem:$0x3FFC];
	_ =	sdelay $0x3  }
0x94: {  	_ =	strace s2  }
0x95: {  	s2 =	sld [smem:$0x3FFD];
	_ =	sdelay $0x3  }
0x96: {  	_ =	strace s2  }
0x97: {  	_ =	strace $0x8FFFFFFF  }
0x98: {  	s19 =	sld [smem:$0x3FDB];
	_ =	sdelay $0x1  }
0x99: {  	s20 =	simm.s32 $_scs_section_size  }
0x9a: {  	s4 =	simm.s32 $_size__tile_overlayer_lowered;
	s5 =	simm.s32 $_tile_overlayer_lowered  }
0x9b: {  	s6 =	simm.s32 $0x1BFF;
	s21 =	sshll.u32 s5, $0x1;
	s3 =	sadd.s32 s20, s19  }
0x9c: {  	s22 =	simm.s32 $0x0;
	s4 =	sshll.u32 s4, $0x1;
	s5 =	sadd.s32 s21, s3  }
0x9d: {  	[timem:s22], [sflag:s6] =	dma.local [hbm:s5], s4  }
0x9e: {  	_ =	swait.ge [sflag:s6], s4  }
0x9f: {  	s4 =	ssub.s32 $0x0, s4;
	[sflag:s6] =	ssyncset.done $0x0  }
0xa0: {  	[sflag:s6] =	ssyncadd.s32 s4;
	_ =	sdelay $0x1  }
0xa1: {  	s23 =	simm.s32 $0x1B8B  }
0xa2: {  	_ =	swait.ge [sflag:s23], $0x1  }
0xa3: {  	[sflag:s23] =	ssyncset.done $0x0  }
0xa4: {  	[sflag:s23] =	ssyncadd.s32 $0xFFFFFFFF  }
0xa5: {  	s4 =	sld [smem:$0x0]  }
0xa6: {  	s5 =	sand.u32 $0xFFFFFFFE, s1  }
0xa7: {  	p0 =	sne.s32 s1, s5  }
0xa8: {  	s5 =	sshll.u32 @p0 s5, $0xE  }
0xa9: {  	s5 =	sadd.s32 @p0 $0x11B8D, s5;
	s6 =	sshll.u32 @p0 s4, $0x11  }
0xaa: {  	s5 =	sor.u32 @p0 s6, s5  }
0xab: {  	[sflag:s5] =	ssyncadd.remote.s32 @p0 $0x1;
	_ =	sdelay $0x1  }
0xac: {  	s5 =	simm.s32 @p0 $0x1B8D  }
0xad: {  	_ =	swait.eq @p0 [sflag:s5], $0x1  }
0xae: {  	[sflag:s5] =	ssyncadd.s32 @p0 $0xFFFFFFFF  }
0xaf: {  	s6 =	sshll.u32 @!p0 s1, $0xE  }
0xb0: {  	s6 =	sor.u32 @!p0 $0x4000, s6;
	s5 =	simm.s32 @!p0 $0x1B8D  }
0xb1: {  	s4 =	sshll.u32 @!p0 s4, $0x11;
	s6 =	sadd.s32 @!p0 $0x11B8D, s6;
	_ =	swait.eq @!p0 [sflag:s5], $0x1  }
0xb2: {  	s4 =	sor.u32 @!p0 s4, s6;
	[sflag:s5] =	ssyncadd.s32 @!p0 $0xFFFFFFFF  }
0xb3: {  	s25 =	simm.s32 $0x1B8E;
	s24 =	sld [smem:$0x3FFE];
	[sflag:s4] =	ssyncadd.remote.s32 @!p0 $0x1  }
0xb4: {  	s26 =	simm.s32 $execute0_lowered;
	[smem:$0x3FD2] =	sst s25  }
0xb5: {  	s5 =	sshll.u32 s26, $0x1;
	_ =	strace $0x80000055;
	[dreg:$0x1] =	wrdreg $0xFFFFFFFF  }
0xb6: {  	s28 =	simm.s32 $_size_execute0_lowered;
	s3 =	sadd.s32 s3, s5;
	[dreg:$0x0] =	wrdreg $0x0  }
0xb7: {  	s5 =	sshll.u32 s28, $0x1;
	[dreg:$0x2] =	wrdreg s3  }
0xb8: {  	[dreg:$0x3] =	wrdreg s5  }
0xb9: {  	[dreg:$0x4] =	wrdreg $0xC0  }
0xba: {  	_ =	task [dreg:s22], $0x5FFFF  }
0xbb: {  	[dreg:$0x1] =	wrdreg $0xFFFFFFFF  }
0xbc: {  	[dreg:$0x0] =	wrdreg $0x60  }
0xbd: {  	[dreg:$0x2] =	wrdreg s24  }
0xbe: {  	[dreg:$0x3] =	wrdreg $0xA8000  }
0xbf: {  	[dreg:$0x4] =	wrdreg $0xB  }
0xc0: {  	_ =	task.clear_ibuf [dreg:s22], $0x5FFFF;
	_ =	strace $0x90000055  }
0xc1: {  	s29 =	simm.s32 $0xB;
	_ =	strace $0x80000057  }
0xc2: {  	_ =	swait.ge [sflag:s29], $0x1  }
0xc3: {  	[sflag:s29] =	ssyncadd.s32 $0xFFFFFFFF  }
0xc4: {  	_ =	strace $0x90000057  }
0xc5: {  	_ =	sfence  }
0xc6: {  	s30 =	sld [smem:$0x0];
	_ =	sdelay $0x2  }
0xc7: {  	s31 =	sshll.u32 s1, $0xD;
	s1 =	sshrl.u32 s1, $0x2  }
0xc8: {  	s4 =	sand.u32 $0x4000, s31;
	s1 =	sadd.s32 s1, s30  }
0xc9: {  	s0 =	sor.u32 s4, s0;
	s1 =	sshll.u32 s1, $0x11  }
0xca: {  	s0 =	sor.u32 s1, s0  }
0xcb: {  	s0 =	sadd.s32 $0x8F2B, s0  }
0xcc: {  	[sflag:s0] =	ssyncadd.remote.s32 $0x1  }
0xcd: {  	_ =	sfence.sel $0xFFFF  }
0xce: {  	[dreg:$0x0] =	wrdreg $0xFFFFFFFF;
	(pc) =	sbr.abs _section_cstart, $3  }
0xcf: {  	[dreg:$0x1] =	wrdreg $0xFFFFFFFF  }
0xd0: {  	_ =	task.clear_ibuf [dreg:s22], $0x2FFFF;
	_ =	strace $0x9FFFFFFF  }
0xd1: {  	(tm) =	ssettm $0x7FFFFFFF  }
tec
execute0_lowered:
.L_overlay_start_1:
0x0: {  	(tag) =	ssettag $0x1  }
0x1: {  	s1 =	srdreg.scid;
	s6 =	rddreg [dreg:$0x0]  }
0x2: {  	s0 =	stileid.u32;
	s2 =	rddreg [dreg:$0x1];
	s3 =	simm.s32 $0x0  }
0x3: {  	s14 =	simm.s32 $0x80;
	s15 =	simm.s32 $0x2800;
	s16 =	simm.s32 $0x6800  }
0x4: {  	s17 =	simm.s32 $0x1;
	s18 =	simm.s32 $0x2;
	s19 =	simm.s32 $0x1380  }
0x5: {  	s20 =	simm.s32 $0x2700;
	s21 =	simm.s32 $0x2780;
	s22 =	simm.s32 $0x0  }
0x6: {  	s5 =	sand.u32 $0x1, s1;
	s24 =	sshll.u32 s0, $0x1;
	s9 =	smul.u32 $0x14000, s0  }
0x7: {  	[smem:$0x7FF] =	sst s3;
	s4 =	sadd.s32 $0x125E00, s6;
	s28 =	smul.u32 $0x50000, s0  }
0x8: {  	s31 =	sshll.u32 s0, $0x6;
	s1 =	sor.u32 s5, s24;
	s8 =	smul.u32 $0x140000, s5  }
0x9: {  	s26 =	ssub.s32 $0x2, s5;
	s5 =	sadd.s32 $0x5B600, s6;
	s7 =	smul.u32 $0x280, s1  }
0xa: {  	s1 =	rddreg [dreg:$0x2];
	_ =	strace $0x80000056;
	s29 =	sshrl.u32 s26, $0x1  }
0xb: {  	s30 =	sshrl.u32 s28, $0x2;
	s25 =	sadd.s32 s9, s8;
	s12 =	ssub.s32 s26, s29  }
0xc: {  	s13 =	sadd.s32 s30, s2;
	s10 =	sadd.s32 s7, s6;
	s7 =	sshrl.u32 s25, $0x3  }
0xd: {  	s11 =	sadd.s32 s7, s6;
	s6 =	sor.u32 $0x1C03, s31;
	s7 =	sadd.s32 $0x56600, s10  }
0xe: {  	s8 =	sadd.s32 $0x51600, s10;
	s10 =	smax.u32 s12, $0x1;
	s12 =	simm.s32 $0x3  }
0xf: {  	s9 =	sadd.s32 $0x215E00, s11;
	s11 =	sshrl.u32 s13, $0x3;
	s13 =	simm.s32 $0x1400  }
.LBB2_1:
0x10: {  	[spmem:s11], [sflag:s6] =	dma.local [hbm:s5], $0x2800  }
0x11: {  	_ =	swait.ge [sflag:s12], $0x2800  }
0x12: {  	[sflag:s12] =	ssyncset.done $0x0  }
0x13: {  	[sflag:s12] =	ssyncadd.s32 $0xFFFFD800  }
0x14: {  	[tilespmem:s3], [sflag:$0x3] =	stream.linear.gather [hbm4b:s7+s3], $0x1400, $0x38;
	[tilespmem:$0x1E800] =	vst v63  }
0x15: {  	_ =	swait.ge [sflag:s12], $0x1400  }
0x16: {  	[sflag:s12] =	ssyncset.done $0x0  }
0x17: {  	[sflag:s12] =	ssyncadd.s32 $0xFFFFEC00  }
0x18: {  	[tilespmem:s13], [sflag:$0x3] =	stream.linear.gather [hbm4b:s8+s3], $0x1400, $0x38;
	[tilespmem:$0x1E800] =	vst v63  }
0x19: {  	_ =	swait.ge [sflag:s12], $0x1400  }
0x1a: {  	[sflag:s12] =	ssyncset.done $0x0  }
0x1b: {  	[sflag:s12] =	ssyncadd.s32 $0xFFFFEC00  }
0x1c: {  	[bflag:$0x0] =	sbarrier.arrive $0xFFFF  }
0x1d: {  	[tilespmem:s15], [sflag:$0x1] =	stream.indirect.gather [hbm4b:s4+s14], $0x80, s3, s14, $0xb8;
	[tilespmem:$0x1E800] =	vst v63  }
0x1e: {  	s23 =	simm.s32 $0x80  }
0x1f: {  	[tilespmem:s16], [sflag:$0x2] =	stream.indirect.gather [hbm4b:s4+s14], $0x80, s23, s14, $0xb8;
	[tilespmem:$0x1E800] =	vst v63  }
0x20: {  	_ =	swait.ge [sflag:s17], $0x4000  }
0x21: {  	[sflag:s17] =	ssyncset.done $0x0  }
0x22: {  	s29 =	simm.s32 $0x1400;
	[sflag:s17] =	ssyncadd.s32 $0xFFFFC000  }
0x23: {  	[spmem:s2] =	stream.indirect.scatter.add.f32 [tilespmem:s15], [sflag:$0x3], $0x80, s29, s14, $0xb8;
	[tilespmem:$0x1E800] =	vst v63  }
0x24: {  	_ =	swait.ge [sflag:s12], $0x4000  }
0x25: {  	[sflag:s12] =	ssyncset.done $0x0  }
0x26: {  	s30 =	simm.s32 $0x100;
	[sflag:s12] =	ssyncadd.s32 $0xFFFFC000  }
0x27: {  	[tilespmem:s15], [sflag:$0x1] =	stream.indirect.gather [hbm4b:s4+s14], $0x80, s30, s14, $0xb8;
	[tilespmem:$0x1E800] =	vst v63  }
0x28: {  	_ =	swait.ge [sflag:s18], $0x4000  }
0x29: {  	[sflag:s18] =	ssyncset.done $0x0  }
0x2a: {  	s31 =	simm.s32 $0x1480;
	[sflag:s18] =	ssyncadd.s32 $0xFFFFC000  }
0x2b: {  	[spmem:s2] =	stream.indirect.scatter.add.f32 [tilespmem:s16], [sflag:$0x3], $0x80, s31, s14, $0xb8;
	[tilespmem:$0x1E800] =	vst v63  }
0x2c: {  	_ =	swait.ge [sflag:s12], $0x4000  }
0x2d: {  	s24 =	simm.s32 $0x800;
	s23 =	simm.s32 $0x100;
	[sflag:s12] =	ssyncset.done $0x0  }
.LBB2_2:
0x2e: {  	s25 =	sadd.s32 $0x80, s23  }
0x2f: {  	[sflag:s12] =	ssyncadd.s32 $0xFFFFC000;
	s26 =	smov.u32 s24;
	s28 =	sadd.s32 $0x400, s24  }
0x30: {  	[tilespmem:s16], [sflag:$0x2] =	stream.indirect.gather [hbm4b:s4+s14], $0x80, s25, s14, $0xb8;
	[tilespmem:$0x1E800] =	vst v63  }
0x31: {  	p0 =	sne.s32 s24, $0x4800;
	_ =	swait.ge [sflag:s17], $0x4000  }
0x32: {  	[sflag:s17] =	ssyncset.done $0x0  }
0x33: {  	s24 =	sadd.s32 $0x1400, s23;
	[sflag:s17] =	ssyncadd.s32 $0xFFFFC000  }
0x34: {  	[spmem:s2] =	stream.indirect.scatter.add.f32 [tilespmem:s15], [sflag:$0x3], $0x80, s24, s14, $0xb8;
	[tilespmem:$0x1E800] =	vst v63  }
0x35: {  	_ =	swait.ge [sflag:s12], $0x4000  }
0x36: {  	[sflag:s12] =	ssyncset.done $0x0  }
0x37: {  	s24 =	sadd.s32 $0x100, s23;
	[sflag:s12] =	ssyncadd.s32 $0xFFFFC000  }
0x38: {  	[tilespmem:s15], [sflag:$0x1] =	stream.indirect.gather [hbm4b:s4+s14], $0x80, s24, s14, $0xb8;
	[tilespmem:$0x1E800] =	vst v63  }
0x39: {  	_ =	swait.ge [sflag:s18], $0x4000  }
.Ltmp0:
0x3a: {  	[sflag:s18] =	ssyncset.done $0x0;
	(pc) =	sbr.rel @p0 .LBB2_2-.Ltmp0, $4  }
0x3b: {  	s23 =	sadd.s32 $0x1480, s23;
	[sflag:s18] =	ssyncadd.s32 $0xFFFFC000  }
0x3c: {  	[spmem:s2] =	stream.indirect.scatter.add.f32 [tilespmem:s16], [sflag:$0x3], $0x80, s23, s14, $0xb8;
	[tilespmem:$0x1E800] =	vst v63  }
0x3d: {  	_ =	swait.ge [sflag:s12], $0x4000  }
0x3e: {  	s24 =	smov.u32 s28;
	s23 =	sshra.s32 s26, $0x2;
	[sflag:s12] =	ssyncset.done $0x0  }
0x3f: {  	s24 =	sadd.s32 $0x80, s23;
	[sflag:s12] =	ssyncadd.s32 $0xFFFFC000  }
0x40: {  	[tilespmem:s16], [sflag:$0x2] =	stream.indirect.gather [hbm4b:s4+s14], $0x80, s24, s14, $0xb8;
	[tilespmem:$0x1E800] =	vst v63  }
0x41: {  	_ =	swait.ge [sflag:s17], $0x4000  }
0x42: {  	[sflag:s17] =	ssyncset.done $0x0  }
0x43: {  	s29 =	sadd.s32 $0x1400, s23;
	[sflag:s17] =	ssyncadd.s32 $0xFFFFC000  }
0x44: {  	[spmem:s2] =	stream.indirect.scatter.add.f32 [tilespmem:s15], [sflag:$0x3], $0x80, s29, s14, $0xb8;
	[tilespmem:$0x1E800] =	vst v63  }
0x45: {  	_ =	swait.ge [sflag:s12], $0x4000  }
0x46: {  	[sflag:s12] =	ssyncset.done $0x0  }
0x47: {  	s30 =	sadd.s32 $0x100, s23;
	[sflag:s12] =	ssyncadd.s32 $0xFFFFC000  }
0x48: {  	[tilespmem:s15], [sflag:$0x1] =	stream.indirect.gather [hbm4b:s4+s14], $0x80, s30, s14, $0xb8;
	[tilespmem:$0x1E800] =	vst v63  }
0x49: {  	_ =	swait.ge [sflag:s18], $0x4000  }
0x4a: {  	[sflag:s18] =	ssyncset.done $0x0  }
0x4b: {  	s31 =	sadd.s32 $0x1480, s23;
	[sflag:s18] =	ssyncadd.s32 $0xFFFFC000  }
0x4c: {  	[spmem:s2] =	stream.indirect.scatter.add.f32 [tilespmem:s16], [sflag:$0x3], $0x80, s31, s14, $0xb8;
	[tilespmem:$0x1E800] =	vst v63  }
0x4d: {  	_ =	swait.ge [sflag:s12], $0x4000  }
0x4e: {  	[sflag:s12] =	ssyncset.done $0x0  }
0x4f: {  	[sflag:s12] =	ssyncadd.s32 $0xFFFFC000  }
0x50: {  	[tilespmem:s16], [sflag:$0x2] =	stream.indirect.gather [hbm4b:s4+s14], $0x80, s19, s14, $0xb8;
	[tilespmem:$0x1E800] =	vst v63  }
0x51: {  	_ =	swait.ge [sflag:s17], $0x4000  }
0x52: {  	[sflag:s17] =	ssyncset.done $0x0  }
0x53: {  	[sflag:s17] =	ssyncadd.s32 $0xFFFFC000  }
0x54: {  	[spmem:s2] =	stream.indirect.scatter.add.f32 [tilespmem:s15], [sflag:$0x3], $0x80, s20, s14, $0xb8;
	[tilespmem:$0x1E800] =	vst v63  }
0x55: {  	_ =	swait.ge [sflag:s12], $0x4000  }
0x56: {  	[sflag:s12] =	ssyncset.done $0x0  }
0x57: {  	[sflag:s12] =	ssyncadd.s32 $0xFFFFC000  }
0x58: {  	_ =	swait.ge [sflag:s18], $0x4000  }
0x59: {  	[sflag:s18] =	ssyncset.done $0x0  }
0x5a: {  	[sflag:s18] =	ssyncadd.s32 $0xFFFFC000  }
0x5b: {  	[spmem:s2] =	stream.indirect.scatter.add.f32 [tilespmem:s16], [sflag:$0x3], $0x80, s21, s14, $0xb8;
	[tilespmem:$0x1E800] =	vst v63  }
0x5c: {  	_ =	swait.ge [sflag:s12], $0x4000  }
0x5d: {  	s22 =	sadd.s32 $0x1, s22;
	[sflag:s12] =	ssyncset.done $0x0  }
0x5e: {  	p0 =	sne.s32 s22, s10;
	[sflag:s12] =	ssyncadd.s32 $0xFFFFC000  }
.Ltmp1:
0x5f: {  	[bflag:$0x0] =	sbarrier.arrive $0xFFFF;
	(pc) =	sbr.rel @p0 .LBB2_1-.Ltmp1, $4  }
0x60: {  	[hbm:s9], [sflag:s6] =	dma.local [spmem:s11], $0x2800  }
0x61: {  	_ =	swait.ge [sflag:s12], $0x2800  }
0x62: {  	[sflag:s12] =	ssyncset.done $0x0  }
0x63: {  	[sflag:s12] =	ssyncadd.s32 $0xFFFFD800  }
0x64: {  	_ =	sfence.sel $0x180000  }
0x65: {  	[bflag:$0x0] =	sbarrier.arrive $0xFFFF  }
0x66: {  	p0 =	sne.s32 s0, $0x0;
	_ =	strace $0x90000056  }
0x67: {  	s0 =	sadd.s32 @!p0 $0x100000, s1;
	[bflag:$0x2] =	sbarrier.arrive $0xFFFF  }
0x68: {  	[sflag:s0] =	ssyncadd.tile.s32 @!p0 $0x1;
	_ =	shalt  }
.Lfunc_end2:
_tile_overlayer_lowered:
.L_overlay_start_2:
0x69: {  	(tag) =	ssettag $0x2  }
0x6a: {  	s0 =	rddreg [dreg:$0x0];
	s2 =	stileid.u32  }
0x6b: {  	s1 =	rddreg [dreg:$0x1];
	p0 =	sne.s32 s2, $0x0  }
0x6c: {  	s3 =	rddreg [dreg:$0x2];
	[bflag:$0x3] =	sbarrier.arrive $0xFFFF;
	s2 =	simm.s32 @!p0 $0x1C03  }
0x6d: {  	[timem:s3], [sflag:s2] =	dma.local @!p0 [hbm:s0], s1  }
0x6e: {  	s0 =	simm.s32 @!p0 $0x3  }
0x6f: {  	_ =	swait.ge @!p0 [sflag:s0], s1  }
0x70: {  	s1 =	ssub.s32 @!p0 $0x0, s1;
	[sflag:s0] =	ssyncset.done @!p0 $0x0  }
0x71: {  	[sflag:s0] =	ssyncadd.s32 @!p0 s1  }
0x72: {  	[bflag:$0x3] =	sbarrier.arrive $0xFFFF  }
0x73: {  	_ =	shalt  }

// kernel: kernel.29.cloned.1.call-start
scs
__scs_entry_jumppad:
0x0: {  	(pc) =	sbr.rel $0x88, $3  }
0x1: {  	(tag) =	ssettag $0x0;
	lr =	simm.s32 $0x1  }
0x2: {  	[smem:$0x3F99] =	sst lr;
	_ =	strace $0xD0000000  }
0x3: {  	_ = 	snop  }
0x4: {  	_ = 	snop  }
0x5: {  	_ = 	snop  }
0x6: {  	_ = 	snop  }
0x7: {  	_ = 	snop  }
__scs_overlays_trampoline_lowered:
0x8: {  	[smem:$0x3FA8] =	sst s0  }
0x9: {  	[smem:$0x3FA9] =	sst s1  }
0xa: {  	[smem:$0x3FAA] =	sst s2  }
0xb: {  	[smem:$0x3FAB] =	sst s3  }
0xc: {  	[smem:$0x3FAC] =	sst s4  }
0xd: {  	[smem:$0x3FAD] =	sst s5  }
0xe: {  	[smem:$0x3FAE] =	sst s6  }
0xf: {  	[smem:$0x3FAF] =	sst s7  }
0x10: {  	[smem:$0x3FB0] =	sst s8  }
0x11: {  	[smem:$0x3FB1] =	sst s9;
	s0 =	simm.s32 @!p0 $0x0  }
0x12: {  	s1 =	sld [smem:$0x3F97];
	s0 =	simm.s32 @p0 $0x1  }
0x13: {  	[smem:$0x3FB2] =	sst s0;
	s0 =	simm.s32 @!p1 $0x0  }
0x14: {  	s2 =	sld [smem:$0x3F96];
	s0 =	simm.s32 @p1 $0x1  }
0x15: {  	[smem:$0x3FB3] =	sst s0;
	s0 =	simm.s32 @!p2 $0x0  }
0x16: {  	s3 =	sld [smem:$0x3FDB];
	s0 =	simm.s32 @p2 $0x1  }
0x17: {  	s4 =	simm.s32 $0x1BF5;
	[smem:$0x3FB5] =	sst s0  }
0x18: {  	s0 =	sld [smem:$0x3F98];
	_ =	swait.ge [sflag:s4], $0x0  }
0x19: {  	s7 =	sld [smem:$0x3F99]  }
0x1a: {  	s8 =	sadd.s32 $0xFFFFE003, lr  }
0x1b: {  	s9 =	sadd.s32 $0xFFFFFEF7, lr;
	s5 =	simm.s32 $0xFFFFFFFF;
	p2 =	slt.u32 s8, $0xFFFFF086  }
0x1c: {  	p1 =	slt.u32 s9, $0xF7A;
	s5 =	simm.s32 @!p2 $0x0  }
0x1d: {  	s5 =	simm.s32 @p1 $0x1;
	p0 =	seq.s32 s7, s2  }
0x1e: {  	s7 =	smul.u32 @!p0 $0xF7A, s2;
	p2 =	seq.s32 @!p0 s5, $0x0  }
0x1f: {  	s9 =	smul.u32 $0xF7A, s1;
	s8 =	simm.s32 @!p0 $0x1BF5;
	p2 =	por !p2, p0  }
0x20: {  	[sflag:s8] =	ssyncset.s32 @!p0 $0xFFFFF086;
	s6 =	sadd.s32 @!p0 s3, s7;
	s7 =	simm.s32 @!p0 $0x108  }
0x21: {  	s3 =	sadd.s32 s3, s9;
	s6 =	sadd.s32 @!p0 $0x88, s6;
	s7 =	simm.s32 @p2 $0x1082  }
0x22: {  	[simem:s7], [sflag:s8] =	dma.local @!p0 [hbm:s6], $0xF7A  }
0x23: {  	s9 =	sor.u32 $0xD0000000, s2;
	s6 =	simm.s32 $0x108;
	_ =	swait.ge @!p0 [sflag:s8], $0x0  }
0x24: {  	s3 =	sadd.s32 $0x88, s3;
	s6 =	simm.s32 @!p1 $0x1082;
	[sflag:s4] =	ssyncset.s32 $0xFFFFF086  }
0x25: {  	[simem:s6], [sflag:s4] =	dma.local [hbm:s3], $0xF7A  }
0x26: {  	[smem:$0x3F99] =	sst s1;
	(tag) =	ssettag s2;
	_ =	strace s9  }
0x27: {  	s1 =	sld [smem:$0x3FA9]  }
0x28: {  	s2 =	sld [smem:$0x3FAA]  }
0x29: {  	s4 =	sld [smem:$0x3FAC]  }
0x2a: {  	p0 =	seq.s32 s5, $0x0;
	s5 =	sld [smem:$0x3FAD]  }
0x2b: {  	s6 =	sld [smem:$0x3FAE]  }
0x2c: {  	s7 =	sld [smem:$0x3FAF]  }
0x2d: {  	s3 =	simm.s32 $0x108;
	s8 =	sld [smem:$0x3FB0]  }
0x2e: {  	s3 =	simm.s32 @!p0 $0x1082;
	s9 =	sld [smem:$0x3FB1]  }
0x2f: {  	lr =	sadd.s32 s0, s3;
	s0 =	sld [smem:$0x3FA8]  }
0x30: {  	s3 =	sld [smem:$0x3FAB]  }
0x31: {  	[smem:$0x3FB4] =	sst s10  }
0x32: {  	s10 =	sld [smem:$0x3FB2];
	_ =	sdelay $0x3  }
0x33: {  	p0 =	seq.s32 s10, $0x1;
	s10 =	sld [smem:$0x3FB4];
	_ =	sdelay $0x3  }
0x34: {  	[smem:$0x3FB4] =	sst s10  }
0x35: {  	s10 =	sld [smem:$0x3FB3];
	_ =	sdelay $0x3  }
0x36: {  	p1 =	seq.s32 s10, $0x1;
	s10 =	sld [smem:$0x3FB4];
	_ =	sdelay $0x3  }
0x37: {  	[smem:$0x3FB4] =	sst s10  }
0x38: {  	s10 =	sld [smem:$0x3FB5]  }
0x39: {  	_ = 	snop;
	(pc) =	sbr.ind lr, $3  }
0x3a: {  	_ = 	snop  }
0x3b: {  	_ = 	snop  }
0x3c: {  	p2 =	seq.s32 s10, $0x1;
	s10 =	sld [smem:$0x3FB4]  }
0x3d: {  	_ =	shalt  }
0x3e: {  	_ =	shalt  }
0x3f: {  	_ =	shalt  }
0x40: {  	_ =	shalt  }
0x41: {  	_ =	shalt  }
0x42: {  	_ =	shalt  }
0x43: {  	_ =	shalt  }
0x44: {  	_ =	shalt  }
0x45: {  	_ =	shalt  }
0x46: {  	_ =	shalt  }
0x47: {  	_ =	shalt  }
0x48: {  	_ =	shalt  }
0x49: {  	_ =	shalt  }
0x4a: {  	_ =	shalt  }
0x4b: {  	_ =	shalt  }
0x4c: {  	_ =	shalt  }
0x4d: {  	_ =	shalt  }
0x4e: {  	_ =	shalt  }
0x4f: {  	_ =	shalt  }
0x50: {  	_ =	shalt  }
0x51: {  	_ =	shalt  }
0x52: {  	_ =	shalt  }
0x53: {  	_ =	shalt  }
0x54: {  	_ =	shalt  }
0x55: {  	_ =	shalt  }
0x56: {  	_ =	shalt  }
0x57: {  	_ =	shalt  }
0x58: {  	_ =	shalt  }
0x59: {  	_ =	shalt  }
0x5a: {  	_ =	shalt  }
0x5b: {  	_ =	shalt  }
0x5c: {  	_ =	shalt  }
0x5d: {  	_ =	shalt  }
0x5e: {  	_ =	shalt  }
0x5f: {  	_ =	shalt  }
0x60: {  	_ =	shalt  }
0x61: {  	_ =	shalt  }
0x62: {  	_ =	shalt  }
0x63: {  	_ =	shalt  }
0x64: {  	_ =	shalt  }
0x65: {  	_ =	shalt  }
0x66: {  	_ =	shalt  }
0x67: {  	_ =	shalt  }
0x68: {  	_ =	shalt  }
0x69: {  	_ =	shalt  }
0x6a: {  	_ =	shalt  }
0x6b: {  	_ =	shalt  }
0x6c: {  	_ =	shalt  }
0x6d: {  	_ =	shalt  }
0x6e: {  	_ =	shalt  }
0x6f: {  	_ =	shalt  }
0x70: {  	_ =	shalt  }
0x71: {  	_ =	shalt  }
0x72: {  	_ =	shalt  }
0x73: {  	_ =	shalt  }
0x74: {  	_ =	shalt  }
0x75: {  	_ =	shalt  }
0x76: {  	_ =	shalt  }
0x77: {  	_ =	shalt  }
0x78: {  	_ =	shalt  }
0x79: {  	_ =	shalt  }
0x7a: {  	_ =	shalt  }
0x7b: {  	_ =	shalt  }
0x7c: {  	_ =	shalt  }
0x7d: {  	_ =	shalt  }
0x7e: {  	_ =	shalt  }
0x7f: {  	_ =	shalt  }
0x80: {  	_ =	shalt  }
0x81: {  	_ =	shalt  }
0x82: {  	_ =	shalt  }
0x83: {  	_ =	shalt  }
0x84: {  	_ =	shalt  }
0x85: {  	_ =	shalt  }
0x86: {  	_ =	shalt  }
0x87: {  	_ =	shalt  }
.Lfunc_end0:
.L_simem_size_0:
called_computation.6_lowered:
.L_overlay_start_0:
0x88: {  	s2 =	sld [smem:$0x3FD9]  }
0x89: {  	s3 =	sld [smem:$0x3FFE];
	_ =	sdelay $0x1  }
0x8a: {  	s1 =	srdreg.scid  }
0x8b: {  	s0 =	sand.u32 $0x1, s1  }
0x8c: {  	s17 =	sshll.u32 s0, $0xA;
	s2 =	sadd.s32 s3, s2  }
0x8d: {  	s2 =	sadd.s32 s2, s17  }
0x8e: {  	[smem:$0x3FC0] =	sst s2  }
0x8f: {  	_ = 	snop  }
0x90: {  	(tm) =	ssettm $0x1  }
0x91: {  	s18 =	sld [smem:$0x3FFB];
	_ =	sdelay $0x3  }
0x92: {  	_ =	strace s18  }
0x93: {  	s2 =	sld [smem:$0x3FFC];
	_ =	sdelay $0x3  }
0x94: {  	_ =	strace s2  }
0x95: {  	s2 =	sld [smem:$0x3FFD];
	_ =	sdelay $0x3  }
0x96: {  	_ =	strace s2  }
0x97: {  	_ =	strace $0x8FFFFFFF  }
0x98: {  	s19 =	sld [smem:$0x3FDB];
	_ =	sdelay $0x1  }
0x99: {  	s20 =	simm.s32 $_scs_section_size  }
0x9a: {  	s4 =	simm.s32 $_size__tile_overlayer_lowered;
	s5 =	simm.s32 $_tile_overlayer_lowered  }
0x9b: {  	s6 =	simm.s32 $0x1BFF;
	s21 =	sshll.u32 s5, $0x1;
	s3 =	sadd.s32 s20, s19  }
0x9c: {  	s22 =	simm.s32 $0x0;
	s4 =	sshll.u32 s4, $0x1;
	s5 =	sadd.s32 s21, s3  }
0x9d: {  	[timem:s22], [sflag:s6] =	dma.local [hbm:s5], s4  }
0x9e: {  	_ =	swait.ge [sflag:s6], s4  }
0x9f: {  	s4 =	ssub.s32 $0x0, s4;
	[sflag:s6] =	ssyncset.done $0x0  }
0xa0: {  	[sflag:s6] =	ssyncadd.s32 s4;
	_ =	sdelay $0x1  }
0xa1: {  	s23 =	simm.s32 $0x1B8B  }
0xa2: {  	_ =	swait.ge [sflag:s23], $0x1  }
0xa3: {  	[sflag:s23] =	ssyncset.done $0x0  }
0xa4: {  	[sflag:s23] =	ssyncadd.s32 $0xFFFFFFFF  }
0xa5: {  	s4 =	sld [smem:$0x0]  }
0xa6: {  	s5 =	sand.u32 $0xFFFFFFFE, s1  }
0xa7: {  	p0 =	sne.s32 s1, s5  }
0xa8: {  	s5 =	sshll.u32 @p0 s5, $0xE  }
0xa9: {  	s5 =	sadd.s32 @p0 $0x11B8D, s5;
	s6 =	sshll.u32 @p0 s4, $0x11  }
0xaa: {  	s5 =	sor.u32 @p0 s6, s5  }
0xab: {  	[sflag:s5] =	ssyncadd.remote.s32 @p0 $0x1;
	_ =	sdelay $0x1  }
0xac: {  	s5 =	simm.s32 @p0 $0x1B8D  }
0xad: {  	_ =	swait.eq @p0 [sflag:s5], $0x1  }
0xae: {  	[sflag:s5] =	ssyncadd.s32 @p0 $0xFFFFFFFF  }
0xaf: {  	s6 =	sshll.u32 @!p0 s1, $0xE  }
0xb0: {  	s6 =	sor.u32 @!p0 $0x4000, s6;
	s5 =	simm.s32 @!p0 $0x1B8D  }
0xb1: {  	s4 =	sshll.u32 @!p0 s4, $0x11;
	s6 =	sadd.s32 @!p0 $0x11B8D, s6;
	_ =	swait.eq @!p0 [sflag:s5], $0x1  }
0xb2: {  	s4 =	sor.u32 @!p0 s4, s6;
	[sflag:s5] =	ssyncadd.s32 @!p0 $0xFFFFFFFF  }
0xb3: {  	s25 =	simm.s32 $0x1B8E;
	s24 =	sld [smem:$0x3FFE];
	[sflag:s4] =	ssyncadd.remote.s32 @!p0 $0x1  }
0xb4: {  	s26 =	simm.s32 $execute0_lowered;
	[smem:$0x3FD2] =	sst s25  }
0xb5: {  	s5 =	sshll.u32 s26, $0x1;
	_ =	strace $0x80000052;
	[dreg:$0x1] =	wrdreg $0xFFFFFFFF  }
0xb6: {  	s28 =	simm.s32 $_size_execute0_lowered;
	s3 =	sadd.s32 s3, s5;
	[dreg:$0x0] =	wrdreg $0x0  }
0xb7: {  	s5 =	sshll.u32 s28, $0x1;
	[dreg:$0x2] =	wrdreg s3  }
0xb8: {  	[dreg:$0x3] =	wrdreg s5  }
0xb9: {  	[dreg:$0x4] =	wrdreg $0xC0  }
0xba: {  	_ =	task [dreg:s22], $0x5FFFF  }
0xbb: {  	[dreg:$0x1] =	wrdreg $0xFFFFFFFF  }
0xbc: {  	[dreg:$0x0] =	wrdreg $0x60  }
0xbd: {  	[dreg:$0x2] =	wrdreg s24  }
0xbe: {  	[dreg:$0x3] =	wrdreg $0xA8000  }
0xbf: {  	[dreg:$0x4] =	wrdreg $0xC  }
0xc0: {  	_ =	task.clear_ibuf [dreg:s22], $0x5FFFF;
	_ =	strace $0x90000052  }
0xc1: {  	s29 =	simm.s32 $0xC;
	_ =	strace $0x80000054  }
0xc2: {  	_ =	swait.ge [sflag:s29], $0x1  }
0xc3: {  	[sflag:s29] =	ssyncadd.s32 $0xFFFFFFFF  }
0xc4: {  	_ =	strace $0x90000054  }
0xc5: {  	_ =	sfence  }
0xc6: {  	s30 =	sld [smem:$0x0];
	_ =	sdelay $0x2  }
0xc7: {  	s31 =	sshll.u32 s1, $0xD;
	s1 =	sshrl.u32 s1, $0x2  }
0xc8: {  	s4 =	sand.u32 $0x4000, s31;
	s1 =	sadd.s32 s1, s30  }
0xc9: {  	s0 =	sor.u32 s4, s0;
	s1 =	sshll.u32 s1, $0x11  }
0xca: {  	s0 =	sor.u32 s1, s0  }
0xcb: {  	s0 =	sadd.s32 $0x8F2B, s0  }
0xcc: {  	[sflag:s0] =	ssyncadd.remote.s32 $0x1  }
0xcd: {  	_ =	sfence.sel $0xFFFF  }
0xce: {  	[dreg:$0x0] =	wrdreg $0xFFFFFFFF;
	(pc) =	sbr.abs _section_cstart, $3  }
0xcf: {  	[dreg:$0x1] =	wrdreg $0xFFFFFFFF  }
0xd0: {  	_ =	task.clear_ibuf [dreg:s22], $0x2FFFF;
	_ =	strace $0x9FFFFFFF  }
0xd1: {  	(tm) =	ssettm $0x7FFFFFFF  }
tec
execute0_lowered:
.L_overlay_start_1:
0x0: {  	(tag) =	ssettag $0x1  }
0x1: {  	s1 =	srdreg.scid;
	s6 =	rddreg [dreg:$0x0]  }
0x2: {  	s0 =	stileid.u32;
	s2 =	rddreg [dreg:$0x1];
	s3 =	simm.s32 $0x0  }
0x3: {  	s14 =	simm.s32 $0x80;
	s15 =	simm.s32 $0x2800;
	s16 =	simm.s32 $0x6800  }
0x4: {  	s17 =	simm.s32 $0x1;
	s18 =	simm.s32 $0x2;
	s19 =	simm.s32 $0x1380  }
0x5: {  	s20 =	simm.s32 $0x2700;
	s21 =	simm.s32 $0x2780;
	s22 =	simm.s32 $0x0  }
0x6: {  	s5 =	sand.u32 $0x1, s1;
	s24 =	sshll.u32 s0, $0x1;
	s9 =	smul.u32 $0x14000, s0  }
0x7: {  	[smem:$0x7FF] =	sst s3;
	s4 =	sadd.s32 $0xFDE00, s6;
	s28 =	smul.u32 $0x50000, s0  }
0x8: {  	s31 =	sshll.u32 s0, $0x6;
	s1 =	sor.u32 s5, s24;
	s8 =	smul.u32 $0x140000, s5  }
0x9: {  	s26 =	ssub.s32 $0x2, s5;
	s5 =	sadd.s32 $0x5B600, s6;
	s7 =	smul.u32 $0x280, s1  }
0xa: {  	s1 =	rddreg [dreg:$0x2];
	_ =	strace $0x80000053;
	s29 =	sshrl.u32 s26, $0x1  }
0xb: {  	s30 =	sshrl.u32 s28, $0x2;
	s25 =	sadd.s32 s9, s8;
	s12 =	ssub.s32 s26, s29  }
0xc: {  	s13 =	sadd.s32 s30, s2;
	s10 =	sadd.s32 s7, s6;
	s7 =	sshrl.u32 s25, $0x3  }
0xd: {  	s11 =	sadd.s32 s7, s6;
	s6 =	sor.u32 $0x1C03, s31;
	s7 =	sadd.s32 $0x56600, s10  }
0xe: {  	s8 =	sadd.s32 $0x51600, s10;
	s10 =	smax.u32 s12, $0x1;
	s12 =	simm.s32 $0x3  }
0xf: {  	s9 =	sadd.s32 $0x1C5E00, s11;
	s11 =	sshrl.u32 s13, $0x3;
	s13 =	simm.s32 $0x1400  }
.LBB2_1:
0x10: {  	[spmem:s11], [sflag:s6] =	dma.local [hbm:s5], $0x2800  }
0x11: {  	_ =	swait.ge [sflag:s12], $0x2800  }
0x12: {  	[sflag:s12] =	ssyncset.done $0x0  }
0x13: {  	[sflag:s12] =	ssyncadd.s32 $0xFFFFD800  }
0x14: {  	[tilespmem:s3], [sflag:$0x3] =	stream.linear.gather [hbm4b:s7+s3], $0x1400, $0x38;
	[tilespmem:$0x1E800] =	vst v63  }
0x15: {  	_ =	swait.ge [sflag:s12], $0x1400  }
0x16: {  	[sflag:s12] =	ssyncset.done $0x0  }
0x17: {  	[sflag:s12] =	ssyncadd.s32 $0xFFFFEC00  }
0x18: {  	[tilespmem:s13], [sflag:$0x3] =	stream.linear.gather [hbm4b:s8+s3], $0x1400, $0x38;
	[tilespmem:$0x1E800] =	vst v63  }
0x19: {  	_ =	swait.ge [sflag:s12], $0x1400  }
0x1a: {  	[sflag:s12] =	ssyncset.done $0x0  }
0x1b: {  	[sflag:s12] =	ssyncadd.s32 $0xFFFFEC00  }
0x1c: {  	[bflag:$0x0] =	sbarrier.arrive $0xFFFF  }
0x1d: {  	[tilespmem:s15], [sflag:$0x1] =	stream.indirect.gather [hbm4b:s4+s14], $0x80, s3, s14, $0xb8;
	[tilespmem:$0x1E800] =	vst v63  }
0x1e: {  	s23 =	simm.s32 $0x80  }
0x1f: {  	[tilespmem:s16], [sflag:$0x2] =	stream.indirect.gather [hbm4b:s4+s14], $0x80, s23, s14, $0xb8;
	[tilespmem:$0x1E800] =	vst v63  }
0x20: {  	_ =	swait.ge [sflag:s17], $0x4000  }
0x21: {  	[sflag:s17] =	ssyncset.done $0x0  }
0x22: {  	s29 =	simm.s32 $0x1400;
	[sflag:s17] =	ssyncadd.s32 $0xFFFFC000  }
0x23: {  	[spmem:s2] =	stream.indirect.scatter.add.f32 [tilespmem:s15], [sflag:$0x3], $0x80, s29, s14, $0xb8;
	[tilespmem:$0x1E800] =	vst v63  }
0x24: {  	_ =	swait.ge [sflag:s12], $0x4000  }
0x25: {  	[sflag:s12] =	ssyncset.done $0x0  }
0x26: {  	s30 =	simm.s32 $0x100;
	[sflag:s12] =	ssyncadd.s32 $0xFFFFC000  }
0x27: {  	[tilespmem:s15], [sflag:$0x1] =	stream.indirect.gather [hbm4b:s4+s14], $0x80, s30, s14, $0xb8;
	[tilespmem:$0x1E800] =	vst v63  }
0x28: {  	_ =	swait.ge [sflag:s18], $0x4000  }
0x29: {  	[sflag:s18] =	ssyncset.done $0x0  }
0x2a: {  	s31 =	simm.s32 $0x1480;
	[sflag:s18] =	ssyncadd.s32 $0xFFFFC000  }
0x2b: {  	[spmem:s2] =	stream.indirect.scatter.add.f32 [tilespmem:s16], [sflag:$0x3], $0x80, s31, s14, $0xb8;
	[tilespmem:$0x1E800] =	vst v63  }
0x2c: {  	_ =	swait.ge [sflag:s12], $0x4000  }
0x2d: {  	s24 =	simm.s32 $0x800;
	s23 =	simm.s32 $0x100;
	[sflag:s12] =	ssyncset.done $0x0  }
.LBB2_2:
0x2e: {  	s25 =	sadd.s32 $0x80, s23  }
0x2f: {  	[sflag:s12] =	ssyncadd.s32 $0xFFFFC000;
	s26 =	smov.u32 s24;
	s28 =	sadd.s32 $0x400, s24  }
0x30: {  	[tilespmem:s16], [sflag:$0x2] =	stream.indirect.gather [hbm4b:s4+s14], $0x80, s25, s14, $0xb8;
	[tilespmem:$0x1E800] =	vst v63  }
0x31: {  	p0 =	sne.s32 s24, $0x4800;
	_ =	swait.ge [sflag:s17], $0x4000  }
0x32: {  	[sflag:s17] =	ssyncset.done $0x0  }
0x33: {  	s24 =	sadd.s32 $0x1400, s23;
	[sflag:s17] =	ssyncadd.s32 $0xFFFFC000  }
0x34: {  	[spmem:s2] =	stream.indirect.scatter.add.f32 [tilespmem:s15], [sflag:$0x3], $0x80, s24, s14, $0xb8;
	[tilespmem:$0x1E800] =	vst v63  }
0x35: {  	_ =	swait.ge [sflag:s12], $0x4000  }
0x36: {  	[sflag:s12] =	ssyncset.done $0x0  }
0x37: {  	s24 =	sadd.s32 $0x100, s23;
	[sflag:s12] =	ssyncadd.s32 $0xFFFFC000  }
0x38: {  	[tilespmem:s15], [sflag:$0x1] =	stream.indirect.gather [hbm4b:s4+s14], $0x80, s24, s14, $0xb8;
	[tilespmem:$0x1E800] =	vst v63  }
0x39: {  	_ =	swait.ge [sflag:s18], $0x4000  }
.Ltmp0:
0x3a: {  	[sflag:s18] =	ssyncset.done $0x0;
	(pc) =	sbr.rel @p0 .LBB2_2-.Ltmp0, $4  }
0x3b: {  	s23 =	sadd.s32 $0x1480, s23;
	[sflag:s18] =	ssyncadd.s32 $0xFFFFC000  }
0x3c: {  	[spmem:s2] =	stream.indirect.scatter.add.f32 [tilespmem:s16], [sflag:$0x3], $0x80, s23, s14, $0xb8;
	[tilespmem:$0x1E800] =	vst v63  }
0x3d: {  	_ =	swait.ge [sflag:s12], $0x4000  }
0x3e: {  	s24 =	smov.u32 s28;
	s23 =	sshra.s32 s26, $0x2;
	[sflag:s12] =	ssyncset.done $0x0  }
0x3f: {  	s24 =	sadd.s32 $0x80, s23;
	[sflag:s12] =	ssyncadd.s32 $0xFFFFC000  }
0x40: {  	[tilespmem:s16], [sflag:$0x2] =	stream.indirect.gather [hbm4b:s4+s14], $0x80, s24, s14, $0xb8;
	[tilespmem:$0x1E800] =	vst v63  }
0x41: {  	_ =	swait.ge [sflag:s17], $0x4000  }
0x42: {  	[sflag:s17] =	ssyncset.done $0x0  }
0x43: {  	s29 =	sadd.s32 $0x1400, s23;
	[sflag:s17] =	ssyncadd.s32 $0xFFFFC000  }
0x44: {  	[spmem:s2] =	stream.indirect.scatter.add.f32 [tilespmem:s15], [sflag:$0x3], $0x80, s29, s14, $0xb8;
	[tilespmem:$0x1E800] =	vst v63  }
0x45: {  	_ =	swait.ge [sflag:s12], $0x4000  }
0x46: {  	[sflag:s12] =	ssyncset.done $0x0  }
0x47: {  	s30 =	sadd.s32 $0x100, s23;
	[sflag:s12] =	ssyncadd.s32 $0xFFFFC000  }
0x48: {  	[tilespmem:s15], [sflag:$0x1] =	stream.indirect.gather [hbm4b:s4+s14], $0x80, s30, s14, $0xb8;
	[tilespmem:$0x1E800] =	vst v63  }
0x49: {  	_ =	swait.ge [sflag:s18], $0x4000  }
0x4a: {  	[sflag:s18] =	ssyncset.done $0x0  }
0x4b: {  	s31 =	sadd.s32 $0x1480, s23;
	[sflag:s18] =	ssyncadd.s32 $0xFFFFC000  }
0x4c: {  	[spmem:s2] =	stream.indirect.scatter.add.f32 [tilespmem:s16], [sflag:$0x3], $0x80, s31, s14, $0xb8;
	[tilespmem:$0x1E800] =	vst v63  }
0x4d: {  	_ =	swait.ge [sflag:s12], $0x4000  }
0x4e: {  	[sflag:s12] =	ssyncset.done $0x0  }
0x4f: {  	[sflag:s12] =	ssyncadd.s32 $0xFFFFC000  }
0x50: {  	[tilespmem:s16], [sflag:$0x2] =	stream.indirect.gather [hbm4b:s4+s14], $0x80, s19, s14, $0xb8;
	[tilespmem:$0x1E800] =	vst v63  }
0x51: {  	_ =	swait.ge [sflag:s17], $0x4000  }
0x52: {  	[sflag:s17] =	ssyncset.done $0x0  }
0x53: {  	[sflag:s17] =	ssyncadd.s32 $0xFFFFC000  }
0x54: {  	[spmem:s2] =	stream.indirect.scatter.add.f32 [tilespmem:s15], [sflag:$0x3], $0x80, s20, s14, $0xb8;
	[tilespmem:$0x1E800] =	vst v63  }
0x55: {  	_ =	swait.ge [sflag:s12], $0x4000  }
0x56: {  	[sflag:s12] =	ssyncset.done $0x0  }
0x57: {  	[sflag:s12] =	ssyncadd.s32 $0xFFFFC000  }
0x58: {  	_ =	swait.ge [sflag:s18], $0x4000  }
0x59: {  	[sflag:s18] =	ssyncset.done $0x0  }
0x5a: {  	[sflag:s18] =	ssyncadd.s32 $0xFFFFC000  }
0x5b: {  	[spmem:s2] =	stream.indirect.scatter.add.f32 [tilespmem:s16], [sflag:$0x3], $0x80, s21, s14, $0xb8;
	[tilespmem:$0x1E800] =	vst v63  }
0x5c: {  	_ =	swait.ge [sflag:s12], $0x4000  }
0x5d: {  	s22 =	sadd.s32 $0x1, s22;
	[sflag:s12] =	ssyncset.done $0x0  }
0x5e: {  	p0 =	sne.s32 s22, s10;
	[sflag:s12] =	ssyncadd.s32 $0xFFFFC000  }
.Ltmp1:
0x5f: {  	[bflag:$0x0] =	sbarrier.arrive $0xFFFF;
	(pc) =	sbr.rel @p0 .LBB2_1-.Ltmp1, $4  }
0x60: {  	[hbm:s9], [sflag:s6] =	dma.local [spmem:s11], $0x2800  }
0x61: {  	_ =	swait.ge [sflag:s12], $0x2800  }
0x62: {  	[sflag:s12] =	ssyncset.done $0x0  }
0x63: {  	[sflag:s12] =	ssyncadd.s32 $0xFFFFD800  }
0x64: {  	_ =	sfence.sel $0x180000  }
0x65: {  	[bflag:$0x0] =	sbarrier.arrive $0xFFFF  }
0x66: {  	p0 =	sne.s32 s0, $0x0;
	_ =	strace $0x90000053  }
0x67: {  	s0 =	sadd.s32 @!p0 $0x100000, s1;
	[bflag:$0x2] =	sbarrier.arrive $0xFFFF  }
0x68: {  	[sflag:s0] =	ssyncadd.tile.s32 @!p0 $0x1;
	_ =	shalt  }
.Lfunc_end2:
_tile_overlayer_lowered:
.L_overlay_start_2:
0x69: {  	(tag) =	ssettag $0x2  }
0x6a: {  	s0 =	rddreg [dreg:$0x0];
	s2 =	stileid.u32  }
0x6b: {  	s1 =	rddreg [dreg:$0x1];
	p0 =	sne.s32 s2, $0x0  }
0x6c: {  	s3 =	rddreg [dreg:$0x2];
	[bflag:$0x3] =	sbarrier.arrive $0xFFFF;
	s2 =	simm.s32 @!p0 $0x1C03  }
0x6d: {  	[timem:s3], [sflag:s2] =	dma.local @!p0 [hbm:s0], s1  }
0x6e: {  	s0 =	simm.s32 @!p0 $0x3  }
0x6f: {  	_ =	swait.ge @!p0 [sflag:s0], s1  }
0x70: {  	s1 =	ssub.s32 @!p0 $0x0, s1;
	[sflag:s0] =	ssyncset.done @!p0 $0x0  }
0x71: {  	[sflag:s0] =	ssyncadd.s32 @!p0 s1  }
0x72: {  	[bflag:$0x3] =	sbarrier.arrive $0xFFFF  }
0x73: {  	_ =	shalt  }

</sc_bundles>
